<compile_context>
chip_gen: v7x
topology: tpu7x:2x2x1
jax: 0.10.2.dev20260603
libtpu: 0.0.44.dev20260713+nightly
codegen_flags: <defaults>
</compile_context>

<pallas_src>
import functools

import jax
import jax.numpy as jnp
from jax import lax
from jax.experimental import pallas as pl
from jax.experimental.pallas import tpu as pltpu
from jax.experimental.pallas import tpu_sc as plsc

Q, K, D = 3136, 8192, 1536
B, H, W = 4, 28, 28
NN = 9

NCHUNK = 2
QC = Q // NCHUNK
NC, NS, L = 2, 16, 16
NWORK = NC * NS
RPW = QC // NWORK
SROW = 56

KT = 1024


def _dist_body(q_ref, m_ref, out_ref):
    q = q_ref[...]
    m = m_ref[...]
    q2 = jnp.sum(q * q, axis=1, keepdims=True)
    m2 = jnp.sum(m * m, axis=1)[None, :]
    dot = lax.dot_general(q, m, (((1,), (1,)), ((), ())),
                          preferred_element_type=jnp.float32)
    out_ref[...] = jnp.maximum(q2 + m2 - 2.0 * dot, 0.0)


def _distances(qf, mb, c):
    return pl.pallas_call(
        _dist_body,
        grid=(K // KT,),
        in_specs=[
            pl.BlockSpec((QC, D), lambda j, c=c: (c, 0)),
            pl.BlockSpec((KT, D), lambda j: (j, 0)),
        ],
        out_specs=pl.BlockSpec((QC, KT), lambda j: (0, j)),
        out_shape=jax.ShapeDtypeStruct((QC, K), jnp.float32),
    )(qf, mb)


def _sqrt_sc(x):
    xi = lax.bitcast_convert_type(x, jnp.int32)
    y = lax.bitcast_convert_type(
        jnp.int32(0x1FBD1DF5) + (xi >> 1), jnp.float32)
    for _ in range(3):
        y = 0.5 * (y + x / y)
    return y


def _score_body(d2_hbm, scores_hbm, wmax_hbm, row_a, row_b, cand_v, sc_v,
                mx_v, sem0, sem1):
    wid = lax.axis_index("s") * NC + lax.axis_index("c")
    base = wid * RPW
    lane = jnp.arange(L, dtype=jnp.int32)
    inf_v = jnp.full((L,), jnp.inf, dtype=jnp.float32)
    bufs = (row_a, row_b)
    sems = (sem0, sem1)

    def fetch(row, b):
        pltpu.async_copy(d2_hbm.at[base + row], bufs[b], sems[b])

    def wait(b):
        pltpu.make_async_copy(d2_hbm.at[base], bufs[b], sems[b]).wait()

    def lane_min(r_ref):
        def p1(i, m):
            return jnp.minimum(m, r_ref[pl.ds(i * (4 * L), L)])
        m = plsc.parallel_loop(0, K // (4 * L), carry=inf_v, unroll=8)(p1)
        ms = jnp.sort(m)
        t = jnp.max(jnp.where(lane == 9, ms, -jnp.inf))
        return jnp.full((L,), t, dtype=jnp.float32)

    def scatter_pass(r_ref, t_v):
        def p2(i, ptr):
            v = r_ref[pl.ds(i * L, L)]
            msk = v <= t_v
            plsc.store_scatter(cand_v, [ptr], v, mask=msk)
            return ptr + jnp.where(msk, jnp.int32(L), jnp.int32(0))
        return plsc.parallel_loop(0, K // L, carry=lane, unroll=16)(p2)

    def process(r_ref, r, wm):
        ptr = scatter_pass(r_ref, lane_min(r_ref))

        maxc = jnp.max((ptr - lane) >> 4)
        def p3(j, best):
            v = cand_v[pl.ds(j * L, L)]
            vm = jnp.where(ptr > lane + j * L, v, jnp.inf)
            vs = jnp.sort(vm)
            low = jnp.minimum(best, lax.rev(vs, (0,)))
            return jnp.sort(low)
        best = lax.fori_loop(0, maxc, p3, inf_v)

        d = _sqrt_sc(best)
        d_m = jnp.where(lane < NN, d, -jnp.inf)
        dmax = jnp.max(d_m)
        s = jnp.where(lane < NN, jnp.exp(d - dmax), 0.0)
        ssum_v = jnp.full((L,), jnp.sum(s), dtype=jnp.float32)
        score_v = jnp.where(lane == 0, (1.0 - s / ssum_v) * d, -jnp.inf)
        plsc.store_scatter(sc_v, [jnp.full((L,), r, jnp.int32)], score_v,
                           mask=lane == 0)
        return jnp.maximum(wm, score_v)

    fetch(0, 0)

    def row_pair(g, wm):
        r0 = 2 * g
        fetch(r0 + 1, 1)
        wait(0)
        wm = process(bufs[0], r0, wm)
        fetch(r0 + 2, 0)
        wait(1)
        return process(bufs[1], r0 + 1, wm)

    wm = lax.fori_loop(0, RPW // 2, row_pair,
                       jnp.full((L,), -jnp.inf, dtype=jnp.float32))
    wait(0)
    wm = process(bufs[0], RPW - 1, wm)
    mx_v[...] = wm
    pltpu.sync_copy(mx_v, wmax_hbm.at[wid])
    pltpu.sync_copy(sc_v, scores_hbm.at[wid])


_score_call = functools.partial(
    pl.kernel,
    out_type=(
        jax.ShapeDtypeStruct((NWORK, SROW), jnp.float32),
        jax.ShapeDtypeStruct((NWORK, L), jnp.float32),
    ),
    mesh=plsc.VectorSubcoreMesh(core_axis_name="c", subcore_axis_name="s",
                                num_cores=NC, num_subcores=NS),
    compiler_params=pltpu.CompilerParams(needs_layout_passes=False),
    scratch_types=(
        pltpu.VMEM((K,), jnp.float32),
        pltpu.VMEM((K,), jnp.float32),
        pltpu.VMEM((K + 2 * L,), jnp.float32),
        pltpu.VMEM((SROW,), jnp.float32),
        pltpu.VMEM((L,), jnp.float32),
        pltpu.SemaphoreType.DMA,
        pltpu.SemaphoreType.DMA,
    ),
)(_score_body)


def kernel(patch_features, memory_bank):
    score_rows = []
    image_maxes = []
    for c in range(NCHUNK):
        d2 = _distances(patch_features, memory_bank, c)
        scores2d, wmax = _score_call(d2)
        score_rows.append(scores2d[:, :RPW].reshape(QC))
        image_maxes.append(jnp.max(wmax.reshape(QC // (H * W), -1), axis=1))
    score_map = jnp.concatenate(score_rows).reshape(B, H, W)
    image_scores = jnp.concatenate(image_maxes)
    return (image_scores, score_map)

# --- scband reference (transcript-rebuilt; emitter-appended) ---
"""Pipeline reference for scband-patch-core-15848429322829 (READ-ONLY COPY).

The authoritative reference and input builder live on the scoring server;
editing this copy changes nothing except your own understanding.
"""

import jax, jax.numpy as jnp
import numpy as np

Q = 3136   # B*H*W = 4*28*28 query patches
K = 8192   # coreset memory bank size
D = 1536   # layer2(512)+layer3(1024) concat feature dim
B, H, W = 4, 28, 28
N_NEIGHBORS = 9


def setup_inputs(seed: int = 0) -> dict:
    key = jax.random.key(seed)
    k1, k2 = jax.random.split(key)
    patch_features = jax.random.normal(k1, (Q, D), dtype=jnp.float32)
    memory_bank = jax.random.normal(k2, (K, D), dtype=jnp.float32)
    return {"patch_features": patch_features, "memory_bank": memory_bank}


def reference(patch_features, memory_bank):
    # Pairwise squared euclidean distances between query patches and memory bank
    q2 = jnp.sum(patch_features * patch_features, axis=1, keepdims=True)   # [Q, 1]
    m2 = jnp.sum(memory_bank * memory_bank, axis=1)[None, :]               # [1, K]
    d2 = q2 + m2 - 2.0 * (patch_features @ memory_bank.T)                  # [Q, K]
    d2 = jnp.maximum(d2, 0.0)
    # k nearest neighbors per query patch (ascending distances)
    neg_top, _idx = jax.lax.top_k(-d2, N_NEIGHBORS)                        # [Q, NN]
    knn_d = jnp.sqrt(jnp.maximum(-neg_top, 0.0))                           # [Q, NN]
    d_star = knn_d[:, 0]                                                   # nearest-neighbor distance
    # PatchCore density reweighting: w = 1 - exp(d*)/sum_j exp(d_j) over NN set
    w = 1.0 - jax.nn.softmax(knn_d, axis=1)[:, 0]
    patch_scores = w * d_star                                              # [Q]
    score_map = patch_scores.reshape(B, H, W)
    image_scores = jnp.max(score_map.reshape(B, -1), axis=1)               # [B]
    return (image_scores, score_map)

if __name__ == "__main__":
    import jax
    _d = setup_inputs()
    print(jax.jit(kernel)(*tuple(_d.values())))

</pallas_src>

<mosaic_0001>
#map = affine_map<(d0, d1) -> (0, 0)>
module attributes {stable_mosaic.version = 14 : i64} {
  func.func @_score_body(%arg0: i32, %arg1: i32, %arg2: memref<1568x8192xf32, #tpu.memory_space<hbm>>, %arg3: memref<32x56xf32, #tpu.memory_space<hbm>>, %arg4: memref<32x16xf32, #tpu.memory_space<hbm>>, %arg5: memref<8192xf32, #tpu.memory_space<vmem>>, %arg6: memref<8192xf32, #tpu.memory_space<vmem>>, %arg7: memref<8224xf32, #tpu.memory_space<vmem>>, %arg8: memref<56xf32, #tpu.memory_space<vmem>>, %arg9: memref<16xf32, #tpu.memory_space<vmem>>, %arg10: memref<!tpu.dma_semaphore, #tpu.memory_space<semaphore_mem>>, %arg11: memref<!tpu.dma_semaphore, #tpu.memory_space<semaphore_mem>>) attributes {dimension_semantics = [#tpu.dimension_semantics<core_parallel>, #tpu.dimension_semantics<subcore_parallel>], iteration_bounds = array<i64: 2, 16>, scalar_prefetch = 0 : i64, scratch_operands = 7 : i64, tpu.core_type = #tpu.core_type<sc_vector_subcore>, window_params = [{transform_indices = #map}, {transform_indices = #map}, {transform_indices = #map}]} {
    %mul3A = arith.constant 2 : i32
    %mul3A_0 = arith.muli %arg1, %mul3A : i32
    %add3A = arith.addi %mul3A_0, %arg0 : i32
    %mul3A_1 = arith.constant 49 : i32
    %mul3A_2 = arith.muli %add3A, %mul3A_1 : i32
    %iota3A = tpu.iota {dimensions = array<i32: 0>} : vector<16xi32>
    %broadcast_in_dim3A = arith.constant 0x7F800000 : f32
    %broadcast_in_dim3A_3 = vector.broadcast %broadcast_in_dim3A : f32 to vector<16xf32>
    %add3A_4 = arith.constant 0 : i32
    %add3A_5 = arith.addi %mul3A_2, %add3A_4 : i32
    %dma_start3A = arith.constant 0 : i32
    %dma_start3A_6 = tpu.memref_slice %arg2[%add3A_5, %dma_start3A] : memref<1568x8192xf32, #tpu.memory_space<hbm>> -> memref<1x8192xf32, #tpu.memory_space<hbm>>
    %dma_start3A_7 = tpu.memref_squeeze %dma_start3A_6 : memref<1x8192xf32, #tpu.memory_space<hbm>> -> memref<8192xf32, #tpu.memory_space<hbm>>
    %dma_start3A_8 = arith.constant 0 : i32
    %dma_start3A_9 = tpu.memref_slice %arg2[%add3A_5, %dma_start3A_8] : memref<1568x8192xf32, #tpu.memory_space<hbm>> -> memref<1x8192xf32, #tpu.memory_space<hbm>>
    %dma_start3A_10 = tpu.memref_squeeze %dma_start3A_9 : memref<1x8192xf32, #tpu.memory_space<hbm>> -> memref<8192xf32, #tpu.memory_space<hbm>>
    tpu.enqueue_dma source(%dma_start3A_10 : memref<8192xf32, #tpu.memory_space<hbm>>) target(%arg5 : memref<8192xf32, #tpu.memory_space<vmem>>) target_semaphore(%arg10 : memref<!tpu.dma_semaphore, #tpu.memory_space<semaphore_mem>>)
    %broadcast_in_dim3A_11 = arith.constant 0xFF800000 : f32
    %broadcast_in_dim3A_12 = vector.broadcast %broadcast_in_dim3A_11 : f32 to vector<16xf32>
    %scan3A = arith.constant 0 : i32
    %scan3A_13 = arith.constant 24 : i32
    %scan3A_14 = arith.addi %scan3A, %scan3A_13 : i32
    %scan3A_15 = arith.constant 1 : i32
    %scan3A_16 = scf.for %scan3A_119 = %scan3A to %scan3A_14 step %scan3A_15 iter_args(%scan3A_120 = %broadcast_in_dim3A_12) -> (vector<16xf32>)  : i32 {
      %mul3A_121 = arith.constant 2 : i32
      %mul3A_122 = arith.muli %mul3A_121, %scan3A_119 : i32
      %add3A_123 = arith.constant 1 : i32
      %add3A_124 = arith.addi %mul3A_122, %add3A_123 : i32
      %add3A_125 = arith.addi %mul3A_2, %add3A_124 : i32
      %dma_start3A_126 = arith.constant 0 : i32
      %dma_start3A_127 = tpu.memref_slice %arg2[%add3A_125, %dma_start3A_126] : memref<1568x8192xf32, #tpu.memory_space<hbm>> -> memref<1x8192xf32, #tpu.memory_space<hbm>>
      %dma_start3A_128 = tpu.memref_squeeze %dma_start3A_127 : memref<1x8192xf32, #tpu.memory_space<hbm>> -> memref<8192xf32, #tpu.memory_space<hbm>>
      %dma_start3A_129 = arith.constant 0 : i32
      %dma_start3A_130 = tpu.memref_slice %arg2[%add3A_125, %dma_start3A_129] : memref<1568x8192xf32, #tpu.memory_space<hbm>> -> memref<1x8192xf32, #tpu.memory_space<hbm>>
      %dma_start3A_131 = tpu.memref_squeeze %dma_start3A_130 : memref<1x8192xf32, #tpu.memory_space<hbm>> -> memref<8192xf32, #tpu.memory_space<hbm>>
      tpu.enqueue_dma source(%dma_start3A_131 : memref<8192xf32, #tpu.memory_space<hbm>>) target(%arg6 : memref<8192xf32, #tpu.memory_space<vmem>>) target_semaphore(%arg11 : memref<!tpu.dma_semaphore, #tpu.memory_space<semaphore_mem>>)
      %dma_wait3A_132 = arith.constant 0 : i32
      %dma_wait3A_133 = tpu.memref_slice %arg2[%mul3A_2, %dma_wait3A_132] : memref<1568x8192xf32, #tpu.memory_space<hbm>> -> memref<1x8192xf32, #tpu.memory_space<hbm>>
      %dma_wait3A_134 = tpu.memref_squeeze %dma_wait3A_133 : memref<1x8192xf32, #tpu.memory_space<hbm>> -> memref<8192xf32, #tpu.memory_space<hbm>>
      %dma_wait3A_135 = arith.constant 0 : i32
      %dma_wait3A_136 = tpu.memref_slice %arg2[%mul3A_2, %dma_wait3A_135] : memref<1568x8192xf32, #tpu.memory_space<hbm>> -> memref<1x8192xf32, #tpu.memory_space<hbm>>
      %dma_wait3A_137 = tpu.memref_squeeze %dma_wait3A_136 : memref<1x8192xf32, #tpu.memory_space<hbm>> -> memref<8192xf32, #tpu.memory_space<hbm>>
      tpu.wait_dma2 semaphore(%arg10 : memref<!tpu.dma_semaphore, #tpu.memory_space<semaphore_mem>>) src(%dma_wait3A_137 : memref<8192xf32, #tpu.memory_space<hbm>>) dst(%arg5 : memref<8192xf32, #tpu.memory_space<vmem>>)
      %parallel_loop3A_138 = arith.constant 0 : i32
      %parallel_loop3A_139 = arith.constant 128 : i32
      %parallel_loop3A_140 = arith.constant 1 : i32
      %parallel_loop3A_141 = scf.for %parallel_loop3A_373 = %parallel_loop3A_138 to %parallel_loop3A_139 step %parallel_loop3A_140 iter_args(%parallel_loop3A_374 = %broadcast_in_dim3A_3) -> (vector<16xf32>)  : i32 {
        %parallel_loop3A_375 = arith.constant 64 : i32
        %parallel_loop3A_376 = arith.muli %parallel_loop3A_373, %parallel_loop3A_375 : i32
        %parallel_loop3A_377 = arith.index_cast %parallel_loop3A_376 : i32 to index
        %parallel_loop3A_378 = tpu.vector_load %arg5[%parallel_loop3A_377] {strides = array<i32>} : memref<8192xf32, #tpu.memory_space<vmem>>, vector<16xf32>,
        %parallel_loop3A_379 = arith.minimumf %parallel_loop3A_374, %parallel_loop3A_378 : vector<16xf32>
        scf.yield %parallel_loop3A_379 : vector<16xf32>
      } {sc.loop_unroll_factor = 8 : i64, sc.parallel_access}
      %sort3A_142 = arith.constant dense<true> : vector<16xi1>
      %sort3A_143, %sort3A_144, %sort3A_145 = tpu.sort %parallel_loop3A_141, %parallel_loop3A_141 masked %sort3A_142 : (vector<16xf32>, vector<16xf32>, vector<16xi1>) -> (vector<16xi1>, vector<16xf32>, vector<16xf32>)
      %eq3A_146 = arith.constant 9 : i32
      %eq3A_147 = vector.broadcast %eq3A_146 : i32 to vector<16xi32>
      %eq3A_148 = arith.cmpi eq, %iota3A, %eq3A_147 : vector<16xi32>
      %jit3A_149 = arith.constant 0xFF800000 : f32
      %broadcast_in_dim3A_150 = vector.broadcast %jit3A_149 : f32 to vector<16xf32>
      %select_n3A_151 = arith.select %eq3A_148, %sort3A_144, %broadcast_in_dim3A_150 : vector<16xi1>, vector<16xf32>
      %reduce_max3A_152 = arith.constant true
      %reduce_max3A_153 = vector.broadcast %reduce_max3A_152 : i1 to vector<16xi1>
      %reduce_max3A_154 = tpu.scan <max>, %select_n3A_151 masked %reduce_max3A_153 : vector<16xf32>, vector<16xi1> -> vector<16xf32>
      %reduce_max3A_155 = vector.extract %reduce_max3A_154[15] : f32 from vector<16xf32>
      %broadcast_in_dim3A_156 = vector.broadcast %reduce_max3A_155 : f32 to vector<16xf32>
      %parallel_loop3A_157 = arith.constant 0 : i32
      %parallel_loop3A_158 = arith.constant 512 : i32
      %parallel_loop3A_159 = arith.constant 1 : i32
      %parallel_loop3A_160 = scf.for %parallel_loop3A_373 = %parallel_loop3A_157 to %parallel_loop3A_158 step %parallel_loop3A_159 iter_args(%parallel_loop3A_374 = %iota3A) -> (vector<16xi32>)  : i32 {
        %parallel_loop3A_375 = arith.constant 16 : i32
        %parallel_loop3A_376 = arith.muli %parallel_loop3A_373, %parallel_loop3A_375 : i32
        %parallel_loop3A_377 = arith.index_cast %parallel_loop3A_376 : i32 to index
        %parallel_loop3A_378 = tpu.vector_load %arg5[%parallel_loop3A_377] {strides = array<i32>} : memref<8192xf32, #tpu.memory_space<vmem>>, vector<16xf32>,
        %parallel_loop3A_379 = arith.cmpf ole, %parallel_loop3A_378, %broadcast_in_dim3A_156 : vector<16xf32>
        tpu.vector_store_idx %arg7[%parallel_loop3A_374], %parallel_loop3A_378 masked %parallel_loop3A_379 : memref<8224xf32, #tpu.memory_space<vmem>>[vector<16xi32>], vector<16xf32>, vector<16xi1>
        %parallel_loop3A_380 = arith.constant 16 : i32
        %parallel_loop3A_381 = arith.constant 0 : i32
        %parallel_loop3A_382 = vector.broadcast %parallel_loop3A_380 : i32 to vector<16xi32>
        %parallel_loop3A_383 = vector.broadcast %parallel_loop3A_381 : i32 to vector<16xi32>
        %parallel_loop3A_384 = arith.select %parallel_loop3A_379, %parallel_loop3A_382, %parallel_loop3A_383 : vector<16xi1>, vector<16xi32>
        %parallel_loop3A_385 = arith.addi %parallel_loop3A_374, %parallel_loop3A_384 : vector<16xi32>
        scf.yield %parallel_loop3A_385 : vector<16xi32>
      } {sc.loop_unroll_factor = 16 : i64, sc.parallel_access}
      %sub3A_161 = arith.subi %parallel_loop3A_160, %iota3A : vector<16xi32>
      %shift_right_arithmetic3A_162 = arith.constant 4 : i32
      %shift_right_arithmetic3A_163 = vector.broadcast %shift_right_arithmetic3A_162 : i32 to vector<16xi32>
      %shift_right_arithmetic3A_164 = arith.shrsi %sub3A_161, %shift_right_arithmetic3A_163 : vector<16xi32>
      %reduce_max3A_165 = arith.constant true
      %reduce_max3A_166 = vector.broadcast %reduce_max3A_165 : i1 to vector<16xi1>
      %reduce_max3A_167 = arith.constant -2147483648 : i32
      %reduce_max3A_168 = vector.broadcast %reduce_max3A_167 : i32 to vector<16xi32>
      %reduce_max3A_169 = arith.xori %shift_right_arithmetic3A_164, %reduce_max3A_168 : vector<16xi32>
      %reduce_max3A_170 = tpu.scan <max>, %reduce_max3A_169 masked %reduce_max3A_166 : vector<16xi32>, vector<16xi1> -> vector<16xi32>
      %reduce_max3A_171 = arith.xori %reduce_max3A_170, %reduce_max3A_168 : vector<16xi32>
      %reduce_max3A_172 = vector.extract %reduce_max3A_171[15] : i32 from vector<16xi32>
      %while3A_173 = arith.constant 0 : i32
      %while3A_174 = arith.subi %reduce_max3A_172, %while3A_173 : i32
      %while3A_175 = arith.addi %while3A_173, %while3A_174 : i32
      %while3A_176 = arith.constant 1 : i32
      %while3A_177 = arith.divsi %while3A_174, %while3A_176 : i32
      %while3A_178 = arith.muli %while3A_177, %while3A_176 : i32
      %while3A_179 = arith.addi %while3A_173, %while3A_178 : i32
      %while3A_180 = arith.constant 1 : i32
      %while3A_181 = scf.for %while3A_373 = %while3A_173 to %while3A_179 step %while3A_180 iter_args(%while3A_374 = %broadcast_in_dim3A_3) -> (vector<16xf32>)  : i32 {
        %mul3A_375 = arith.constant 16 : i32
        %mul3A_376 = arith.muli %while3A_373, %mul3A_375 : i32
        %get3A = arith.index_cast %mul3A_376 : i32 to index
        %get3A_377 = tpu.vector_load %arg7[%get3A] {strides = array<i32>} : memref<8224xf32, #tpu.memory_space<vmem>>, vector<16xf32>,
        %mul3A_378 = arith.constant 16 : i32
        %mul3A_379 = arith.muli %while3A_373, %mul3A_378 : i32
        %add3A_380 = vector.broadcast %mul3A_379 : i32 to vector<16xi32>
        %add3A_381 = arith.addi %iota3A, %add3A_380 : vector<16xi32>
        %gt3A = arith.cmpi sgt, %parallel_loop3A_160, %add3A_381 : vector<16xi32>
        %jit3A_382 = arith.constant 0x7F800000 : f32
        %broadcast_in_dim3A_383 = vector.broadcast %jit3A_382 : f32 to vector<16xf32>
        %select_n3A_384 = arith.select %gt3A, %get3A_377, %broadcast_in_dim3A_383 : vector<16xi1>, vector<16xf32>
        %sort3A_385 = arith.constant dense<true> : vector<16xi1>
        %sort3A_386, %sort3A_387, %sort3A_388 = tpu.sort %select_n3A_384, %select_n3A_384 masked %sort3A_385 : (vector<16xf32>, vector<16xf32>, vector<16xi1>) -> (vector<16xi1>, vector<16xf32>, vector<16xf32>)
        %rev3A = arith.constant 15 : i32
        %rev3A_389 = vector.broadcast %rev3A : i32 to vector<16xi32>
        %rev3A_390 = tpu.iota {dimensions = array<i32: 0>} : vector<16xi32>
        %rev3A_391 = arith.subi %rev3A_389, %rev3A_390 : vector<16xi32>
        %rev3A_392 = tpu.dynamic_gather %sort3A_387[%rev3A_391] in [0] : vector<16xf32>, vector<16xi32> -> vector<16xf32>
        %min3A = arith.minimumf %while3A_374, %rev3A_392 : vector<16xf32>
        %sort3A_393 = arith.constant dense<true> : vector<16xi1>
        %sort3A_394, %sort3A_395, %sort3A_396 = tpu.sort %min3A, %min3A masked %sort3A_393 : (vector<16xf32>, vector<16xf32>, vector<16xi1>) -> (vector<16xi1>, vector<16xf32>, vector<16xf32>)
        scf.yield %sort3A_395 : vector<16xf32>
      }
      %while3A_182 = arith.constant 1 : i32
      %while3A_183 = scf.for %while3A_373 = %while3A_179 to %while3A_175 step %while3A_182 iter_args(%while3A_374 = %while3A_181) -> (vector<16xf32>)  : i32 {
        %mul3A_375 = arith.constant 16 : i32
        %mul3A_376 = arith.muli %while3A_373, %mul3A_375 : i32
        %get3A = arith.index_cast %mul3A_376 : i32 to index
        %get3A_377 = tpu.vector_load %arg7[%get3A] {strides = array<i32>} : memref<8224xf32, #tpu.memory_space<vmem>>, vector<16xf32>,
        %mul3A_378 = arith.constant 16 : i32
        %mul3A_379 = arith.muli %while3A_373, %mul3A_378 : i32
        %add3A_380 = vector.broadcast %mul3A_379 : i32 to vector<16xi32>
        %add3A_381 = arith.addi %iota3A, %add3A_380 : vector<16xi32>
        %gt3A = arith.cmpi sgt, %parallel_loop3A_160, %add3A_381 : vector<16xi32>
        %jit3A_382 = arith.constant 0x7F800000 : f32
        %broadcast_in_dim3A_383 = vector.broadcast %jit3A_382 : f32 to vector<16xf32>
        %select_n3A_384 = arith.select %gt3A, %get3A_377, %broadcast_in_dim3A_383 : vector<16xi1>, vector<16xf32>
        %sort3A_385 = arith.constant dense<true> : vector<16xi1>
        %sort3A_386, %sort3A_387, %sort3A_388 = tpu.sort %select_n3A_384, %select_n3A_384 masked %sort3A_385 : (vector<16xf32>, vector<16xf32>, vector<16xi1>) -> (vector<16xi1>, vector<16xf32>, vector<16xf32>)
        %rev3A = arith.constant 15 : i32
        %rev3A_389 = vector.broadcast %rev3A : i32 to vector<16xi32>
        %rev3A_390 = tpu.iota {dimensions = array<i32: 0>} : vector<16xi32>
        %rev3A_391 = arith.subi %rev3A_389, %rev3A_390 : vector<16xi32>
        %rev3A_392 = tpu.dynamic_gather %sort3A_387[%rev3A_391] in [0] : vector<16xf32>, vector<16xi32> -> vector<16xf32>
        %min3A = arith.minimumf %while3A_374, %rev3A_392 : vector<16xf32>
        %sort3A_393 = arith.constant dense<true> : vector<16xi1>
        %sort3A_394, %sort3A_395, %sort3A_396 = tpu.sort %min3A, %min3A masked %sort3A_393 : (vector<16xf32>, vector<16xf32>, vector<16xi1>) -> (vector<16xi1>, vector<16xf32>, vector<16xf32>)
        scf.yield %sort3A_395 : vector<16xf32>
      }
      %bitcast_convert_type3A_184 = tpu.bitcast %while3A_183 : vector<16xf32> -> vector<16xi32>
      %shift_right_arithmetic3A_185 = arith.constant 1 : i32
      %shift_right_arithmetic3A_186 = vector.broadcast %shift_right_arithmetic3A_185 : i32 to vector<16xi32>
      %shift_right_arithmetic3A_187 = arith.shrsi %bitcast_convert_type3A_184, %shift_right_arithmetic3A_186 : vector<16xi32>
      %add3A_188 = arith.constant 532487669 : i32
      %add3A_189 = vector.broadcast %add3A_188 : i32 to vector<16xi32>
      %add3A_190 = arith.addi %add3A_189, %shift_right_arithmetic3A_187 : vector<16xi32>
      %bitcast_convert_type3A_191 = tpu.bitcast %add3A_190 : vector<16xi32> -> vector<16xf32>
      %div3A_192 = arith.divf %while3A_183, %bitcast_convert_type3A_191 : vector<16xf32>
      %add3A_193 = arith.addf %bitcast_convert_type3A_191, %div3A_192 : vector<16xf32>
      %mul3A_194 = arith.constant 5.000000e-01 : f32
      %mul3A_195 = vector.broadcast %mul3A_194 : f32 to vector<16xf32>
      %mul3A_196 = arith.mulf %mul3A_195, %add3A_193 : vector<16xf32>
      %div3A_197 = arith.divf %while3A_183, %mul3A_196 : vector<16xf32>
      %add3A_198 = arith.addf %mul3A_196, %div3A_197 : vector<16xf32>
      %mul3A_199 = arith.constant 5.000000e-01 : f32
      %mul3A_200 = vector.broadcast %mul3A_199 : f32 to vector<16xf32>
      %mul3A_201 = arith.mulf %mul3A_200, %add3A_198 : vector<16xf32>
      %div3A_202 = arith.divf %while3A_183, %mul3A_201 : vector<16xf32>
      %add3A_203 = arith.addf %mul3A_201, %div3A_202 : vector<16xf32>
      %mul3A_204 = arith.constant 5.000000e-01 : f32
      %mul3A_205 = vector.broadcast %mul3A_204 : f32 to vector<16xf32>
      %mul3A_206 = arith.mulf %mul3A_205, %add3A_203 : vector<16xf32>
      %lt3A_207 = arith.constant 9 : i32
      %lt3A_208 = vector.broadcast %lt3A_207 : i32 to vector<16xi32>
      %lt3A_209 = arith.cmpi slt, %iota3A, %lt3A_208 : vector<16xi32>
      %jit3A_210 = arith.constant 0xFF800000 : f32
      %broadcast_in_dim3A_211 = vector.broadcast %jit3A_210 : f32 to vector<16xf32>
      %select_n3A_212 = arith.select %lt3A_209, %mul3A_206, %broadcast_in_dim3A_211 : vector<16xi1>, vector<16xf32>
      %reduce_max3A_213 = arith.constant true
      %reduce_max3A_214 = vector.broadcast %reduce_max3A_213 : i1 to vector<16xi1>
      %reduce_max3A_215 = tpu.scan <max>, %select_n3A_212 masked %reduce_max3A_214 : vector<16xf32>, vector<16xi1> -> vector<16xf32>
      %reduce_max3A_216 = vector.extract %reduce_max3A_215[15] : f32 from vector<16xf32>
      %lt3A_217 = arith.constant 9 : i32
      %lt3A_218 = vector.broadcast %lt3A_217 : i32 to vector<16xi32>
      %lt3A_219 = arith.cmpi slt, %iota3A, %lt3A_218 : vector<16xi32>
      %sub3A_220 = vector.broadcast %reduce_max3A_216 : f32 to vector<16xf32>
      %sub3A_221 = arith.subf %mul3A_206, %sub3A_220 : vector<16xf32>
      %exp3A_222 = math.exp %sub3A_221 : vector<16xf32>
      %jit3A_223 = arith.constant 0.000000e+00 : f32
      %broadcast_in_dim3A_224 = vector.broadcast %jit3A_223 : f32 to vector<16xf32>
      %select_n3A_225 = arith.select %lt3A_219, %exp3A_222, %broadcast_in_dim3A_224 : vector<16xi1>, vector<16xf32>
      %reduce_sum3A_226 = arith.constant true
      %reduce_sum3A_227 = vector.broadcast %reduce_sum3A_226 : i1 to vector<16xi1>
      %reduce_sum3A_228 = tpu.scan <sum>, %select_n3A_225 masked %reduce_sum3A_227 : vector<16xf32>, vector<16xi1> -> vector<16xf32>
      %reduce_sum3A_229 = vector.extract %reduce_sum3A_228[15] : f32 from vector<16xf32>
      %broadcast_in_dim3A_230 = vector.broadcast %reduce_sum3A_229 : f32 to vector<16xf32>
      %eq3A_231 = arith.constant 0 : i32
      %eq3A_232 = vector.broadcast %eq3A_231 : i32 to vector<16xi32>
      %eq3A_233 = arith.cmpi eq, %iota3A, %eq3A_232 : vector<16xi32>
      %div3A_234 = arith.divf %select_n3A_225, %broadcast_in_dim3A_230 : vector<16xf32>
      %sub3A_235 = arith.constant 1.000000e+00 : f32
      %sub3A_236 = vector.broadcast %sub3A_235 : f32 to vector<16xf32>
      %sub3A_237 = arith.subf %sub3A_236, %div3A_234 : vector<16xf32>
      %mul3A_238 = arith.mulf %sub3A_237, %mul3A_206 : vector<16xf32>
      %jit3A_239 = arith.constant 0xFF800000 : f32
      %broadcast_in_dim3A_240 = vector.broadcast %jit3A_239 : f32 to vector<16xf32>
      %select_n3A_241 = arith.select %eq3A_233, %mul3A_238, %broadcast_in_dim3A_240 : vector<16xi1>, vector<16xf32>
      %broadcast_in_dim3A_242 = vector.broadcast %mul3A_122 : i32 to vector<16xi32>
      %eq3A_243 = arith.constant 0 : i32
      %eq3A_244 = vector.broadcast %eq3A_243 : i32 to vector<16xi32>
      %eq3A_245 = arith.cmpi eq, %iota3A, %eq3A_244 : vector<16xi32>
      tpu.vector_store_idx %arg8[%broadcast_in_dim3A_242], %select_n3A_241 masked %eq3A_245 : memref<56xf32, #tpu.memory_space<vmem>>[vector<16xi32>], vector<16xf32>, vector<16xi1>
      %max3A_246 = arith.maximumf %scan3A_120, %select_n3A_241 : vector<16xf32>
      %add3A_247 = arith.constant 2 : i32
      %add3A_248 = arith.addi %mul3A_122, %add3A_247 : i32
      %add3A_249 = arith.addi %mul3A_2, %add3A_248 : i32
      %dma_start3A_250 = arith.constant 0 : i32
      %dma_start3A_251 = tpu.memref_slice %arg2[%add3A_249, %dma_start3A_250] : memref<1568x8192xf32, #tpu.memory_space<hbm>> -> memref<1x8192xf32, #tpu.memory_space<hbm>>
      %dma_start3A_252 = tpu.memref_squeeze %dma_start3A_251 : memref<1x8192xf32, #tpu.memory_space<hbm>> -> memref<8192xf32, #tpu.memory_space<hbm>>
      %dma_start3A_253 = arith.constant 0 : i32
      %dma_start3A_254 = tpu.memref_slice %arg2[%add3A_249, %dma_start3A_253] : memref<1568x8192xf32, #tpu.memory_space<hbm>> -> memref<1x8192xf32, #tpu.memory_space<hbm>>
      %dma_start3A_255 = tpu.memref_squeeze %dma_start3A_254 : memref<1x8192xf32, #tpu.memory_space<hbm>> -> memref<8192xf32, #tpu.memory_space<hbm>>
      tpu.enqueue_dma source(%dma_start3A_255 : memref<8192xf32, #tpu.memory_space<hbm>>) target(%arg5 : memref<8192xf32, #tpu.memory_space<vmem>>) target_semaphore(%arg10 : memref<!tpu.dma_semaphore, #tpu.memory_space<semaphore_mem>>)
      %dma_wait3A_256 = arith.constant 0 : i32
      %dma_wait3A_257 = tpu.memref_slice %arg2[%mul3A_2, %dma_wait3A_256] : memref<1568x8192xf32, #tpu.memory_space<hbm>> -> memref<1x8192xf32, #tpu.memory_space<hbm>>
      %dma_wait3A_258 = tpu.memref_squeeze %dma_wait3A_257 : memref<1x8192xf32, #tpu.memory_space<hbm>> -> memref<8192xf32, #tpu.memory_space<hbm>>
      %dma_wait3A_259 = arith.constant 0 : i32
      %dma_wait3A_260 = tpu.memref_slice %arg2[%mul3A_2, %dma_wait3A_259] : memref<1568x8192xf32, #tpu.memory_space<hbm>> -> memref<1x8192xf32, #tpu.memory_space<hbm>>
      %dma_wait3A_261 = tpu.memref_squeeze %dma_wait3A_260 : memref<1x8192xf32, #tpu.memory_space<hbm>> -> memref<8192xf32, #tpu.memory_space<hbm>>
      tpu.wait_dma2 semaphore(%arg11 : memref<!tpu.dma_semaphore, #tpu.memory_space<semaphore_mem>>) src(%dma_wait3A_261 : memref<8192xf32, #tpu.memory_space<hbm>>) dst(%arg6 : memref<8192xf32, #tpu.memory_space<vmem>>)
      %add3A_262 = arith.constant 1 : i32
      %add3A_263 = arith.addi %mul3A_122, %add3A_262 : i32
      %parallel_loop3A_264 = arith.constant 0 : i32
      %parallel_loop3A_265 = arith.constant 128 : i32
      %parallel_loop3A_266 = arith.constant 1 : i32
      %parallel_loop3A_267 = scf.for %parallel_loop3A_373 = %parallel_loop3A_264 to %parallel_loop3A_265 step %parallel_loop3A_266 iter_args(%parallel_loop3A_374 = %broadcast_in_dim3A_3) -> (vector<16xf32>)  : i32 {
        %parallel_loop3A_375 = arith.constant 64 : i32
        %parallel_loop3A_376 = arith.muli %parallel_loop3A_373, %parallel_loop3A_375 : i32
        %parallel_loop3A_377 = arith.index_cast %parallel_loop3A_376 : i32 to index
        %parallel_loop3A_378 = tpu.vector_load %arg6[%parallel_loop3A_377] {strides = array<i32>} : memref<8192xf32, #tpu.memory_space<vmem>>, vector<16xf32>,
        %parallel_loop3A_379 = arith.minimumf %parallel_loop3A_374, %parallel_loop3A_378 : vector<16xf32>
        scf.yield %parallel_loop3A_379 : vector<16xf32>
      } {sc.loop_unroll_factor = 8 : i64, sc.parallel_access}
      %sort3A_268 = arith.constant dense<true> : vector<16xi1>
      %sort3A_269, %sort3A_270, %sort3A_271 = tpu.sort %parallel_loop3A_267, %parallel_loop3A_267 masked %sort3A_268 : (vector<16xf32>, vector<16xf32>, vector<16xi1>) -> (vector<16xi1>, vector<16xf32>, vector<16xf32>)
      %eq3A_272 = arith.constant 9 : i32
      %eq3A_273 = vector.broadcast %eq3A_272 : i32 to vector<16xi32>
      %eq3A_274 = arith.cmpi eq, %iota3A, %eq3A_273 : vector<16xi32>
      %jit3A_275 = arith.constant 0xFF800000 : f32
      %broadcast_in_dim3A_276 = vector.broadcast %jit3A_275 : f32 to vector<16xf32>
      %select_n3A_277 = arith.select %eq3A_274, %sort3A_270, %broadcast_in_dim3A_276 : vector<16xi1>, vector<16xf32>
      %reduce_max3A_278 = arith.constant true
      %reduce_max3A_279 = vector.broadcast %reduce_max3A_278 : i1 to vector<16xi1>
      %reduce_max3A_280 = tpu.scan <max>, %select_n3A_277 masked %reduce_max3A_279 : vector<16xf32>, vector<16xi1> -> vector<16xf32>
      %reduce_max3A_281 = vector.extract %reduce_max3A_280[15] : f32 from vector<16xf32>
      %broadcast_in_dim3A_282 = vector.broadcast %reduce_max3A_281 : f32 to vector<16xf32>
      %parallel_loop3A_283 = arith.constant 0 : i32
      %parallel_loop3A_284 = arith.constant 512 : i32
      %parallel_loop3A_285 = arith.constant 1 : i32
      %parallel_loop3A_286 = scf.for %parallel_loop3A_373 = %parallel_loop3A_283 to %parallel_loop3A_284 step %parallel_loop3A_285 iter_args(%parallel_loop3A_374 = %iota3A) -> (vector<16xi32>)  : i32 {
        %parallel_loop3A_375 = arith.constant 16 : i32
        %parallel_loop3A_376 = arith.muli %parallel_loop3A_373, %parallel_loop3A_375 : i32
        %parallel_loop3A_377 = arith.index_cast %parallel_loop3A_376 : i32 to index
        %parallel_loop3A_378 = tpu.vector_load %arg6[%parallel_loop3A_377] {strides = array<i32>} : memref<8192xf32, #tpu.memory_space<vmem>>, vector<16xf32>,
        %parallel_loop3A_379 = arith.cmpf ole, %parallel_loop3A_378, %broadcast_in_dim3A_282 : vector<16xf32>
        tpu.vector_store_idx %arg7[%parallel_loop3A_374], %parallel_loop3A_378 masked %parallel_loop3A_379 : memref<8224xf32, #tpu.memory_space<vmem>>[vector<16xi32>], vector<16xf32>, vector<16xi1>
        %parallel_loop3A_380 = arith.constant 16 : i32
        %parallel_loop3A_381 = arith.constant 0 : i32
        %parallel_loop3A_382 = vector.broadcast %parallel_loop3A_380 : i32 to vector<16xi32>
        %parallel_loop3A_383 = vector.broadcast %parallel_loop3A_381 : i32 to vector<16xi32>
        %parallel_loop3A_384 = arith.select %parallel_loop3A_379, %parallel_loop3A_382, %parallel_loop3A_383 : vector<16xi1>, vector<16xi32>
        %parallel_loop3A_385 = arith.addi %parallel_loop3A_374, %parallel_loop3A_384 : vector<16xi32>
        scf.yield %parallel_loop3A_385 : vector<16xi32>
      } {sc.loop_unroll_factor = 16 : i64, sc.parallel_access}
      %sub3A_287 = arith.subi %parallel_loop3A_286, %iota3A : vector<16xi32>
      %shift_right_arithmetic3A_288 = arith.constant 4 : i32
      %shift_right_arithmetic3A_289 = vector.broadcast %shift_right_arithmetic3A_288 : i32 to vector<16xi32>
      %shift_right_arithmetic3A_290 = arith.shrsi %sub3A_287, %shift_right_arithmetic3A_289 : vector<16xi32>
      %reduce_max3A_291 = arith.constant true
      %reduce_max3A_292 = vector.broadcast %reduce_max3A_291 : i1 to vector<16xi1>
      %reduce_max3A_293 = arith.constant -2147483648 : i32
      %reduce_max3A_294 = vector.broadcast %reduce_max3A_293 : i32 to vector<16xi32>
      %reduce_max3A_295 = arith.xori %shift_right_arithmetic3A_290, %reduce_max3A_294 : vector<16xi32>
      %reduce_max3A_296 = tpu.scan <max>, %reduce_max3A_295 masked %reduce_max3A_292 : vector<16xi32>, vector<16xi1> -> vector<16xi32>
      %reduce_max3A_297 = arith.xori %reduce_max3A_296, %reduce_max3A_294 : vector<16xi32>
      %reduce_max3A_298 = vector.extract %reduce_max3A_297[15] : i32 from vector<16xi32>
      %while3A_299 = arith.constant 0 : i32
      %while3A_300 = arith.subi %reduce_max3A_298, %while3A_299 : i32
      %while3A_301 = arith.addi %while3A_299, %while3A_300 : i32
      %while3A_302 = arith.constant 1 : i32
      %while3A_303 = arith.divsi %while3A_300, %while3A_302 : i32
      %while3A_304 = arith.muli %while3A_303, %while3A_302 : i32
      %while3A_305 = arith.addi %while3A_299, %while3A_304 : i32
      %while3A_306 = arith.constant 1 : i32
      %while3A_307 = scf.for %while3A_373 = %while3A_299 to %while3A_305 step %while3A_306 iter_args(%while3A_374 = %broadcast_in_dim3A_3) -> (vector<16xf32>)  : i32 {
        %mul3A_375 = arith.constant 16 : i32
        %mul3A_376 = arith.muli %while3A_373, %mul3A_375 : i32
        %get3A = arith.index_cast %mul3A_376 : i32 to index
        %get3A_377 = tpu.vector_load %arg7[%get3A] {strides = array<i32>} : memref<8224xf32, #tpu.memory_space<vmem>>, vector<16xf32>,
        %mul3A_378 = arith.constant 16 : i32
        %mul3A_379 = arith.muli %while3A_373, %mul3A_378 : i32
        %add3A_380 = vector.broadcast %mul3A_379 : i32 to vector<16xi32>
        %add3A_381 = arith.addi %iota3A, %add3A_380 : vector<16xi32>
        %gt3A = arith.cmpi sgt, %parallel_loop3A_286, %add3A_381 : vector<16xi32>
        %jit3A_382 = arith.constant 0x7F800000 : f32
        %broadcast_in_dim3A_383 = vector.broadcast %jit3A_382 : f32 to vector<16xf32>
        %select_n3A_384 = arith.select %gt3A, %get3A_377, %broadcast_in_dim3A_383 : vector<16xi1>, vector<16xf32>
        %sort3A_385 = arith.constant dense<true> : vector<16xi1>
        %sort3A_386, %sort3A_387, %sort3A_388 = tpu.sort %select_n3A_384, %select_n3A_384 masked %sort3A_385 : (vector<16xf32>, vector<16xf32>, vector<16xi1>) -> (vector<16xi1>, vector<16xf32>, vector<16xf32>)
        %rev3A = arith.constant 15 : i32
        %rev3A_389 = vector.broadcast %rev3A : i32 to vector<16xi32>
        %rev3A_390 = tpu.iota {dimensions = array<i32: 0>} : vector<16xi32>
        %rev3A_391 = arith.subi %rev3A_389, %rev3A_390 : vector<16xi32>
        %rev3A_392 = tpu.dynamic_gather %sort3A_387[%rev3A_391] in [0] : vector<16xf32>, vector<16xi32> -> vector<16xf32>
        %min3A = arith.minimumf %while3A_374, %rev3A_392 : vector<16xf32>
        %sort3A_393 = arith.constant dense<true> : vector<16xi1>
        %sort3A_394, %sort3A_395, %sort3A_396 = tpu.sort %min3A, %min3A masked %sort3A_393 : (vector<16xf32>, vector<16xf32>, vector<16xi1>) -> (vector<16xi1>, vector<16xf32>, vector<16xf32>)
        scf.yield %sort3A_395 : vector<16xf32>
      }
      %while3A_308 = arith.constant 1 : i32
      %while3A_309 = scf.for %while3A_373 = %while3A_305 to %while3A_301 step %while3A_308 iter_args(%while3A_374 = %while3A_307) -> (vector<16xf32>)  : i32 {
        %mul3A_375 = arith.constant 16 : i32
        %mul3A_376 = arith.muli %while3A_373, %mul3A_375 : i32
        %get3A = arith.index_cast %mul3A_376 : i32 to index
        %get3A_377 = tpu.vector_load %arg7[%get3A] {strides = array<i32>} : memref<8224xf32, #tpu.memory_space<vmem>>, vector<16xf32>,
        %mul3A_378 = arith.constant 16 : i32
        %mul3A_379 = arith.muli %while3A_373, %mul3A_378 : i32
        %add3A_380 = vector.broadcast %mul3A_379 : i32 to vector<16xi32>
        %add3A_381 = arith.addi %iota3A, %add3A_380 : vector<16xi32>
        %gt3A = arith.cmpi sgt, %parallel_loop3A_286, %add3A_381 : vector<16xi32>
        %jit3A_382 = arith.constant 0x7F800000 : f32
        %broadcast_in_dim3A_383 = vector.broadcast %jit3A_382 : f32 to vector<16xf32>
        %select_n3A_384 = arith.select %gt3A, %get3A_377, %broadcast_in_dim3A_383 : vector<16xi1>, vector<16xf32>
        %sort3A_385 = arith.constant dense<true> : vector<16xi1>
        %sort3A_386, %sort3A_387, %sort3A_388 = tpu.sort %select_n3A_384, %select_n3A_384 masked %sort3A_385 : (vector<16xf32>, vector<16xf32>, vector<16xi1>) -> (vector<16xi1>, vector<16xf32>, vector<16xf32>)
        %rev3A = arith.constant 15 : i32
        %rev3A_389 = vector.broadcast %rev3A : i32 to vector<16xi32>
        %rev3A_390 = tpu.iota {dimensions = array<i32: 0>} : vector<16xi32>
        %rev3A_391 = arith.subi %rev3A_389, %rev3A_390 : vector<16xi32>
        %rev3A_392 = tpu.dynamic_gather %sort3A_387[%rev3A_391] in [0] : vector<16xf32>, vector<16xi32> -> vector<16xf32>
        %min3A = arith.minimumf %while3A_374, %rev3A_392 : vector<16xf32>
        %sort3A_393 = arith.constant dense<true> : vector<16xi1>
        %sort3A_394, %sort3A_395, %sort3A_396 = tpu.sort %min3A, %min3A masked %sort3A_393 : (vector<16xf32>, vector<16xf32>, vector<16xi1>) -> (vector<16xi1>, vector<16xf32>, vector<16xf32>)
        scf.yield %sort3A_395 : vector<16xf32>
      }
      %bitcast_convert_type3A_310 = tpu.bitcast %while3A_309 : vector<16xf32> -> vector<16xi32>
      %shift_right_arithmetic3A_311 = arith.constant 1 : i32
      %shift_right_arithmetic3A_312 = vector.broadcast %shift_right_arithmetic3A_311 : i32 to vector<16xi32>
      %shift_right_arithmetic3A_313 = arith.shrsi %bitcast_convert_type3A_310, %shift_right_arithmetic3A_312 : vector<16xi32>
      %add3A_314 = arith.constant 532487669 : i32
      %add3A_315 = vector.broadcast %add3A_314 : i32 to vector<16xi32>
      %add3A_316 = arith.addi %add3A_315, %shift_right_arithmetic3A_313 : vector<16xi32>
      %bitcast_convert_type3A_317 = tpu.bitcast %add3A_316 : vector<16xi32> -> vector<16xf32>
      %div3A_318 = arith.divf %while3A_309, %bitcast_convert_type3A_317 : vector<16xf32>
      %add3A_319 = arith.addf %bitcast_convert_type3A_317, %div3A_318 : vector<16xf32>
      %mul3A_320 = arith.constant 5.000000e-01 : f32
      %mul3A_321 = vector.broadcast %mul3A_320 : f32 to vector<16xf32>
      %mul3A_322 = arith.mulf %mul3A_321, %add3A_319 : vector<16xf32>
      %div3A_323 = arith.divf %while3A_309, %mul3A_322 : vector<16xf32>
      %add3A_324 = arith.addf %mul3A_322, %div3A_323 : vector<16xf32>
      %mul3A_325 = arith.constant 5.000000e-01 : f32
      %mul3A_326 = vector.broadcast %mul3A_325 : f32 to vector<16xf32>
      %mul3A_327 = arith.mulf %mul3A_326, %add3A_324 : vector<16xf32>
      %div3A_328 = arith.divf %while3A_309, %mul3A_327 : vector<16xf32>
      %add3A_329 = arith.addf %mul3A_327, %div3A_328 : vector<16xf32>
      %mul3A_330 = arith.constant 5.000000e-01 : f32
      %mul3A_331 = vector.broadcast %mul3A_330 : f32 to vector<16xf32>
      %mul3A_332 = arith.mulf %mul3A_331, %add3A_329 : vector<16xf32>
      %lt3A_333 = arith.constant 9 : i32
      %lt3A_334 = vector.broadcast %lt3A_333 : i32 to vector<16xi32>
      %lt3A_335 = arith.cmpi slt, %iota3A, %lt3A_334 : vector<16xi32>
      %jit3A_336 = arith.constant 0xFF800000 : f32
      %broadcast_in_dim3A_337 = vector.broadcast %jit3A_336 : f32 to vector<16xf32>
      %select_n3A_338 = arith.select %lt3A_335, %mul3A_332, %broadcast_in_dim3A_337 : vector<16xi1>, vector<16xf32>
      %reduce_max3A_339 = arith.constant true
      %reduce_max3A_340 = vector.broadcast %reduce_max3A_339 : i1 to vector<16xi1>
      %reduce_max3A_341 = tpu.scan <max>, %select_n3A_338 masked %reduce_max3A_340 : vector<16xf32>, vector<16xi1> -> vector<16xf32>
      %reduce_max3A_342 = vector.extract %reduce_max3A_341[15] : f32 from vector<16xf32>
      %lt3A_343 = arith.constant 9 : i32
      %lt3A_344 = vector.broadcast %lt3A_343 : i32 to vector<16xi32>
      %lt3A_345 = arith.cmpi slt, %iota3A, %lt3A_344 : vector<16xi32>
      %sub3A_346 = vector.broadcast %reduce_max3A_342 : f32 to vector<16xf32>
      %sub3A_347 = arith.subf %mul3A_332, %sub3A_346 : vector<16xf32>
      %exp3A_348 = math.exp %sub3A_347 : vector<16xf32>
      %jit3A_349 = arith.constant 0.000000e+00 : f32
      %broadcast_in_dim3A_350 = vector.broadcast %jit3A_349 : f32 to vector<16xf32>
      %select_n3A_351 = arith.select %lt3A_345, %exp3A_348, %broadcast_in_dim3A_350 : vector<16xi1>, vector<16xf32>
      %reduce_sum3A_352 = arith.constant true
      %reduce_sum3A_353 = vector.broadcast %reduce_sum3A_352 : i1 to vector<16xi1>
      %reduce_sum3A_354 = tpu.scan <sum>, %select_n3A_351 masked %reduce_sum3A_353 : vector<16xf32>, vector<16xi1> -> vector<16xf32>
      %reduce_sum3A_355 = vector.extract %reduce_sum3A_354[15] : f32 from vector<16xf32>
      %broadcast_in_dim3A_356 = vector.broadcast %reduce_sum3A_355 : f32 to vector<16xf32>
      %eq3A_357 = arith.constant 0 : i32
      %eq3A_358 = vector.broadcast %eq3A_357 : i32 to vector<16xi32>
      %eq3A_359 = arith.cmpi eq, %iota3A, %eq3A_358 : vector<16xi32>
      %div3A_360 = arith.divf %select_n3A_351, %broadcast_in_dim3A_356 : vector<16xf32>
      %sub3A_361 = arith.constant 1.000000e+00 : f32
      %sub3A_362 = vector.broadcast %sub3A_361 : f32 to vector<16xf32>
      %sub3A_363 = arith.subf %sub3A_362, %div3A_360 : vector<16xf32>
      %mul3A_364 = arith.mulf %sub3A_363, %mul3A_332 : vector<16xf32>
      %jit3A_365 = arith.constant 0xFF800000 : f32
      %broadcast_in_dim3A_366 = vector.broadcast %jit3A_365 : f32 to vector<16xf32>
      %select_n3A_367 = arith.select %eq3A_359, %mul3A_364, %broadcast_in_dim3A_366 : vector<16xi1>, vector<16xf32>
      %broadcast_in_dim3A_368 = vector.broadcast %add3A_263 : i32 to vector<16xi32>
      %eq3A_369 = arith.constant 0 : i32
      %eq3A_370 = vector.broadcast %eq3A_369 : i32 to vector<16xi32>
      %eq3A_371 = arith.cmpi eq, %iota3A, %eq3A_370 : vector<16xi32>
      tpu.vector_store_idx %arg8[%broadcast_in_dim3A_368], %select_n3A_367 masked %eq3A_371 : memref<56xf32, #tpu.memory_space<vmem>>[vector<16xi32>], vector<16xf32>, vector<16xi1>
      %max3A_372 = arith.maximumf %max3A_246, %select_n3A_367 : vector<16xf32>
      scf.yield %max3A_372 : vector<16xf32>
    }
    %scan3A_17 = arith.constant 24 : i32
    %dma_wait3A = arith.constant 0 : i32
    %dma_wait3A_18 = tpu.memref_slice %arg2[%mul3A_2, %dma_wait3A] : memref<1568x8192xf32, #tpu.memory_space<hbm>> -> memref<1x8192xf32, #tpu.memory_space<hbm>>
    %dma_wait3A_19 = tpu.memref_squeeze %dma_wait3A_18 : memref<1x8192xf32, #tpu.memory_space<hbm>> -> memref<8192xf32, #tpu.memory_space<hbm>>
    %dma_wait3A_20 = arith.constant 0 : i32
    %dma_wait3A_21 = tpu.memref_slice %arg2[%mul3A_2, %dma_wait3A_20] : memref<1568x8192xf32, #tpu.memory_space<hbm>> -> memref<1x8192xf32, #tpu.memory_space<hbm>>
    %dma_wait3A_22 = tpu.memref_squeeze %dma_wait3A_21 : memref<1x8192xf32, #tpu.memory_space<hbm>> -> memref<8192xf32, #tpu.memory_space<hbm>>
    tpu.wait_dma2 semaphore(%arg10 : memref<!tpu.dma_semaphore, #tpu.memory_space<semaphore_mem>>) src(%dma_wait3A_22 : memref<8192xf32, #tpu.memory_space<hbm>>) dst(%arg5 : memref<8192xf32, #tpu.memory_space<vmem>>)
    %parallel_loop3A = arith.constant 0 : i32
    %parallel_loop3A_23 = arith.constant 128 : i32
    %parallel_loop3A_24 = arith.constant 1 : i32
    %parallel_loop3A_25 = scf.for %parallel_loop3A_119 = %parallel_loop3A to %parallel_loop3A_23 step %parallel_loop3A_24 iter_args(%parallel_loop3A_120 = %broadcast_in_dim3A_3) -> (vector<16xf32>)  : i32 {
      %parallel_loop3A_121 = arith.constant 64 : i32
      %parallel_loop3A_122 = arith.muli %parallel_loop3A_119, %parallel_loop3A_121 : i32
      %parallel_loop3A_123 = arith.index_cast %parallel_loop3A_122 : i32 to index
      %parallel_loop3A_124 = tpu.vector_load %arg5[%parallel_loop3A_123] {strides = array<i32>} : memref<8192xf32, #tpu.memory_space<vmem>>, vector<16xf32>,
      %parallel_loop3A_125 = arith.minimumf %parallel_loop3A_120, %parallel_loop3A_124 : vector<16xf32>
      scf.yield %parallel_loop3A_125 : vector<16xf32>
    } {sc.loop_unroll_factor = 8 : i64, sc.parallel_access}
    %sort3A = arith.constant dense<true> : vector<16xi1>
    %sort3A_26, %sort3A_27, %sort3A_28 = tpu.sort %parallel_loop3A_25, %parallel_loop3A_25 masked %sort3A : (vector<16xf32>, vector<16xf32>, vector<16xi1>) -> (vector<16xi1>, vector<16xf32>, vector<16xf32>)
    %eq3A = arith.constant 9 : i32
    %eq3A_29 = vector.broadcast %eq3A : i32 to vector<16xi32>
    %eq3A_30 = arith.cmpi eq, %iota3A, %eq3A_29 : vector<16xi32>
    %jit3A = arith.constant 0xFF800000 : f32
    %broadcast_in_dim3A_31 = vector.broadcast %jit3A : f32 to vector<16xf32>
    %select_n3A = arith.select %eq3A_30, %sort3A_27, %broadcast_in_dim3A_31 : vector<16xi1>, vector<16xf32>
    %reduce_max3A = arith.constant true
    %reduce_max3A_32 = vector.broadcast %reduce_max3A : i1 to vector<16xi1>
    %reduce_max3A_33 = tpu.scan <max>, %select_n3A masked %reduce_max3A_32 : vector<16xf32>, vector<16xi1> -> vector<16xf32>
    %reduce_max3A_34 = vector.extract %reduce_max3A_33[15] : f32 from vector<16xf32>
    %broadcast_in_dim3A_35 = vector.broadcast %reduce_max3A_34 : f32 to vector<16xf32>
    %parallel_loop3A_36 = arith.constant 0 : i32
    %parallel_loop3A_37 = arith.constant 512 : i32
    %parallel_loop3A_38 = arith.constant 1 : i32
    %parallel_loop3A_39 = scf.for %parallel_loop3A_119 = %parallel_loop3A_36 to %parallel_loop3A_37 step %parallel_loop3A_38 iter_args(%parallel_loop3A_120 = %iota3A) -> (vector<16xi32>)  : i32 {
      %parallel_loop3A_121 = arith.constant 16 : i32
      %parallel_loop3A_122 = arith.muli %parallel_loop3A_119, %parallel_loop3A_121 : i32
      %parallel_loop3A_123 = arith.index_cast %parallel_loop3A_122 : i32 to index
      %parallel_loop3A_124 = tpu.vector_load %arg5[%parallel_loop3A_123] {strides = array<i32>} : memref<8192xf32, #tpu.memory_space<vmem>>, vector<16xf32>,
      %parallel_loop3A_125 = arith.cmpf ole, %parallel_loop3A_124, %broadcast_in_dim3A_35 : vector<16xf32>
      tpu.vector_store_idx %arg7[%parallel_loop3A_120], %parallel_loop3A_124 masked %parallel_loop3A_125 : memref<8224xf32, #tpu.memory_space<vmem>>[vector<16xi32>], vector<16xf32>, vector<16xi1>
      %parallel_loop3A_126 = arith.constant 16 : i32
      %parallel_loop3A_127 = arith.constant 0 : i32
      %parallel_loop3A_128 = vector.broadcast %parallel_loop3A_126 : i32 to vector<16xi32>
      %parallel_loop3A_129 = vector.broadcast %parallel_loop3A_127 : i32 to vector<16xi32>
      %parallel_loop3A_130 = arith.select %parallel_loop3A_125, %parallel_loop3A_128, %parallel_loop3A_129 : vector<16xi1>, vector<16xi32>
      %parallel_loop3A_131 = arith.addi %parallel_loop3A_120, %parallel_loop3A_130 : vector<16xi32>
      scf.yield %parallel_loop3A_131 : vector<16xi32>
    } {sc.loop_unroll_factor = 16 : i64, sc.parallel_access}
    %sub3A = arith.subi %parallel_loop3A_39, %iota3A : vector<16xi32>
    %shift_right_arithmetic3A = arith.constant 4 : i32
    %shift_right_arithmetic3A_40 = vector.broadcast %shift_right_arithmetic3A : i32 to vector<16xi32>
    %shift_right_arithmetic3A_41 = arith.shrsi %sub3A, %shift_right_arithmetic3A_40 : vector<16xi32>
    %reduce_max3A_42 = arith.constant true
    %reduce_max3A_43 = vector.broadcast %reduce_max3A_42 : i1 to vector<16xi1>
    %reduce_max3A_44 = arith.constant -2147483648 : i32
    %reduce_max3A_45 = vector.broadcast %reduce_max3A_44 : i32 to vector<16xi32>
    %reduce_max3A_46 = arith.xori %shift_right_arithmetic3A_41, %reduce_max3A_45 : vector<16xi32>
    %reduce_max3A_47 = tpu.scan <max>, %reduce_max3A_46 masked %reduce_max3A_43 : vector<16xi32>, vector<16xi1> -> vector<16xi32>
    %reduce_max3A_48 = arith.xori %reduce_max3A_47, %reduce_max3A_45 : vector<16xi32>
    %reduce_max3A_49 = vector.extract %reduce_max3A_48[15] : i32 from vector<16xi32>
    %while3A = arith.constant 0 : i32
    %while3A_50 = arith.subi %reduce_max3A_49, %while3A : i32
    %while3A_51 = arith.addi %while3A, %while3A_50 : i32
    %while3A_52 = arith.constant 1 : i32
    %while3A_53 = arith.divsi %while3A_50, %while3A_52 : i32
    %while3A_54 = arith.muli %while3A_53, %while3A_52 : i32
    %while3A_55 = arith.addi %while3A, %while3A_54 : i32
    %while3A_56 = arith.constant 1 : i32
    %while3A_57 = scf.for %while3A_119 = %while3A to %while3A_55 step %while3A_56 iter_args(%while3A_120 = %broadcast_in_dim3A_3) -> (vector<16xf32>)  : i32 {
      %mul3A_121 = arith.constant 16 : i32
      %mul3A_122 = arith.muli %while3A_119, %mul3A_121 : i32
      %get3A = arith.index_cast %mul3A_122 : i32 to index
      %get3A_123 = tpu.vector_load %arg7[%get3A] {strides = array<i32>} : memref<8224xf32, #tpu.memory_space<vmem>>, vector<16xf32>,
      %mul3A_124 = arith.constant 16 : i32
      %mul3A_125 = arith.muli %while3A_119, %mul3A_124 : i32
      %add3A_126 = vector.broadcast %mul3A_125 : i32 to vector<16xi32>
      %add3A_127 = arith.addi %iota3A, %add3A_126 : vector<16xi32>
      %gt3A = arith.cmpi sgt, %parallel_loop3A_39, %add3A_127 : vector<16xi32>
      %jit3A_128 = arith.constant 0x7F800000 : f32
      %broadcast_in_dim3A_129 = vector.broadcast %jit3A_128 : f32 to vector<16xf32>
      %select_n3A_130 = arith.select %gt3A, %get3A_123, %broadcast_in_dim3A_129 : vector<16xi1>, vector<16xf32>
      %sort3A_131 = arith.constant dense<true> : vector<16xi1>
      %sort3A_132, %sort3A_133, %sort3A_134 = tpu.sort %select_n3A_130, %select_n3A_130 masked %sort3A_131 : (vector<16xf32>, vector<16xf32>, vector<16xi1>) -> (vector<16xi1>, vector<16xf32>, vector<16xf32>)
      %rev3A = arith.constant 15 : i32
      %rev3A_135 = vector.broadcast %rev3A : i32 to vector<16xi32>
      %rev3A_136 = tpu.iota {dimensions = array<i32: 0>} : vector<16xi32>
      %rev3A_137 = arith.subi %rev3A_135, %rev3A_136 : vector<16xi32>
      %rev3A_138 = tpu.dynamic_gather %sort3A_133[%rev3A_137] in [0] : vector<16xf32>, vector<16xi32> -> vector<16xf32>
      %min3A = arith.minimumf %while3A_120, %rev3A_138 : vector<16xf32>
      %sort3A_139 = arith.constant dense<true> : vector<16xi1>
      %sort3A_140, %sort3A_141, %sort3A_142 = tpu.sort %min3A, %min3A masked %sort3A_139 : (vector<16xf32>, vector<16xf32>, vector<16xi1>) -> (vector<16xi1>, vector<16xf32>, vector<16xf32>)
      scf.yield %sort3A_141 : vector<16xf32>
    }
    %while3A_58 = arith.constant 1 : i32
    %while3A_59 = scf.for %while3A_119 = %while3A_55 to %while3A_51 step %while3A_58 iter_args(%while3A_120 = %while3A_57) -> (vector<16xf32>)  : i32 {
      %mul3A_121 = arith.constant 16 : i32
      %mul3A_122 = arith.muli %while3A_119, %mul3A_121 : i32
      %get3A = arith.index_cast %mul3A_122 : i32 to index
      %get3A_123 = tpu.vector_load %arg7[%get3A] {strides = array<i32>} : memref<8224xf32, #tpu.memory_space<vmem>>, vector<16xf32>,
      %mul3A_124 = arith.constant 16 : i32
      %mul3A_125 = arith.muli %while3A_119, %mul3A_124 : i32
      %add3A_126 = vector.broadcast %mul3A_125 : i32 to vector<16xi32>
      %add3A_127 = arith.addi %iota3A, %add3A_126 : vector<16xi32>
      %gt3A = arith.cmpi sgt, %parallel_loop3A_39, %add3A_127 : vector<16xi32>
      %jit3A_128 = arith.constant 0x7F800000 : f32
      %broadcast_in_dim3A_129 = vector.broadcast %jit3A_128 : f32 to vector<16xf32>
      %select_n3A_130 = arith.select %gt3A, %get3A_123, %broadcast_in_dim3A_129 : vector<16xi1>, vector<16xf32>
      %sort3A_131 = arith.constant dense<true> : vector<16xi1>
      %sort3A_132, %sort3A_133, %sort3A_134 = tpu.sort %select_n3A_130, %select_n3A_130 masked %sort3A_131 : (vector<16xf32>, vector<16xf32>, vector<16xi1>) -> (vector<16xi1>, vector<16xf32>, vector<16xf32>)
      %rev3A = arith.constant 15 : i32
      %rev3A_135 = vector.broadcast %rev3A : i32 to vector<16xi32>
      %rev3A_136 = tpu.iota {dimensions = array<i32: 0>} : vector<16xi32>
      %rev3A_137 = arith.subi %rev3A_135, %rev3A_136 : vector<16xi32>
      %rev3A_138 = tpu.dynamic_gather %sort3A_133[%rev3A_137] in [0] : vector<16xf32>, vector<16xi32> -> vector<16xf32>
      %min3A = arith.minimumf %while3A_120, %rev3A_138 : vector<16xf32>
      %sort3A_139 = arith.constant dense<true> : vector<16xi1>
      %sort3A_140, %sort3A_141, %sort3A_142 = tpu.sort %min3A, %min3A masked %sort3A_139 : (vector<16xf32>, vector<16xf32>, vector<16xi1>) -> (vector<16xi1>, vector<16xf32>, vector<16xf32>)
      scf.yield %sort3A_141 : vector<16xf32>
    }
    %bitcast_convert_type3A = tpu.bitcast %while3A_59 : vector<16xf32> -> vector<16xi32>
    %shift_right_arithmetic3A_60 = arith.constant 1 : i32
    %shift_right_arithmetic3A_61 = vector.broadcast %shift_right_arithmetic3A_60 : i32 to vector<16xi32>
    %shift_right_arithmetic3A_62 = arith.shrsi %bitcast_convert_type3A, %shift_right_arithmetic3A_61 : vector<16xi32>
    %add3A_63 = arith.constant 532487669 : i32
    %add3A_64 = vector.broadcast %add3A_63 : i32 to vector<16xi32>
    %add3A_65 = arith.addi %add3A_64, %shift_right_arithmetic3A_62 : vector<16xi32>
    %bitcast_convert_type3A_66 = tpu.bitcast %add3A_65 : vector<16xi32> -> vector<16xf32>
    %div3A = arith.divf %while3A_59, %bitcast_convert_type3A_66 : vector<16xf32>
    %add3A_67 = arith.addf %bitcast_convert_type3A_66, %div3A : vector<16xf32>
    %mul3A_68 = arith.constant 5.000000e-01 : f32
    %mul3A_69 = vector.broadcast %mul3A_68 : f32 to vector<16xf32>
    %mul3A_70 = arith.mulf %mul3A_69, %add3A_67 : vector<16xf32>
    %div3A_71 = arith.divf %while3A_59, %mul3A_70 : vector<16xf32>
    %add3A_72 = arith.addf %mul3A_70, %div3A_71 : vector<16xf32>
    %mul3A_73 = arith.constant 5.000000e-01 : f32
    %mul3A_74 = vector.broadcast %mul3A_73 : f32 to vector<16xf32>
    %mul3A_75 = arith.mulf %mul3A_74, %add3A_72 : vector<16xf32>
    %div3A_76 = arith.divf %while3A_59, %mul3A_75 : vector<16xf32>
    %add3A_77 = arith.addf %mul3A_75, %div3A_76 : vector<16xf32>
    %mul3A_78 = arith.constant 5.000000e-01 : f32
    %mul3A_79 = vector.broadcast %mul3A_78 : f32 to vector<16xf32>
    %mul3A_80 = arith.mulf %mul3A_79, %add3A_77 : vector<16xf32>
    %lt3A = arith.constant 9 : i32
    %lt3A_81 = vector.broadcast %lt3A : i32 to vector<16xi32>
    %lt3A_82 = arith.cmpi slt, %iota3A, %lt3A_81 : vector<16xi32>
    %jit3A_83 = arith.constant 0xFF800000 : f32
    %broadcast_in_dim3A_84 = vector.broadcast %jit3A_83 : f32 to vector<16xf32>
    %select_n3A_85 = arith.select %lt3A_82, %mul3A_80, %broadcast_in_dim3A_84 : vector<16xi1>, vector<16xf32>
    %reduce_max3A_86 = arith.constant true
    %reduce_max3A_87 = vector.broadcast %reduce_max3A_86 : i1 to vector<16xi1>
    %reduce_max3A_88 = tpu.scan <max>, %select_n3A_85 masked %reduce_max3A_87 : vector<16xf32>, vector<16xi1> -> vector<16xf32>
    %reduce_max3A_89 = vector.extract %reduce_max3A_88[15] : f32 from vector<16xf32>
    %lt3A_90 = arith.constant 9 : i32
    %lt3A_91 = vector.broadcast %lt3A_90 : i32 to vector<16xi32>
    %lt3A_92 = arith.cmpi slt, %iota3A, %lt3A_91 : vector<16xi32>
    %sub3A_93 = vector.broadcast %reduce_max3A_89 : f32 to vector<16xf32>
    %sub3A_94 = arith.subf %mul3A_80, %sub3A_93 : vector<16xf32>
    %exp3A = math.exp %sub3A_94 : vector<16xf32>
    %jit3A_95 = arith.constant 0.000000e+00 : f32
    %broadcast_in_dim3A_96 = vector.broadcast %jit3A_95 : f32 to vector<16xf32>
    %select_n3A_97 = arith.select %lt3A_92, %exp3A, %broadcast_in_dim3A_96 : vector<16xi1>, vector<16xf32>
    %reduce_sum3A = arith.constant true
    %reduce_sum3A_98 = vector.broadcast %reduce_sum3A : i1 to vector<16xi1>
    %reduce_sum3A_99 = tpu.scan <sum>, %select_n3A_97 masked %reduce_sum3A_98 : vector<16xf32>, vector<16xi1> -> vector<16xf32>
    %reduce_sum3A_100 = vector.extract %reduce_sum3A_99[15] : f32 from vector<16xf32>
    %broadcast_in_dim3A_101 = vector.broadcast %reduce_sum3A_100 : f32 to vector<16xf32>
    %eq3A_102 = arith.constant 0 : i32
    %eq3A_103 = vector.broadcast %eq3A_102 : i32 to vector<16xi32>
    %eq3A_104 = arith.cmpi eq, %iota3A, %eq3A_103 : vector<16xi32>
    %div3A_105 = arith.divf %select_n3A_97, %broadcast_in_dim3A_101 : vector<16xf32>
    %sub3A_106 = arith.constant 1.000000e+00 : f32
    %sub3A_107 = vector.broadcast %sub3A_106 : f32 to vector<16xf32>
    %sub3A_108 = arith.subf %sub3A_107, %div3A_105 : vector<16xf32>
    %mul3A_109 = arith.mulf %sub3A_108, %mul3A_80 : vector<16xf32>
    %jit3A_110 = arith.constant 0xFF800000 : f32
    %broadcast_in_dim3A_111 = vector.broadcast %jit3A_110 : f32 to vector<16xf32>
    %select_n3A_112 = arith.select %eq3A_104, %mul3A_109, %broadcast_in_dim3A_111 : vector<16xi1>, vector<16xf32>
    %broadcast_in_dim3A_113 = arith.constant 48 : i32
    %broadcast_in_dim3A_114 = vector.broadcast %broadcast_in_dim3A_113 : i32 to vector<16xi32>
    %eq3A_115 = arith.constant 0 : i32
    %eq3A_116 = vector.broadcast %eq3A_115 : i32 to vector<16xi32>
    %eq3A_117 = arith.cmpi eq, %iota3A, %eq3A_116 : vector<16xi32>
    tpu.vector_store_idx %arg8[%broadcast_in_dim3A_114], %select_n3A_112 masked %eq3A_117 : memref<56xf32, #tpu.memory_space<vmem>>[vector<16xi32>], vector<16xf32>, vector<16xi1>
    %max3A = arith.maximumf %scan3A_16, %select_n3A_112 : vector<16xf32>
    %swap3A = arith.constant 0 : index
    %swap3A_118 = tpu.vector_load %arg9[%swap3A] {strides = array<i32>} : memref<16xf32, #tpu.memory_space<vmem>>, vector<16xf32>,
    tpu.vector_store %arg9[%swap3A], %max3A {strides = array<i32>} : memref<16xf32, #tpu.memory_space<vmem>>, vector<16xf32>,
    "tpu.region"() ({
      %run_scoped3A = tpu.sem_alloc : memref<!tpu.dma_semaphore, #tpu.memory_space<semaphore_mem>>
      %dma_start3A_119 = arith.constant 0 : i32
      %dma_start3A_120 = tpu.memref_slice %arg4[%add3A, %dma_start3A_119] : memref<32x16xf32, #tpu.memory_space<hbm>> -> memref<1x16xf32, #tpu.memory_space<hbm>>
      %dma_start3A_121 = tpu.memref_squeeze %dma_start3A_120 : memref<1x16xf32, #tpu.memory_space<hbm>> -> memref<16xf32, #tpu.memory_space<hbm>>
      %dma_start3A_122 = arith.constant 0 : i32
      %dma_start3A_123 = tpu.memref_slice %arg4[%add3A, %dma_start3A_122] : memref<32x16xf32, #tpu.memory_space<hbm>> -> memref<1x16xf32, #tpu.memory_space<hbm>>
      %dma_start3A_124 = tpu.memref_squeeze %dma_start3A_123 : memref<1x16xf32, #tpu.memory_space<hbm>> -> memref<16xf32, #tpu.memory_space<hbm>>
      tpu.enqueue_dma source(%arg9 : memref<16xf32, #tpu.memory_space<vmem>>) target(%dma_start3A_124 : memref<16xf32, #tpu.memory_space<hbm>>) target_semaphore(%run_scoped3A : memref<!tpu.dma_semaphore, #tpu.memory_space<semaphore_mem>>)
      %dma_wait3A_125 = arith.constant 0 : i32
      %dma_wait3A_126 = tpu.memref_slice %arg4[%add3A, %dma_wait3A_125] : memref<32x16xf32, #tpu.memory_space<hbm>> -> memref<1x16xf32, #tpu.memory_space<hbm>>
      %dma_wait3A_127 = tpu.memref_squeeze %dma_wait3A_126 : memref<1x16xf32, #tpu.memory_space<hbm>> -> memref<16xf32, #tpu.memory_space<hbm>>
      %dma_wait3A_128 = arith.constant 0 : i32
      %dma_wait3A_129 = tpu.memref_slice %arg4[%add3A, %dma_wait3A_128] : memref<32x16xf32, #tpu.memory_space<hbm>> -> memref<1x16xf32, #tpu.memory_space<hbm>>
      %dma_wait3A_130 = tpu.memref_squeeze %dma_wait3A_129 : memref<1x16xf32, #tpu.memory_space<hbm>> -> memref<16xf32, #tpu.memory_space<hbm>>
      tpu.wait_dma2 semaphore(%run_scoped3A : memref<!tpu.dma_semaphore, #tpu.memory_space<semaphore_mem>>) src(%arg9 : memref<16xf32, #tpu.memory_space<vmem>>) dst(%dma_wait3A_130 : memref<16xf32, #tpu.memory_space<hbm>>)
      tpu.yield
    }) : () -> ()
    "tpu.region"() ({
      %run_scoped3A = tpu.sem_alloc : memref<!tpu.dma_semaphore, #tpu.memory_space<semaphore_mem>>
      %dma_start3A_119 = arith.constant 0 : i32
      %dma_start3A_120 = tpu.memref_slice %arg3[%add3A, %dma_start3A_119] : memref<32x56xf32, #tpu.memory_space<hbm>> -> memref<1x56xf32, #tpu.memory_space<hbm>>
      %dma_start3A_121 = tpu.memref_squeeze %dma_start3A_120 : memref<1x56xf32, #tpu.memory_space<hbm>> -> memref<56xf32, #tpu.memory_space<hbm>>
      %dma_start3A_122 = arith.constant 0 : i32
      %dma_start3A_123 = tpu.memref_slice %arg3[%add3A, %dma_start3A_122] : memref<32x56xf32, #tpu.memory_space<hbm>> -> memref<1x56xf32, #tpu.memory_space<hbm>>
      %dma_start3A_124 = tpu.memref_squeeze %dma_start3A_123 : memref<1x56xf32, #tpu.memory_space<hbm>> -> memref<56xf32, #tpu.memory_space<hbm>>
      tpu.enqueue_dma source(%arg8 : memref<56xf32, #tpu.memory_space<vmem>>) target(%dma_start3A_124 : memref<56xf32, #tpu.memory_space<hbm>>) target_semaphore(%run_scoped3A : memref<!tpu.dma_semaphore, #tpu.memory_space<semaphore_mem>>)
      %dma_wait3A_125 = arith.constant 0 : i32
      %dma_wait3A_126 = tpu.memref_slice %arg3[%add3A, %dma_wait3A_125] : memref<32x56xf32, #tpu.memory_space<hbm>> -> memref<1x56xf32, #tpu.memory_space<hbm>>
      %dma_wait3A_127 = tpu.memref_squeeze %dma_wait3A_126 : memref<1x56xf32, #tpu.memory_space<hbm>> -> memref<56xf32, #tpu.memory_space<hbm>>
      %dma_wait3A_128 = arith.constant 0 : i32
      %dma_wait3A_129 = tpu.memref_slice %arg3[%add3A, %dma_wait3A_128] : memref<32x56xf32, #tpu.memory_space<hbm>> -> memref<1x56xf32, #tpu.memory_space<hbm>>
      %dma_wait3A_130 = tpu.memref_squeeze %dma_wait3A_129 : memref<1x56xf32, #tpu.memory_space<hbm>> -> memref<56xf32, #tpu.memory_space<hbm>>
      tpu.wait_dma2 semaphore(%run_scoped3A : memref<!tpu.dma_semaphore, #tpu.memory_space<semaphore_mem>>) src(%arg8 : memref<56xf32, #tpu.memory_space<vmem>>) dst(%dma_wait3A_130 : memref<56xf32, #tpu.memory_space<hbm>>)
      tpu.yield
    }) : () -> ()
    return
  }
}

#map = affine_map<(d0, d1) -> (0, 0)>
module attributes {stable_mosaic.version = 14 : i64} {
  func.func @_score_body(%arg0: i32, %arg1: i32, %arg2: memref<1568x8192xf32, #tpu.memory_space<hbm>>, %arg3: memref<32x56xf32, #tpu.memory_space<hbm>>, %arg4: memref<32x16xf32, #tpu.memory_space<hbm>>, %arg5: memref<8192xf32, #tpu.memory_space<vmem>>, %arg6: memref<8192xf32, #tpu.memory_space<vmem>>, %arg7: memref<8224xf32, #tpu.memory_space<vmem>>, %arg8: memref<56xf32, #tpu.memory_space<vmem>>, %arg9: memref<16xf32, #tpu.memory_space<vmem>>, %arg10: memref<!tpu.dma_semaphore, #tpu.memory_space<semaphore_mem>>, %arg11: memref<!tpu.dma_semaphore, #tpu.memory_space<semaphore_mem>>) attributes {dimension_semantics = [#tpu.dimension_semantics<core_parallel>, #tpu.dimension_semantics<subcore_parallel>], iteration_bounds = array<i64: 2, 16>, scalar_prefetch = 0 : i64, scratch_operands = 7 : i64, tpu.core_type = #tpu.core_type<sc_vector_subcore>, window_params = [{transform_indices = #map}, {transform_indices = #map}, {transform_indices = #map}]} {
    %mul3A = arith.constant 2 : i32
    %mul3A_0 = arith.muli %arg1, %mul3A : i32
    %add3A = arith.addi %mul3A_0, %arg0 : i32
    %mul3A_1 = arith.constant 49 : i32
    %mul3A_2 = arith.muli %add3A, %mul3A_1 : i32
    %iota3A = tpu.iota {dimensions = array<i32: 0>} : vector<16xi32>
    %broadcast_in_dim3A = arith.constant 0x7F800000 : f32
    %broadcast_in_dim3A_3 = vector.broadcast %broadcast_in_dim3A : f32 to vector<16xf32>
    %add3A_4 = arith.constant 0 : i32
    %add3A_5 = arith.addi %mul3A_2, %add3A_4 : i32
    %dma_start3A = arith.constant 0 : i32
    %dma_start3A_6 = tpu.memref_slice %arg2[%add3A_5, %dma_start3A] : memref<1568x8192xf32, #tpu.memory_space<hbm>> -> memref<1x8192xf32, #tpu.memory_space<hbm>>
    %dma_start3A_7 = tpu.memref_squeeze %dma_start3A_6 : memref<1x8192xf32, #tpu.memory_space<hbm>> -> memref<8192xf32, #tpu.memory_space<hbm>>
    %dma_start3A_8 = arith.constant 0 : i32
    %dma_start3A_9 = tpu.memref_slice %arg2[%add3A_5, %dma_start3A_8] : memref<1568x8192xf32, #tpu.memory_space<hbm>> -> memref<1x8192xf32, #tpu.memory_space<hbm>>
    %dma_start3A_10 = tpu.memref_squeeze %dma_start3A_9 : memref<1x8192xf32, #tpu.memory_space<hbm>> -> memref<8192xf32, #tpu.memory_space<hbm>>
    tpu.enqueue_dma source(%dma_start3A_10 : memref<8192xf32, #tpu.memory_space<hbm>>) target(%arg5 : memref<8192xf32, #tpu.memory_space<vmem>>) target_semaphore(%arg10 : memref<!tpu.dma_semaphore, #tpu.memory_space<semaphore_mem>>)
    %broadcast_in_dim3A_11 = arith.constant 0xFF800000 : f32
    %broadcast_in_dim3A_12 = vector.broadcast %broadcast_in_dim3A_11 : f32 to vector<16xf32>
    %scan3A = arith.constant 0 : i32
    %scan3A_13 = arith.constant 24 : i32
    %scan3A_14 = arith.addi %scan3A, %scan3A_13 : i32
    %scan3A_15 = arith.constant 1 : i32
    %scan3A_16 = scf.for %scan3A_119 = %scan3A to %scan3A_14 step %scan3A_15 iter_args(%scan3A_120 = %broadcast_in_dim3A_12) -> (vector<16xf32>)  : i32 {
      %mul3A_121 = arith.constant 2 : i32
      %mul3A_122 = arith.muli %mul3A_121, %scan3A_119 : i32
      %add3A_123 = arith.constant 1 : i32
      %add3A_124 = arith.addi %mul3A_122, %add3A_123 : i32
      %add3A_125 = arith.addi %mul3A_2, %add3A_124 : i32
      %dma_start3A_126 = arith.constant 0 : i32
      %dma_start3A_127 = tpu.memref_slice %arg2[%add3A_125, %dma_start3A_126] : memref<1568x8192xf32, #tpu.memory_space<hbm>> -> memref<1x8192xf32, #tpu.memory_space<hbm>>
      %dma_start3A_128 = tpu.memref_squeeze %dma_start3A_127 : memref<1x8192xf32, #tpu.memory_space<hbm>> -> memref<8192xf32, #tpu.memory_space<hbm>>
      %dma_start3A_129 = arith.constant 0 : i32
      %dma_start3A_130 = tpu.memref_slice %arg2[%add3A_125, %dma_start3A_129] : memref<1568x8192xf32, #tpu.memory_space<hbm>> -> memref<1x8192xf32, #tpu.memory_space<hbm>>
      %dma_start3A_131 = tpu.memref_squeeze %dma_start3A_130 : memref<1x8192xf32, #tpu.memory_space<hbm>> -> memref<8192xf32, #tpu.memory_space<hbm>>
      tpu.enqueue_dma source(%dma_start3A_131 : memref<8192xf32, #tpu.memory_space<hbm>>) target(%arg6 : memref<8192xf32, #tpu.memory_space<vmem>>) target_semaphore(%arg11 : memref<!tpu.dma_semaphore, #tpu.memory_space<semaphore_mem>>)
      %dma_wait3A_132 = arith.constant 0 : i32
      %dma_wait3A_133 = tpu.memref_slice %arg2[%mul3A_2, %dma_wait3A_132] : memref<1568x8192xf32, #tpu.memory_space<hbm>> -> memref<1x8192xf32, #tpu.memory_space<hbm>>
      %dma_wait3A_134 = tpu.memref_squeeze %dma_wait3A_133 : memref<1x8192xf32, #tpu.memory_space<hbm>> -> memref<8192xf32, #tpu.memory_space<hbm>>
      %dma_wait3A_135 = arith.constant 0 : i32
      %dma_wait3A_136 = tpu.memref_slice %arg2[%mul3A_2, %dma_wait3A_135] : memref<1568x8192xf32, #tpu.memory_space<hbm>> -> memref<1x8192xf32, #tpu.memory_space<hbm>>
      %dma_wait3A_137 = tpu.memref_squeeze %dma_wait3A_136 : memref<1x8192xf32, #tpu.memory_space<hbm>> -> memref<8192xf32, #tpu.memory_space<hbm>>
      tpu.wait_dma2 semaphore(%arg10 : memref<!tpu.dma_semaphore, #tpu.memory_space<semaphore_mem>>) src(%dma_wait3A_137 : memref<8192xf32, #tpu.memory_space<hbm>>) dst(%arg5 : memref<8192xf32, #tpu.memory_space<vmem>>)
      %parallel_loop3A_138 = arith.constant 0 : i32
      %parallel_loop3A_139 = arith.constant 128 : i32
      %parallel_loop3A_140 = arith.constant 1 : i32
      %parallel_loop3A_141 = scf.for %parallel_loop3A_373 = %parallel_loop3A_138 to %parallel_loop3A_139 step %parallel_loop3A_140 iter_args(%parallel_loop3A_374 = %broadcast_in_dim3A_3) -> (vector<16xf32>)  : i32 {
        %parallel_loop3A_375 = arith.constant 64 : i32
        %parallel_loop3A_376 = arith.muli %parallel_loop3A_373, %parallel_loop3A_375 : i32
        %parallel_loop3A_377 = arith.index_cast %parallel_loop3A_376 : i32 to index
        %parallel_loop3A_378 = tpu.vector_load %arg5[%parallel_loop3A_377] {strides = array<i32>} : memref<8192xf32, #tpu.memory_space<vmem>>, vector<16xf32>,
        %parallel_loop3A_379 = arith.minimumf %parallel_loop3A_374, %parallel_loop3A_378 : vector<16xf32>
        scf.yield %parallel_loop3A_379 : vector<16xf32>
      } {sc.loop_unroll_factor = 8 : i64, sc.parallel_access}
      %sort3A_142 = arith.constant dense<true> : vector<16xi1>
      %sort3A_143, %sort3A_144, %sort3A_145 = tpu.sort %parallel_loop3A_141, %parallel_loop3A_141 masked %sort3A_142 : (vector<16xf32>, vector<16xf32>, vector<16xi1>) -> (vector<16xi1>, vector<16xf32>, vector<16xf32>)
      %eq3A_146 = arith.constant 9 : i32
      %eq3A_147 = vector.broadcast %eq3A_146 : i32 to vector<16xi32>
      %eq3A_148 = arith.cmpi eq, %iota3A, %eq3A_147 : vector<16xi32>
      %jit3A_149 = arith.constant 0xFF800000 : f32
      %broadcast_in_dim3A_150 = vector.broadcast %jit3A_149 : f32 to vector<16xf32>
      %select_n3A_151 = arith.select %eq3A_148, %sort3A_144, %broadcast_in_dim3A_150 : vector<16xi1>, vector<16xf32>
      %reduce_max3A_152 = arith.constant true
      %reduce_max3A_153 = vector.broadcast %reduce_max3A_152 : i1 to vector<16xi1>
      %reduce_max3A_154 = tpu.scan <max>, %select_n3A_151 masked %reduce_max3A_153 : vector<16xf32>, vector<16xi1> -> vector<16xf32>
      %reduce_max3A_155 = vector.extract %reduce_max3A_154[15] : f32 from vector<16xf32>
      %broadcast_in_dim3A_156 = vector.broadcast %reduce_max3A_155 : f32 to vector<16xf32>
      %parallel_loop3A_157 = arith.constant 0 : i32
      %parallel_loop3A_158 = arith.constant 512 : i32
      %parallel_loop3A_159 = arith.constant 1 : i32
      %parallel_loop3A_160 = scf.for %parallel_loop3A_373 = %parallel_loop3A_157 to %parallel_loop3A_158 step %parallel_loop3A_159 iter_args(%parallel_loop3A_374 = %iota3A) -> (vector<16xi32>)  : i32 {
        %parallel_loop3A_375 = arith.constant 16 : i32
        %parallel_loop3A_376 = arith.muli %parallel_loop3A_373, %parallel_loop3A_375 : i32
        %parallel_loop3A_377 = arith.index_cast %parallel_loop3A_376 : i32 to index
        %parallel_loop3A_378 = tpu.vector_load %arg5[%parallel_loop3A_377] {strides = array<i32>} : memref<8192xf32, #tpu.memory_space<vmem>>, vector<16xf32>,
        %parallel_loop3A_379 = arith.cmpf ole, %parallel_loop3A_378, %broadcast_in_dim3A_156 : vector<16xf32>
        tpu.vector_store_idx %arg7[%parallel_loop3A_374], %parallel_loop3A_378 masked %parallel_loop3A_379 : memref<8224xf32, #tpu.memory_space<vmem>>[vector<16xi32>], vector<16xf32>, vector<16xi1>
        %parallel_loop3A_380 = arith.constant 16 : i32
        %parallel_loop3A_381 = arith.constant 0 : i32
        %parallel_loop3A_382 = vector.broadcast %parallel_loop3A_380 : i32 to vector<16xi32>
        %parallel_loop3A_383 = vector.broadcast %parallel_loop3A_381 : i32 to vector<16xi32>
        %parallel_loop3A_384 = arith.select %parallel_loop3A_379, %parallel_loop3A_382, %parallel_loop3A_383 : vector<16xi1>, vector<16xi32>
        %parallel_loop3A_385 = arith.addi %parallel_loop3A_374, %parallel_loop3A_384 : vector<16xi32>
        scf.yield %parallel_loop3A_385 : vector<16xi32>
      } {sc.loop_unroll_factor = 16 : i64, sc.parallel_access}
      %sub3A_161 = arith.subi %parallel_loop3A_160, %iota3A : vector<16xi32>
      %shift_right_arithmetic3A_162 = arith.constant 4 : i32
      %shift_right_arithmetic3A_163 = vector.broadcast %shift_right_arithmetic3A_162 : i32 to vector<16xi32>
      %shift_right_arithmetic3A_164 = arith.shrsi %sub3A_161, %shift_right_arithmetic3A_163 : vector<16xi32>
      %reduce_max3A_165 = arith.constant true
      %reduce_max3A_166 = vector.broadcast %reduce_max3A_165 : i1 to vector<16xi1>
      %reduce_max3A_167 = arith.constant -2147483648 : i32
      %reduce_max3A_168 = vector.broadcast %reduce_max3A_167 : i32 to vector<16xi32>
      %reduce_max3A_169 = arith.xori %shift_right_arithmetic3A_164, %reduce_max3A_168 : vector<16xi32>
      %reduce_max3A_170 = tpu.scan <max>, %reduce_max3A_169 masked %reduce_max3A_166 : vector<16xi32>, vector<16xi1> -> vector<16xi32>
      %reduce_max3A_171 = arith.xori %reduce_max3A_170, %reduce_max3A_168 : vector<16xi32>
      %reduce_max3A_172 = vector.extract %reduce_max3A_171[15] : i32 from vector<16xi32>
      %while3A_173 = arith.constant 0 : i32
      %while3A_174 = arith.subi %reduce_max3A_172, %while3A_173 : i32
      %while3A_175 = arith.addi %while3A_173, %while3A_174 : i32
      %while3A_176 = arith.constant 1 : i32
      %while3A_177 = arith.divsi %while3A_174, %while3A_176 : i32
      %while3A_178 = arith.muli %while3A_177, %while3A_176 : i32
      %while3A_179 = arith.addi %while3A_173, %while3A_178 : i32
      %while3A_180 = arith.constant 1 : i32
      %while3A_181 = scf.for %while3A_373 = %while3A_173 to %while3A_179 step %while3A_180 iter_args(%while3A_374 = %broadcast_in_dim3A_3) -> (vector<16xf32>)  : i32 {
        %mul3A_375 = arith.constant 16 : i32
        %mul3A_376 = arith.muli %while3A_373, %mul3A_375 : i32
        %get3A = arith.index_cast %mul3A_376 : i32 to index
        %get3A_377 = tpu.vector_load %arg7[%get3A] {strides = array<i32>} : memref<8224xf32, #tpu.memory_space<vmem>>, vector<16xf32>,
        %mul3A_378 = arith.constant 16 : i32
        %mul3A_379 = arith.muli %while3A_373, %mul3A_378 : i32
        %add3A_380 = vector.broadcast %mul3A_379 : i32 to vector<16xi32>
        %add3A_381 = arith.addi %iota3A, %add3A_380 : vector<16xi32>
        %gt3A = arith.cmpi sgt, %parallel_loop3A_160, %add3A_381 : vector<16xi32>
        %jit3A_382 = arith.constant 0x7F800000 : f32
        %broadcast_in_dim3A_383 = vector.broadcast %jit3A_382 : f32 to vector<16xf32>
        %select_n3A_384 = arith.select %gt3A, %get3A_377, %broadcast_in_dim3A_383 : vector<16xi1>, vector<16xf32>
        %sort3A_385 = arith.constant dense<true> : vector<16xi1>
        %sort3A_386, %sort3A_387, %sort3A_388 = tpu.sort %select_n3A_384, %select_n3A_384 masked %sort3A_385 : (vector<16xf32>, vector<16xf32>, vector<16xi1>) -> (vector<16xi1>, vector<16xf32>, vector<16xf32>)
        %rev3A = arith.constant 15 : i32
        %rev3A_389 = vector.broadcast %rev3A : i32 to vector<16xi32>
        %rev3A_390 = tpu.iota {dimensions = array<i32: 0>} : vector<16xi32>
        %rev3A_391 = arith.subi %rev3A_389, %rev3A_390 : vector<16xi32>
        %rev3A_392 = tpu.dynamic_gather %sort3A_387[%rev3A_391] in [0] : vector<16xf32>, vector<16xi32> -> vector<16xf32>
        %min3A = arith.minimumf %while3A_374, %rev3A_392 : vector<16xf32>
        %sort3A_393 = arith.constant dense<true> : vector<16xi1>
        %sort3A_394, %sort3A_395, %sort3A_396 = tpu.sort %min3A, %min3A masked %sort3A_393 : (vector<16xf32>, vector<16xf32>, vector<16xi1>) -> (vector<16xi1>, vector<16xf32>, vector<16xf32>)
        scf.yield %sort3A_395 : vector<16xf32>
      }
      %while3A_182 = arith.constant 1 : i32
      %while3A_183 = scf.for %while3A_373 = %while3A_179 to %while3A_175 step %while3A_182 iter_args(%while3A_374 = %while3A_181) -> (vector<16xf32>)  : i32 {
        %mul3A_375 = arith.constant 16 : i32
        %mul3A_376 = arith.muli %while3A_373, %mul3A_375 : i32
        %get3A = arith.index_cast %mul3A_376 : i32 to index
        %get3A_377 = tpu.vector_load %arg7[%get3A] {strides = array<i32>} : memref<8224xf32, #tpu.memory_space<vmem>>, vector<16xf32>,
        %mul3A_378 = arith.constant 16 : i32
        %mul3A_379 = arith.muli %while3A_373, %mul3A_378 : i32
        %add3A_380 = vector.broadcast %mul3A_379 : i32 to vector<16xi32>
        %add3A_381 = arith.addi %iota3A, %add3A_380 : vector<16xi32>
        %gt3A = arith.cmpi sgt, %parallel_loop3A_160, %add3A_381 : vector<16xi32>
        %jit3A_382 = arith.constant 0x7F800000 : f32
        %broadcast_in_dim3A_383 = vector.broadcast %jit3A_382 : f32 to vector<16xf32>
        %select_n3A_384 = arith.select %gt3A, %get3A_377, %broadcast_in_dim3A_383 : vector<16xi1>, vector<16xf32>
        %sort3A_385 = arith.constant dense<true> : vector<16xi1>
        %sort3A_386, %sort3A_387, %sort3A_388 = tpu.sort %select_n3A_384, %select_n3A_384 masked %sort3A_385 : (vector<16xf32>, vector<16xf32>, vector<16xi1>) -> (vector<16xi1>, vector<16xf32>, vector<16xf32>)
        %rev3A = arith.constant 15 : i32
        %rev3A_389 = vector.broadcast %rev3A : i32 to vector<16xi32>
        %rev3A_390 = tpu.iota {dimensions = array<i32: 0>} : vector<16xi32>
        %rev3A_391 = arith.subi %rev3A_389, %rev3A_390 : vector<16xi32>
        %rev3A_392 = tpu.dynamic_gather %sort3A_387[%rev3A_391] in [0] : vector<16xf32>, vector<16xi32> -> vector<16xf32>
        %min3A = arith.minimumf %while3A_374, %rev3A_392 : vector<16xf32>
        %sort3A_393 = arith.constant dense<true> : vector<16xi1>
        %sort3A_394, %sort3A_395, %sort3A_396 = tpu.sort %min3A, %min3A masked %sort3A_393 : (vector<16xf32>, vector<16xf32>, vector<16xi1>) -> (vector<16xi1>, vector<16xf32>, vector<16xf32>)
        scf.yield %sort3A_395 : vector<16xf32>
      }
      %bitcast_convert_type3A_184 = tpu.bitcast %while3A_183 : vector<16xf32> -> vector<16xi32>
      %shift_right_arithmetic3A_185 = arith.constant 1 : i32
      %shift_right_arithmetic3A_186 = vector.broadcast %shift_right_arithmetic3A_185 : i32 to vector<16xi32>
      %shift_right_arithmetic3A_187 = arith.shrsi %bitcast_convert_type3A_184, %shift_right_arithmetic3A_186 : vector<16xi32>
      %add3A_188 = arith.constant 532487669 : i32
      %add3A_189 = vector.broadcast %add3A_188 : i32 to vector<16xi32>
      %add3A_190 = arith.addi %add3A_189, %shift_right_arithmetic3A_187 : vector<16xi32>
      %bitcast_convert_type3A_191 = tpu.bitcast %add3A_190 : vector<16xi32> -> vector<16xf32>
      %div3A_192 = arith.divf %while3A_183, %bitcast_convert_type3A_191 : vector<16xf32>
      %add3A_193 = arith.addf %bitcast_convert_type3A_191, %div3A_192 : vector<16xf32>
      %mul3A_194 = arith.constant 5.000000e-01 : f32
      %mul3A_195 = vector.broadcast %mul3A_194 : f32 to vector<16xf32>
      %mul3A_196 = arith.mulf %mul3A_195, %add3A_193 : vector<16xf32>
      %div3A_197 = arith.divf %while3A_183, %mul3A_196 : vector<16xf32>
      %add3A_198 = arith.addf %mul3A_196, %div3A_197 : vector<16xf32>
      %mul3A_199 = arith.constant 5.000000e-01 : f32
      %mul3A_200 = vector.broadcast %mul3A_199 : f32 to vector<16xf32>
      %mul3A_201 = arith.mulf %mul3A_200, %add3A_198 : vector<16xf32>
      %div3A_202 = arith.divf %while3A_183, %mul3A_201 : vector<16xf32>
      %add3A_203 = arith.addf %mul3A_201, %div3A_202 : vector<16xf32>
      %mul3A_204 = arith.constant 5.000000e-01 : f32
      %mul3A_205 = vector.broadcast %mul3A_204 : f32 to vector<16xf32>
      %mul3A_206 = arith.mulf %mul3A_205, %add3A_203 : vector<16xf32>
      %lt3A_207 = arith.constant 9 : i32
      %lt3A_208 = vector.broadcast %lt3A_207 : i32 to vector<16xi32>
      %lt3A_209 = arith.cmpi slt, %iota3A, %lt3A_208 : vector<16xi32>
      %jit3A_210 = arith.constant 0xFF800000 : f32
      %broadcast_in_dim3A_211 = vector.broadcast %jit3A_210 : f32 to vector<16xf32>
      %select_n3A_212 = arith.select %lt3A_209, %mul3A_206, %broadcast_in_dim3A_211 : vector<16xi1>, vector<16xf32>
      %reduce_max3A_213 = arith.constant true
      %reduce_max3A_214 = vector.broadcast %reduce_max3A_213 : i1 to vector<16xi1>
      %reduce_max3A_215 = tpu.scan <max>, %select_n3A_212 masked %reduce_max3A_214 : vector<16xf32>, vector<16xi1> -> vector<16xf32>
      %reduce_max3A_216 = vector.extract %reduce_max3A_215[15] : f32 from vector<16xf32>
      %lt3A_217 = arith.constant 9 : i32
      %lt3A_218 = vector.broadcast %lt3A_217 : i32 to vector<16xi32>
      %lt3A_219 = arith.cmpi slt, %iota3A, %lt3A_218 : vector<16xi32>
      %sub3A_220 = vector.broadcast %reduce_max3A_216 : f32 to vector<16xf32>
      %sub3A_221 = arith.subf %mul3A_206, %sub3A_220 : vector<16xf32>
      %exp3A_222 = math.exp %sub3A_221 : vector<16xf32>
      %jit3A_223 = arith.constant 0.000000e+00 : f32
      %broadcast_in_dim3A_224 = vector.broadcast %jit3A_223 : f32 to vector<16xf32>
      %select_n3A_225 = arith.select %lt3A_219, %exp3A_222, %broadcast_in_dim3A_224 : vector<16xi1>, vector<16xf32>
      %reduce_sum3A_226 = arith.constant true
      %reduce_sum3A_227 = vector.broadcast %reduce_sum3A_226 : i1 to vector<16xi1>
      %reduce_sum3A_228 = tpu.scan <sum>, %select_n3A_225 masked %reduce_sum3A_227 : vector<16xf32>, vector<16xi1> -> vector<16xf32>
      %reduce_sum3A_229 = vector.extract %reduce_sum3A_228[15] : f32 from vector<16xf32>
      %broadcast_in_dim3A_230 = vector.broadcast %reduce_sum3A_229 : f32 to vector<16xf32>
      %eq3A_231 = arith.constant 0 : i32
      %eq3A_232 = vector.broadcast %eq3A_231 : i32 to vector<16xi32>
      %eq3A_233 = arith.cmpi eq, %iota3A, %eq3A_232 : vector<16xi32>
      %div3A_234 = arith.divf %select_n3A_225, %broadcast_in_dim3A_230 : vector<16xf32>
      %sub3A_235 = arith.constant 1.000000e+00 : f32
      %sub3A_236 = vector.broadcast %sub3A_235 : f32 to vector<16xf32>
      %sub3A_237 = arith.subf %sub3A_236, %div3A_234 : vector<16xf32>
      %mul3A_238 = arith.mulf %sub3A_237, %mul3A_206 : vector<16xf32>
      %jit3A_239 = arith.constant 0xFF800000 : f32
      %broadcast_in_dim3A_240 = vector.broadcast %jit3A_239 : f32 to vector<16xf32>
      %select_n3A_241 = arith.select %eq3A_233, %mul3A_238, %broadcast_in_dim3A_240 : vector<16xi1>, vector<16xf32>
      %broadcast_in_dim3A_242 = vector.broadcast %mul3A_122 : i32 to vector<16xi32>
      %eq3A_243 = arith.constant 0 : i32
      %eq3A_244 = vector.broadcast %eq3A_243 : i32 to vector<16xi32>
      %eq3A_245 = arith.cmpi eq, %iota3A, %eq3A_244 : vector<16xi32>
      tpu.vector_store_idx %arg8[%broadcast_in_dim3A_242], %select_n3A_241 masked %eq3A_245 : memref<56xf32, #tpu.memory_space<vmem>>[vector<16xi32>], vector<16xf32>, vector<16xi1>
      %max3A_246 = arith.maximumf %scan3A_120, %select_n3A_241 : vector<16xf32>
      %add3A_247 = arith.constant 2 : i32
      %add3A_248 = arith.addi %mul3A_122, %add3A_247 : i32
      %add3A_249 = arith.addi %mul3A_2, %add3A_248 : i32
      %dma_start3A_250 = arith.constant 0 : i32
      %dma_start3A_251 = tpu.memref_slice %arg2[%add3A_249, %dma_start3A_250] : memref<1568x8192xf32, #tpu.memory_space<hbm>> -> memref<1x8192xf32, #tpu.memory_space<hbm>>
      %dma_start3A_252 = tpu.memref_squeeze %dma_start3A_251 : memref<1x8192xf32, #tpu.memory_space<hbm>> -> memref<8192xf32, #tpu.memory_space<hbm>>
      %dma_start3A_253 = arith.constant 0 : i32
      %dma_start3A_254 = tpu.memref_slice %arg2[%add3A_249, %dma_start3A_253] : memref<1568x8192xf32, #tpu.memory_space<hbm>> -> memref<1x8192xf32, #tpu.memory_space<hbm>>
      %dma_start3A_255 = tpu.memref_squeeze %dma_start3A_254 : memref<1x8192xf32, #tpu.memory_space<hbm>> -> memref<8192xf32, #tpu.memory_space<hbm>>
      tpu.enqueue_dma source(%dma_start3A_255 : memref<8192xf32, #tpu.memory_space<hbm>>) target(%arg5 : memref<8192xf32, #tpu.memory_space<vmem>>) target_semaphore(%arg10 : memref<!tpu.dma_semaphore, #tpu.memory_space<semaphore_mem>>)
      %dma_wait3A_256 = arith.constant 0 : i32
      %dma_wait3A_257 = tpu.memref_slice %arg2[%mul3A_2, %dma_wait3A_256] : memref<1568x8192xf32, #tpu.memory_space<hbm>> -> memref<1x8192xf32, #tpu.memory_space<hbm>>
      %dma_wait3A_258 = tpu.memref_squeeze %dma_wait3A_257 : memref<1x8192xf32, #tpu.memory_space<hbm>> -> memref<8192xf32, #tpu.memory_space<hbm>>
      %dma_wait3A_259 = arith.constant 0 : i32
      %dma_wait3A_260 = tpu.memref_slice %arg2[%mul3A_2, %dma_wait3A_259] : memref<1568x8192xf32, #tpu.memory_space<hbm>> -> memref<1x8192xf32, #tpu.memory_space<hbm>>
      %dma_wait3A_261 = tpu.memref_squeeze %dma_wait3A_260 : memref<1x8192xf32, #tpu.memory_space<hbm>> -> memref<8192xf32, #tpu.memory_space<hbm>>
      tpu.wait_dma2 semaphore(%arg11 : memref<!tpu.dma_semaphore, #tpu.memory_space<semaphore_mem>>) src(%dma_wait3A_261 : memref<8192xf32, #tpu.memory_space<hbm>>) dst(%arg6 : memref<8192xf32, #tpu.memory_space<vmem>>)
      %add3A_262 = arith.constant 1 : i32
      %add3A_263 = arith.addi %mul3A_122, %add3A_262 : i32
      %parallel_loop3A_264 = arith.constant 0 : i32
      %parallel_loop3A_265 = arith.constant 128 : i32
      %parallel_loop3A_266 = arith.constant 1 : i32
      %parallel_loop3A_267 = scf.for %parallel_loop3A_373 = %parallel_loop3A_264 to %parallel_loop3A_265 step %parallel_loop3A_266 iter_args(%parallel_loop3A_374 = %broadcast_in_dim3A_3) -> (vector<16xf32>)  : i32 {
        %parallel_loop3A_375 = arith.constant 64 : i32
        %parallel_loop3A_376 = arith.muli %parallel_loop3A_373, %parallel_loop3A_375 : i32
        %parallel_loop3A_377 = arith.index_cast %parallel_loop3A_376 : i32 to index
        %parallel_loop3A_378 = tpu.vector_load %arg6[%parallel_loop3A_377] {strides = array<i32>} : memref<8192xf32, #tpu.memory_space<vmem>>, vector<16xf32>,
        %parallel_loop3A_379 = arith.minimumf %parallel_loop3A_374, %parallel_loop3A_378 : vector<16xf32>
        scf.yield %parallel_loop3A_379 : vector<16xf32>
      } {sc.loop_unroll_factor = 8 : i64, sc.parallel_access}
      %sort3A_268 = arith.constant dense<true> : vector<16xi1>
      %sort3A_269, %sort3A_270, %sort3A_271 = tpu.sort %parallel_loop3A_267, %parallel_loop3A_267 masked %sort3A_268 : (vector<16xf32>, vector<16xf32>, vector<16xi1>) -> (vector<16xi1>, vector<16xf32>, vector<16xf32>)
      %eq3A_272 = arith.constant 9 : i32
      %eq3A_273 = vector.broadcast %eq3A_272 : i32 to vector<16xi32>
      %eq3A_274 = arith.cmpi eq, %iota3A, %eq3A_273 : vector<16xi32>
      %jit3A_275 = arith.constant 0xFF800000 : f32
      %broadcast_in_dim3A_276 = vector.broadcast %jit3A_275 : f32 to vector<16xf32>
      %select_n3A_277 = arith.select %eq3A_274, %sort3A_270, %broadcast_in_dim3A_276 : vector<16xi1>, vector<16xf32>
      %reduce_max3A_278 = arith.constant true
      %reduce_max3A_279 = vector.broadcast %reduce_max3A_278 : i1 to vector<16xi1>
      %reduce_max3A_280 = tpu.scan <max>, %select_n3A_277 masked %reduce_max3A_279 : vector<16xf32>, vector<16xi1> -> vector<16xf32>
      %reduce_max3A_281 = vector.extract %reduce_max3A_280[15] : f32 from vector<16xf32>
      %broadcast_in_dim3A_282 = vector.broadcast %reduce_max3A_281 : f32 to vector<16xf32>
      %parallel_loop3A_283 = arith.constant 0 : i32
      %parallel_loop3A_284 = arith.constant 512 : i32
      %parallel_loop3A_285 = arith.constant 1 : i32
      %parallel_loop3A_286 = scf.for %parallel_loop3A_373 = %parallel_loop3A_283 to %parallel_loop3A_284 step %parallel_loop3A_285 iter_args(%parallel_loop3A_374 = %iota3A) -> (vector<16xi32>)  : i32 {
        %parallel_loop3A_375 = arith.constant 16 : i32
        %parallel_loop3A_376 = arith.muli %parallel_loop3A_373, %parallel_loop3A_375 : i32
        %parallel_loop3A_377 = arith.index_cast %parallel_loop3A_376 : i32 to index
        %parallel_loop3A_378 = tpu.vector_load %arg6[%parallel_loop3A_377] {strides = array<i32>} : memref<8192xf32, #tpu.memory_space<vmem>>, vector<16xf32>,
        %parallel_loop3A_379 = arith.cmpf ole, %parallel_loop3A_378, %broadcast_in_dim3A_282 : vector<16xf32>
        tpu.vector_store_idx %arg7[%parallel_loop3A_374], %parallel_loop3A_378 masked %parallel_loop3A_379 : memref<8224xf32, #tpu.memory_space<vmem>>[vector<16xi32>], vector<16xf32>, vector<16xi1>
        %parallel_loop3A_380 = arith.constant 16 : i32
        %parallel_loop3A_381 = arith.constant 0 : i32
        %parallel_loop3A_382 = vector.broadcast %parallel_loop3A_380 : i32 to vector<16xi32>
        %parallel_loop3A_383 = vector.broadcast %parallel_loop3A_381 : i32 to vector<16xi32>
        %parallel_loop3A_384 = arith.select %parallel_loop3A_379, %parallel_loop3A_382, %parallel_loop3A_383 : vector<16xi1>, vector<16xi32>
        %parallel_loop3A_385 = arith.addi %parallel_loop3A_374, %parallel_loop3A_384 : vector<16xi32>
        scf.yield %parallel_loop3A_385 : vector<16xi32>
      } {sc.loop_unroll_factor = 16 : i64, sc.parallel_access}
      %sub3A_287 = arith.subi %parallel_loop3A_286, %iota3A : vector<16xi32>
      %shift_right_arithmetic3A_288 = arith.constant 4 : i32
      %shift_right_arithmetic3A_289 = vector.broadcast %shift_right_arithmetic3A_288 : i32 to vector<16xi32>
      %shift_right_arithmetic3A_290 = arith.shrsi %sub3A_287, %shift_right_arithmetic3A_289 : vector<16xi32>
      %reduce_max3A_291 = arith.constant true
      %reduce_max3A_292 = vector.broadcast %reduce_max3A_291 : i1 to vector<16xi1>
      %reduce_max3A_293 = arith.constant -2147483648 : i32
      %reduce_max3A_294 = vector.broadcast %reduce_max3A_293 : i32 to vector<16xi32>
      %reduce_max3A_295 = arith.xori %shift_right_arithmetic3A_290, %reduce_max3A_294 : vector<16xi32>
      %reduce_max3A_296 = tpu.scan <max>, %reduce_max3A_295 masked %reduce_max3A_292 : vector<16xi32>, vector<16xi1> -> vector<16xi32>
      %reduce_max3A_297 = arith.xori %reduce_max3A_296, %reduce_max3A_294 : vector<16xi32>
      %reduce_max3A_298 = vector.extract %reduce_max3A_297[15] : i32 from vector<16xi32>
      %while3A_299 = arith.constant 0 : i32
      %while3A_300 = arith.subi %reduce_max3A_298, %while3A_299 : i32
      %while3A_301 = arith.addi %while3A_299, %while3A_300 : i32
      %while3A_302 = arith.constant 1 : i32
      %while3A_303 = arith.divsi %while3A_300, %while3A_302 : i32
      %while3A_304 = arith.muli %while3A_303, %while3A_302 : i32
      %while3A_305 = arith.addi %while3A_299, %while3A_304 : i32
      %while3A_306 = arith.constant 1 : i32
      %while3A_307 = scf.for %while3A_373 = %while3A_299 to %while3A_305 step %while3A_306 iter_args(%while3A_374 = %broadcast_in_dim3A_3) -> (vector<16xf32>)  : i32 {
        %mul3A_375 = arith.constant 16 : i32
        %mul3A_376 = arith.muli %while3A_373, %mul3A_375 : i32
        %get3A = arith.index_cast %mul3A_376 : i32 to index
        %get3A_377 = tpu.vector_load %arg7[%get3A] {strides = array<i32>} : memref<8224xf32, #tpu.memory_space<vmem>>, vector<16xf32>,
        %mul3A_378 = arith.constant 16 : i32
        %mul3A_379 = arith.muli %while3A_373, %mul3A_378 : i32
        %add3A_380 = vector.broadcast %mul3A_379 : i32 to vector<16xi32>
        %add3A_381 = arith.addi %iota3A, %add3A_380 : vector<16xi32>
        %gt3A = arith.cmpi sgt, %parallel_loop3A_286, %add3A_381 : vector<16xi32>
        %jit3A_382 = arith.constant 0x7F800000 : f32
        %broadcast_in_dim3A_383 = vector.broadcast %jit3A_382 : f32 to vector<16xf32>
        %select_n3A_384 = arith.select %gt3A, %get3A_377, %broadcast_in_dim3A_383 : vector<16xi1>, vector<16xf32>
        %sort3A_385 = arith.constant dense<true> : vector<16xi1>
        %sort3A_386, %sort3A_387, %sort3A_388 = tpu.sort %select_n3A_384, %select_n3A_384 masked %sort3A_385 : (vector<16xf32>, vector<16xf32>, vector<16xi1>) -> (vector<16xi1>, vector<16xf32>, vector<16xf32>)
        %rev3A = arith.constant 15 : i32
        %rev3A_389 = vector.broadcast %rev3A : i32 to vector<16xi32>
        %rev3A_390 = tpu.iota {dimensions = array<i32: 0>} : vector<16xi32>
        %rev3A_391 = arith.subi %rev3A_389, %rev3A_390 : vector<16xi32>
        %rev3A_392 = tpu.dynamic_gather %sort3A_387[%rev3A_391] in [0] : vector<16xf32>, vector<16xi32> -> vector<16xf32>
        %min3A = arith.minimumf %while3A_374, %rev3A_392 : vector<16xf32>
        %sort3A_393 = arith.constant dense<true> : vector<16xi1>
        %sort3A_394, %sort3A_395, %sort3A_396 = tpu.sort %min3A, %min3A masked %sort3A_393 : (vector<16xf32>, vector<16xf32>, vector<16xi1>) -> (vector<16xi1>, vector<16xf32>, vector<16xf32>)
        scf.yield %sort3A_395 : vector<16xf32>
      }
      %while3A_308 = arith.constant 1 : i32
      %while3A_309 = scf.for %while3A_373 = %while3A_305 to %while3A_301 step %while3A_308 iter_args(%while3A_374 = %while3A_307) -> (vector<16xf32>)  : i32 {
        %mul3A_375 = arith.constant 16 : i32
        %mul3A_376 = arith.muli %while3A_373, %mul3A_375 : i32
        %get3A = arith.index_cast %mul3A_376 : i32 to index
        %get3A_377 = tpu.vector_load %arg7[%get3A] {strides = array<i32>} : memref<8224xf32, #tpu.memory_space<vmem>>, vector<16xf32>,
        %mul3A_378 = arith.constant 16 : i32
        %mul3A_379 = arith.muli %while3A_373, %mul3A_378 : i32
        %add3A_380 = vector.broadcast %mul3A_379 : i32 to vector<16xi32>
        %add3A_381 = arith.addi %iota3A, %add3A_380 : vector<16xi32>
        %gt3A = arith.cmpi sgt, %parallel_loop3A_286, %add3A_381 : vector<16xi32>
        %jit3A_382 = arith.constant 0x7F800000 : f32
        %broadcast_in_dim3A_383 = vector.broadcast %jit3A_382 : f32 to vector<16xf32>
        %select_n3A_384 = arith.select %gt3A, %get3A_377, %broadcast_in_dim3A_383 : vector<16xi1>, vector<16xf32>
        %sort3A_385 = arith.constant dense<true> : vector<16xi1>
        %sort3A_386, %sort3A_387, %sort3A_388 = tpu.sort %select_n3A_384, %select_n3A_384 masked %sort3A_385 : (vector<16xf32>, vector<16xf32>, vector<16xi1>) -> (vector<16xi1>, vector<16xf32>, vector<16xf32>)
        %rev3A = arith.constant 15 : i32
        %rev3A_389 = vector.broadcast %rev3A : i32 to vector<16xi32>
        %rev3A_390 = tpu.iota {dimensions = array<i32: 0>} : vector<16xi32>
        %rev3A_391 = arith.subi %rev3A_389, %rev3A_390 : vector<16xi32>
        %rev3A_392 = tpu.dynamic_gather %sort3A_387[%rev3A_391] in [0] : vector<16xf32>, vector<16xi32> -> vector<16xf32>
        %min3A = arith.minimumf %while3A_374, %rev3A_392 : vector<16xf32>
        %sort3A_393 = arith.constant dense<true> : vector<16xi1>
        %sort3A_394, %sort3A_395, %sort3A_396 = tpu.sort %min3A, %min3A masked %sort3A_393 : (vector<16xf32>, vector<16xf32>, vector<16xi1>) -> (vector<16xi1>, vector<16xf32>, vector<16xf32>)
        scf.yield %sort3A_395 : vector<16xf32>
      }
      %bitcast_convert_type3A_310 = tpu.bitcast %while3A_309 : vector<16xf32> -> vector<16xi32>
      %shift_right_arithmetic3A_311 = arith.constant 1 : i32
      %shift_right_arithmetic3A_312 = vector.broadcast %shift_right_arithmetic3A_311 : i32 to vector<16xi32>
      %shift_right_arithmetic3A_313 = arith.shrsi %bitcast_convert_type3A_310, %shift_right_arithmetic3A_312 : vector<16xi32>
      %add3A_314 = arith.constant 532487669 : i32
      %add3A_315 = vector.broadcast %add3A_314 : i32 to vector<16xi32>
      %add3A_316 = arith.addi %add3A_315, %shift_right_arithmetic3A_313 : vector<16xi32>
      %bitcast_convert_type3A_317 = tpu.bitcast %add3A_316 : vector<16xi32> -> vector<16xf32>
      %div3A_318 = arith.divf %while3A_309, %bitcast_convert_type3A_317 : vector<16xf32>
      %add3A_319 = arith.addf %bitcast_convert_type3A_317, %div3A_318 : vector<16xf32>
      %mul3A_320 = arith.constant 5.000000e-01 : f32
      %mul3A_321 = vector.broadcast %mul3A_320 : f32 to vector<16xf32>
      %mul3A_322 = arith.mulf %mul3A_321, %add3A_319 : vector<16xf32>
      %div3A_323 = arith.divf %while3A_309, %mul3A_322 : vector<16xf32>
      %add3A_324 = arith.addf %mul3A_322, %div3A_323 : vector<16xf32>
      %mul3A_325 = arith.constant 5.000000e-01 : f32
      %mul3A_326 = vector.broadcast %mul3A_325 : f32 to vector<16xf32>
      %mul3A_327 = arith.mulf %mul3A_326, %add3A_324 : vector<16xf32>
      %div3A_328 = arith.divf %while3A_309, %mul3A_327 : vector<16xf32>
      %add3A_329 = arith.addf %mul3A_327, %div3A_328 : vector<16xf32>
      %mul3A_330 = arith.constant 5.000000e-01 : f32
      %mul3A_331 = vector.broadcast %mul3A_330 : f32 to vector<16xf32>
      %mul3A_332 = arith.mulf %mul3A_331, %add3A_329 : vector<16xf32>
      %lt3A_333 = arith.constant 9 : i32
      %lt3A_334 = vector.broadcast %lt3A_333 : i32 to vector<16xi32>
      %lt3A_335 = arith.cmpi slt, %iota3A, %lt3A_334 : vector<16xi32>
      %jit3A_336 = arith.constant 0xFF800000 : f32
      %broadcast_in_dim3A_337 = vector.broadcast %jit3A_336 : f32 to vector<16xf32>
      %select_n3A_338 = arith.select %lt3A_335, %mul3A_332, %broadcast_in_dim3A_337 : vector<16xi1>, vector<16xf32>
      %reduce_max3A_339 = arith.constant true
      %reduce_max3A_340 = vector.broadcast %reduce_max3A_339 : i1 to vector<16xi1>
      %reduce_max3A_341 = tpu.scan <max>, %select_n3A_338 masked %reduce_max3A_340 : vector<16xf32>, vector<16xi1> -> vector<16xf32>
      %reduce_max3A_342 = vector.extract %reduce_max3A_341[15] : f32 from vector<16xf32>
      %lt3A_343 = arith.constant 9 : i32
      %lt3A_344 = vector.broadcast %lt3A_343 : i32 to vector<16xi32>
      %lt3A_345 = arith.cmpi slt, %iota3A, %lt3A_344 : vector<16xi32>
      %sub3A_346 = vector.broadcast %reduce_max3A_342 : f32 to vector<16xf32>
      %sub3A_347 = arith.subf %mul3A_332, %sub3A_346 : vector<16xf32>
      %exp3A_348 = math.exp %sub3A_347 : vector<16xf32>
      %jit3A_349 = arith.constant 0.000000e+00 : f32
      %broadcast_in_dim3A_350 = vector.broadcast %jit3A_349 : f32 to vector<16xf32>
      %select_n3A_351 = arith.select %lt3A_345, %exp3A_348, %broadcast_in_dim3A_350 : vector<16xi1>, vector<16xf32>
      %reduce_sum3A_352 = arith.constant true
      %reduce_sum3A_353 = vector.broadcast %reduce_sum3A_352 : i1 to vector<16xi1>
      %reduce_sum3A_354 = tpu.scan <sum>, %select_n3A_351 masked %reduce_sum3A_353 : vector<16xf32>, vector<16xi1> -> vector<16xf32>
      %reduce_sum3A_355 = vector.extract %reduce_sum3A_354[15] : f32 from vector<16xf32>
      %broadcast_in_dim3A_356 = vector.broadcast %reduce_sum3A_355 : f32 to vector<16xf32>
      %eq3A_357 = arith.constant 0 : i32
      %eq3A_358 = vector.broadcast %eq3A_357 : i32 to vector<16xi32>
      %eq3A_359 = arith.cmpi eq, %iota3A, %eq3A_358 : vector<16xi32>
      %div3A_360 = arith.divf %select_n3A_351, %broadcast_in_dim3A_356 : vector<16xf32>
      %sub3A_361 = arith.constant 1.000000e+00 : f32
      %sub3A_362 = vector.broadcast %sub3A_361 : f32 to vector<16xf32>
      %sub3A_363 = arith.subf %sub3A_362, %div3A_360 : vector<16xf32>
      %mul3A_364 = arith.mulf %sub3A_363, %mul3A_332 : vector<16xf32>
      %jit3A_365 = arith.constant 0xFF800000 : f32
      %broadcast_in_dim3A_366 = vector.broadcast %jit3A_365 : f32 to vector<16xf32>
      %select_n3A_367 = arith.select %eq3A_359, %mul3A_364, %broadcast_in_dim3A_366 : vector<16xi1>, vector<16xf32>
      %broadcast_in_dim3A_368 = vector.broadcast %add3A_263 : i32 to vector<16xi32>
      %eq3A_369 = arith.constant 0 : i32
      %eq3A_370 = vector.broadcast %eq3A_369 : i32 to vector<16xi32>
      %eq3A_371 = arith.cmpi eq, %iota3A, %eq3A_370 : vector<16xi32>
      tpu.vector_store_idx %arg8[%broadcast_in_dim3A_368], %select_n3A_367 masked %eq3A_371 : memref<56xf32, #tpu.memory_space<vmem>>[vector<16xi32>], vector<16xf32>, vector<16xi1>
      %max3A_372 = arith.maximumf %max3A_246, %select_n3A_367 : vector<16xf32>
      scf.yield %max3A_372 : vector<16xf32>
    }
    %scan3A_17 = arith.constant 24 : i32
    %dma_wait3A = arith.constant 0 : i32
    %dma_wait3A_18 = tpu.memref_slice %arg2[%mul3A_2, %dma_wait3A] : memref<1568x8192xf32, #tpu.memory_space<hbm>> -> memref<1x8192xf32, #tpu.memory_space<hbm>>
    %dma_wait3A_19 = tpu.memref_squeeze %dma_wait3A_18 : memref<1x8192xf32, #tpu.memory_space<hbm>> -> memref<8192xf32, #tpu.memory_space<hbm>>
    %dma_wait3A_20 = arith.constant 0 : i32
    %dma_wait3A_21 = tpu.memref_slice %arg2[%mul3A_2, %dma_wait3A_20] : memref<1568x8192xf32, #tpu.memory_space<hbm>> -> memref<1x8192xf32, #tpu.memory_space<hbm>>
    %dma_wait3A_22 = tpu.memref_squeeze %dma_wait3A_21 : memref<1x8192xf32, #tpu.memory_space<hbm>> -> memref<8192xf32, #tpu.memory_space<hbm>>
    tpu.wait_dma2 semaphore(%arg10 : memref<!tpu.dma_semaphore, #tpu.memory_space<semaphore_mem>>) src(%dma_wait3A_22 : memref<8192xf32, #tpu.memory_space<hbm>>) dst(%arg5 : memref<8192xf32, #tpu.memory_space<vmem>>)
    %parallel_loop3A = arith.constant 0 : i32
    %parallel_loop3A_23 = arith.constant 128 : i32
    %parallel_loop3A_24 = arith.constant 1 : i32
    %parallel_loop3A_25 = scf.for %parallel_loop3A_119 = %parallel_loop3A to %parallel_loop3A_23 step %parallel_loop3A_24 iter_args(%parallel_loop3A_120 = %broadcast_in_dim3A_3) -> (vector<16xf32>)  : i32 {
      %parallel_loop3A_121 = arith.constant 64 : i32
      %parallel_loop3A_122 = arith.muli %parallel_loop3A_119, %parallel_loop3A_121 : i32
      %parallel_loop3A_123 = arith.index_cast %parallel_loop3A_122 : i32 to index
      %parallel_loop3A_124 = tpu.vector_load %arg5[%parallel_loop3A_123] {strides = array<i32>} : memref<8192xf32, #tpu.memory_space<vmem>>, vector<16xf32>,
      %parallel_loop3A_125 = arith.minimumf %parallel_loop3A_120, %parallel_loop3A_124 : vector<16xf32>
      scf.yield %parallel_loop3A_125 : vector<16xf32>
    } {sc.loop_unroll_factor = 8 : i64, sc.parallel_access}
    %sort3A = arith.constant dense<true> : vector<16xi1>
    %sort3A_26, %sort3A_27, %sort3A_28 = tpu.sort %parallel_loop3A_25, %parallel_loop3A_25 masked %sort3A : (vector<16xf32>, vector<16xf32>, vector<16xi1>) -> (vector<16xi1>, vector<16xf32>, vector<16xf32>)
    %eq3A = arith.constant 9 : i32
    %eq3A_29 = vector.broadcast %eq3A : i32 to vector<16xi32>
    %eq3A_30 = arith.cmpi eq, %iota3A, %eq3A_29 : vector<16xi32>
    %jit3A = arith.constant 0xFF800000 : f32
    %broadcast_in_dim3A_31 = vector.broadcast %jit3A : f32 to vector<16xf32>
    %select_n3A = arith.select %eq3A_30, %sort3A_27, %broadcast_in_dim3A_31 : vector<16xi1>, vector<16xf32>
    %reduce_max3A = arith.constant true
    %reduce_max3A_32 = vector.broadcast %reduce_max3A : i1 to vector<16xi1>
    %reduce_max3A_33 = tpu.scan <max>, %select_n3A masked %reduce_max3A_32 : vector<16xf32>, vector<16xi1> -> vector<16xf32>
    %reduce_max3A_34 = vector.extract %reduce_max3A_33[15] : f32 from vector<16xf32>
    %broadcast_in_dim3A_35 = vector.broadcast %reduce_max3A_34 : f32 to vector<16xf32>
    %parallel_loop3A_36 = arith.constant 0 : i32
    %parallel_loop3A_37 = arith.constant 512 : i32
    %parallel_loop3A_38 = arith.constant 1 : i32
    %parallel_loop3A_39 = scf.for %parallel_loop3A_119 = %parallel_loop3A_36 to %parallel_loop3A_37 step %parallel_loop3A_38 iter_args(%parallel_loop3A_120 = %iota3A) -> (vector<16xi32>)  : i32 {
      %parallel_loop3A_121 = arith.constant 16 : i32
      %parallel_loop3A_122 = arith.muli %parallel_loop3A_119, %parallel_loop3A_121 : i32
      %parallel_loop3A_123 = arith.index_cast %parallel_loop3A_122 : i32 to index
      %parallel_loop3A_124 = tpu.vector_load %arg5[%parallel_loop3A_123] {strides = array<i32>} : memref<8192xf32, #tpu.memory_space<vmem>>, vector<16xf32>,
      %parallel_loop3A_125 = arith.cmpf ole, %parallel_loop3A_124, %broadcast_in_dim3A_35 : vector<16xf32>
      tpu.vector_store_idx %arg7[%parallel_loop3A_120], %parallel_loop3A_124 masked %parallel_loop3A_125 : memref<8224xf32, #tpu.memory_space<vmem>>[vector<16xi32>], vector<16xf32>, vector<16xi1>
      %parallel_loop3A_126 = arith.constant 16 : i32
      %parallel_loop3A_127 = arith.constant 0 : i32
      %parallel_loop3A_128 = vector.broadcast %parallel_loop3A_126 : i32 to vector<16xi32>
      %parallel_loop3A_129 = vector.broadcast %parallel_loop3A_127 : i32 to vector<16xi32>
      %parallel_loop3A_130 = arith.select %parallel_loop3A_125, %parallel_loop3A_128, %parallel_loop3A_129 : vector<16xi1>, vector<16xi32>
      %parallel_loop3A_131 = arith.addi %parallel_loop3A_120, %parallel_loop3A_130 : vector<16xi32>
      scf.yield %parallel_loop3A_131 : vector<16xi32>
    } {sc.loop_unroll_factor = 16 : i64, sc.parallel_access}
    %sub3A = arith.subi %parallel_loop3A_39, %iota3A : vector<16xi32>
    %shift_right_arithmetic3A = arith.constant 4 : i32
    %shift_right_arithmetic3A_40 = vector.broadcast %shift_right_arithmetic3A : i32 to vector<16xi32>
    %shift_right_arithmetic3A_41 = arith.shrsi %sub3A, %shift_right_arithmetic3A_40 : vector<16xi32>
    %reduce_max3A_42 = arith.constant true
    %reduce_max3A_43 = vector.broadcast %reduce_max3A_42 : i1 to vector<16xi1>
    %reduce_max3A_44 = arith.constant -2147483648 : i32
    %reduce_max3A_45 = vector.broadcast %reduce_max3A_44 : i32 to vector<16xi32>
    %reduce_max3A_46 = arith.xori %shift_right_arithmetic3A_41, %reduce_max3A_45 : vector<16xi32>
    %reduce_max3A_47 = tpu.scan <max>, %reduce_max3A_46 masked %reduce_max3A_43 : vector<16xi32>, vector<16xi1> -> vector<16xi32>
    %reduce_max3A_48 = arith.xori %reduce_max3A_47, %reduce_max3A_45 : vector<16xi32>
    %reduce_max3A_49 = vector.extract %reduce_max3A_48[15] : i32 from vector<16xi32>
    %while3A = arith.constant 0 : i32
    %while3A_50 = arith.subi %reduce_max3A_49, %while3A : i32
    %while3A_51 = arith.addi %while3A, %while3A_50 : i32
    %while3A_52 = arith.constant 1 : i32
    %while3A_53 = arith.divsi %while3A_50, %while3A_52 : i32
    %while3A_54 = arith.muli %while3A_53, %while3A_52 : i32
    %while3A_55 = arith.addi %while3A, %while3A_54 : i32
    %while3A_56 = arith.constant 1 : i32
    %while3A_57 = scf.for %while3A_119 = %while3A to %while3A_55 step %while3A_56 iter_args(%while3A_120 = %broadcast_in_dim3A_3) -> (vector<16xf32>)  : i32 {
      %mul3A_121 = arith.constant 16 : i32
      %mul3A_122 = arith.muli %while3A_119, %mul3A_121 : i32
      %get3A = arith.index_cast %mul3A_122 : i32 to index
      %get3A_123 = tpu.vector_load %arg7[%get3A] {strides = array<i32>} : memref<8224xf32, #tpu.memory_space<vmem>>, vector<16xf32>,
      %mul3A_124 = arith.constant 16 : i32
      %mul3A_125 = arith.muli %while3A_119, %mul3A_124 : i32
      %add3A_126 = vector.broadcast %mul3A_125 : i32 to vector<16xi32>
      %add3A_127 = arith.addi %iota3A, %add3A_126 : vector<16xi32>
      %gt3A = arith.cmpi sgt, %parallel_loop3A_39, %add3A_127 : vector<16xi32>
      %jit3A_128 = arith.constant 0x7F800000 : f32
      %broadcast_in_dim3A_129 = vector.broadcast %jit3A_128 : f32 to vector<16xf32>
      %select_n3A_130 = arith.select %gt3A, %get3A_123, %broadcast_in_dim3A_129 : vector<16xi1>, vector<16xf32>
      %sort3A_131 = arith.constant dense<true> : vector<16xi1>
      %sort3A_132, %sort3A_133, %sort3A_134 = tpu.sort %select_n3A_130, %select_n3A_130 masked %sort3A_131 : (vector<16xf32>, vector<16xf32>, vector<16xi1>) -> (vector<16xi1>, vector<16xf32>, vector<16xf32>)
      %rev3A = arith.constant 15 : i32
      %rev3A_135 = vector.broadcast %rev3A : i32 to vector<16xi32>
      %rev3A_136 = tpu.iota {dimensions = array<i32: 0>} : vector<16xi32>
      %rev3A_137 = arith.subi %rev3A_135, %rev3A_136 : vector<16xi32>
      %rev3A_138 = tpu.dynamic_gather %sort3A_133[%rev3A_137] in [0] : vector<16xf32>, vector<16xi32> -> vector<16xf32>
      %min3A = arith.minimumf %while3A_120, %rev3A_138 : vector<16xf32>
      %sort3A_139 = arith.constant dense<true> : vector<16xi1>
      %sort3A_140, %sort3A_141, %sort3A_142 = tpu.sort %min3A, %min3A masked %sort3A_139 : (vector<16xf32>, vector<16xf32>, vector<16xi1>) -> (vector<16xi1>, vector<16xf32>, vector<16xf32>)
      scf.yield %sort3A_141 : vector<16xf32>
    }
    %while3A_58 = arith.constant 1 : i32
    %while3A_59 = scf.for %while3A_119 = %while3A_55 to %while3A_51 step %while3A_58 iter_args(%while3A_120 = %while3A_57) -> (vector<16xf32>)  : i32 {
      %mul3A_121 = arith.constant 16 : i32
      %mul3A_122 = arith.muli %while3A_119, %mul3A_121 : i32
      %get3A = arith.index_cast %mul3A_122 : i32 to index
      %get3A_123 = tpu.vector_load %arg7[%get3A] {strides = array<i32>} : memref<8224xf32, #tpu.memory_space<vmem>>, vector<16xf32>,
      %mul3A_124 = arith.constant 16 : i32
      %mul3A_125 = arith.muli %while3A_119, %mul3A_124 : i32
      %add3A_126 = vector.broadcast %mul3A_125 : i32 to vector<16xi32>
      %add3A_127 = arith.addi %iota3A, %add3A_126 : vector<16xi32>
      %gt3A = arith.cmpi sgt, %parallel_loop3A_39, %add3A_127 : vector<16xi32>
      %jit3A_128 = arith.constant 0x7F800000 : f32
      %broadcast_in_dim3A_129 = vector.broadcast %jit3A_128 : f32 to vector<16xf32>
      %select_n3A_130 = arith.select %gt3A, %get3A_123, %broadcast_in_dim3A_129 : vector<16xi1>, vector<16xf32>
      %sort3A_131 = arith.constant dense<true> : vector<16xi1>
      %sort3A_132, %sort3A_133, %sort3A_134 = tpu.sort %select_n3A_130, %select_n3A_130 masked %sort3A_131 : (vector<16xf32>, vector<16xf32>, vector<16xi1>) -> (vector<16xi1>, vector<16xf32>, vector<16xf32>)
      %rev3A = arith.constant 15 : i32
      %rev3A_135 = vector.broadcast %rev3A : i32 to vector<16xi32>
      %rev3A_136 = tpu.iota {dimensions = array<i32: 0>} : vector<16xi32>
      %rev3A_137 = arith.subi %rev3A_135, %rev3A_136 : vector<16xi32>
      %rev3A_138 = tpu.dynamic_gather %sort3A_133[%rev3A_137] in [0] : vector<16xf32>, vector<16xi32> -> vector<16xf32>
      %min3A = arith.minimumf %while3A_120, %rev3A_138 : vector<16xf32>
      %sort3A_139 = arith.constant dense<true> : vector<16xi1>
      %sort3A_140, %sort3A_141, %sort3A_142 = tpu.sort %min3A, %min3A masked %sort3A_139 : (vector<16xf32>, vector<16xf32>, vector<16xi1>) -> (vector<16xi1>, vector<16xf32>, vector<16xf32>)
      scf.yield %sort3A_141 : vector<16xf32>
    }
    %bitcast_convert_type3A = tpu.bitcast %while3A_59 : vector<16xf32> -> vector<16xi32>
    %shift_right_arithmetic3A_60 = arith.constant 1 : i32
    %shift_right_arithmetic3A_61 = vector.broadcast %shift_right_arithmetic3A_60 : i32 to vector<16xi32>
    %shift_right_arithmetic3A_62 = arith.shrsi %bitcast_convert_type3A, %shift_right_arithmetic3A_61 : vector<16xi32>
    %add3A_63 = arith.constant 532487669 : i32
    %add3A_64 = vector.broadcast %add3A_63 : i32 to vector<16xi32>
    %add3A_65 = arith.addi %add3A_64, %shift_right_arithmetic3A_62 : vector<16xi32>
    %bitcast_convert_type3A_66 = tpu.bitcast %add3A_65 : vector<16xi32> -> vector<16xf32>
    %div3A = arith.divf %while3A_59, %bitcast_convert_type3A_66 : vector<16xf32>
    %add3A_67 = arith.addf %bitcast_convert_type3A_66, %div3A : vector<16xf32>
    %mul3A_68 = arith.constant 5.000000e-01 : f32
    %mul3A_69 = vector.broadcast %mul3A_68 : f32 to vector<16xf32>
    %mul3A_70 = arith.mulf %mul3A_69, %add3A_67 : vector<16xf32>
    %div3A_71 = arith.divf %while3A_59, %mul3A_70 : vector<16xf32>
    %add3A_72 = arith.addf %mul3A_70, %div3A_71 : vector<16xf32>
    %mul3A_73 = arith.constant 5.000000e-01 : f32
    %mul3A_74 = vector.broadcast %mul3A_73 : f32 to vector<16xf32>
    %mul3A_75 = arith.mulf %mul3A_74, %add3A_72 : vector<16xf32>
    %div3A_76 = arith.divf %while3A_59, %mul3A_75 : vector<16xf32>
    %add3A_77 = arith.addf %mul3A_75, %div3A_76 : vector<16xf32>
    %mul3A_78 = arith.constant 5.000000e-01 : f32
    %mul3A_79 = vector.broadcast %mul3A_78 : f32 to vector<16xf32>
    %mul3A_80 = arith.mulf %mul3A_79, %add3A_77 : vector<16xf32>
    %lt3A = arith.constant 9 : i32
    %lt3A_81 = vector.broadcast %lt3A : i32 to vector<16xi32>
    %lt3A_82 = arith.cmpi slt, %iota3A, %lt3A_81 : vector<16xi32>
    %jit3A_83 = arith.constant 0xFF800000 : f32
    %broadcast_in_dim3A_84 = vector.broadcast %jit3A_83 : f32 to vector<16xf32>
    %select_n3A_85 = arith.select %lt3A_82, %mul3A_80, %broadcast_in_dim3A_84 : vector<16xi1>, vector<16xf32>
    %reduce_max3A_86 = arith.constant true
    %reduce_max3A_87 = vector.broadcast %reduce_max3A_86 : i1 to vector<16xi1>
    %reduce_max3A_88 = tpu.scan <max>, %select_n3A_85 masked %reduce_max3A_87 : vector<16xf32>, vector<16xi1> -> vector<16xf32>
    %reduce_max3A_89 = vector.extract %reduce_max3A_88[15] : f32 from vector<16xf32>
    %lt3A_90 = arith.constant 9 : i32
    %lt3A_91 = vector.broadcast %lt3A_90 : i32 to vector<16xi32>
    %lt3A_92 = arith.cmpi slt, %iota3A, %lt3A_91 : vector<16xi32>
    %sub3A_93 = vector.broadcast %reduce_max3A_89 : f32 to vector<16xf32>
    %sub3A_94 = arith.subf %mul3A_80, %sub3A_93 : vector<16xf32>
    %exp3A = math.exp %sub3A_94 : vector<16xf32>
    %jit3A_95 = arith.constant 0.000000e+00 : f32
    %broadcast_in_dim3A_96 = vector.broadcast %jit3A_95 : f32 to vector<16xf32>
    %select_n3A_97 = arith.select %lt3A_92, %exp3A, %broadcast_in_dim3A_96 : vector<16xi1>, vector<16xf32>
    %reduce_sum3A = arith.constant true
    %reduce_sum3A_98 = vector.broadcast %reduce_sum3A : i1 to vector<16xi1>
    %reduce_sum3A_99 = tpu.scan <sum>, %select_n3A_97 masked %reduce_sum3A_98 : vector<16xf32>, vector<16xi1> -> vector<16xf32>
    %reduce_sum3A_100 = vector.extract %reduce_sum3A_99[15] : f32 from vector<16xf32>
    %broadcast_in_dim3A_101 = vector.broadcast %reduce_sum3A_100 : f32 to vector<16xf32>
    %eq3A_102 = arith.constant 0 : i32
    %eq3A_103 = vector.broadcast %eq3A_102 : i32 to vector<16xi32>
    %eq3A_104 = arith.cmpi eq, %iota3A, %eq3A_103 : vector<16xi32>
    %div3A_105 = arith.divf %select_n3A_97, %broadcast_in_dim3A_101 : vector<16xf32>
    %sub3A_106 = arith.constant 1.000000e+00 : f32
    %sub3A_107 = vector.broadcast %sub3A_106 : f32 to vector<16xf32>
    %sub3A_108 = arith.subf %sub3A_107, %div3A_105 : vector<16xf32>
    %mul3A_109 = arith.mulf %sub3A_108, %mul3A_80 : vector<16xf32>
    %jit3A_110 = arith.constant 0xFF800000 : f32
    %broadcast_in_dim3A_111 = vector.broadcast %jit3A_110 : f32 to vector<16xf32>
    %select_n3A_112 = arith.select %eq3A_104, %mul3A_109, %broadcast_in_dim3A_111 : vector<16xi1>, vector<16xf32>
    %broadcast_in_dim3A_113 = arith.constant 48 : i32
    %broadcast_in_dim3A_114 = vector.broadcast %broadcast_in_dim3A_113 : i32 to vector<16xi32>
    %eq3A_115 = arith.constant 0 : i32
    %eq3A_116 = vector.broadcast %eq3A_115 : i32 to vector<16xi32>
    %eq3A_117 = arith.cmpi eq, %iota3A, %eq3A_116 : vector<16xi32>
    tpu.vector_store_idx %arg8[%broadcast_in_dim3A_114], %select_n3A_112 masked %eq3A_117 : memref<56xf32, #tpu.memory_space<vmem>>[vector<16xi32>], vector<16xf32>, vector<16xi1>
    %max3A = arith.maximumf %scan3A_16, %select_n3A_112 : vector<16xf32>
    %swap3A = arith.constant 0 : index
    %swap3A_118 = tpu.vector_load %arg9[%swap3A] {strides = array<i32>} : memref<16xf32, #tpu.memory_space<vmem>>, vector<16xf32>,
    tpu.vector_store %arg9[%swap3A], %max3A {strides = array<i32>} : memref<16xf32, #tpu.memory_space<vmem>>, vector<16xf32>,
    "tpu.region"() ({
      %run_scoped3A = tpu.sem_alloc : memref<!tpu.dma_semaphore, #tpu.memory_space<semaphore_mem>>
      %dma_start3A_119 = arith.constant 0 : i32
      %dma_start3A_120 = tpu.memref_slice %arg4[%add3A, %dma_start3A_119] : memref<32x16xf32, #tpu.memory_space<hbm>> -> memref<1x16xf32, #tpu.memory_space<hbm>>
      %dma_start3A_121 = tpu.memref_squeeze %dma_start3A_120 : memref<1x16xf32, #tpu.memory_space<hbm>> -> memref<16xf32, #tpu.memory_space<hbm>>
      %dma_start3A_122 = arith.constant 0 : i32
      %dma_start3A_123 = tpu.memref_slice %arg4[%add3A, %dma_start3A_122] : memref<32x16xf32, #tpu.memory_space<hbm>> -> memref<1x16xf32, #tpu.memory_space<hbm>>
      %dma_start3A_124 = tpu.memref_squeeze %dma_start3A_123 : memref<1x16xf32, #tpu.memory_space<hbm>> -> memref<16xf32, #tpu.memory_space<hbm>>
      tpu.enqueue_dma source(%arg9 : memref<16xf32, #tpu.memory_space<vmem>>) target(%dma_start3A_124 : memref<16xf32, #tpu.memory_space<hbm>>) target_semaphore(%run_scoped3A : memref<!tpu.dma_semaphore, #tpu.memory_space<semaphore_mem>>)
      %dma_wait3A_125 = arith.constant 0 : i32
      %dma_wait3A_126 = tpu.memref_slice %arg4[%add3A, %dma_wait3A_125] : memref<32x16xf32, #tpu.memory_space<hbm>> -> memref<1x16xf32, #tpu.memory_space<hbm>>
      %dma_wait3A_127 = tpu.memref_squeeze %dma_wait3A_126 : memref<1x16xf32, #tpu.memory_space<hbm>> -> memref<16xf32, #tpu.memory_space<hbm>>
      %dma_wait3A_128 = arith.constant 0 : i32
      %dma_wait3A_129 = tpu.memref_slice %arg4[%add3A, %dma_wait3A_128] : memref<32x16xf32, #tpu.memory_space<hbm>> -> memref<1x16xf32, #tpu.memory_space<hbm>>
      %dma_wait3A_130 = tpu.memref_squeeze %dma_wait3A_129 : memref<1x16xf32, #tpu.memory_space<hbm>> -> memref<16xf32, #tpu.memory_space<hbm>>
      tpu.wait_dma2 semaphore(%run_scoped3A : memref<!tpu.dma_semaphore, #tpu.memory_space<semaphore_mem>>) src(%arg9 : memref<16xf32, #tpu.memory_space<vmem>>) dst(%dma_wait3A_130 : memref<16xf32, #tpu.memory_space<hbm>>)
      tpu.yield
    }) : () -> ()
    "tpu.region"() ({
      %run_scoped3A = tpu.sem_alloc : memref<!tpu.dma_semaphore, #tpu.memory_space<semaphore_mem>>
      %dma_start3A_119 = arith.constant 0 : i32
      %dma_start3A_120 = tpu.memref_slice %arg3[%add3A, %dma_start3A_119] : memref<32x56xf32, #tpu.memory_space<hbm>> -> memref<1x56xf32, #tpu.memory_space<hbm>>
      %dma_start3A_121 = tpu.memref_squeeze %dma_start3A_120 : memref<1x56xf32, #tpu.memory_space<hbm>> -> memref<56xf32, #tpu.memory_space<hbm>>
      %dma_start3A_122 = arith.constant 0 : i32
      %dma_start3A_123 = tpu.memref_slice %arg3[%add3A, %dma_start3A_122] : memref<32x56xf32, #tpu.memory_space<hbm>> -> memref<1x56xf32, #tpu.memory_space<hbm>>
      %dma_start3A_124 = tpu.memref_squeeze %dma_start3A_123 : memref<1x56xf32, #tpu.memory_space<hbm>> -> memref<56xf32, #tpu.memory_space<hbm>>
      tpu.enqueue_dma source(%arg8 : memref<56xf32, #tpu.memory_space<vmem>>) target(%dma_start3A_124 : memref<56xf32, #tpu.memory_space<hbm>>) target_semaphore(%run_scoped3A : memref<!tpu.dma_semaphore, #tpu.memory_space<semaphore_mem>>)
      %dma_wait3A_125 = arith.constant 0 : i32
      %dma_wait3A_126 = tpu.memref_slice %arg3[%add3A, %dma_wait3A_125] : memref<32x56xf32, #tpu.memory_space<hbm>> -> memref<1x56xf32, #tpu.memory_space<hbm>>
      %dma_wait3A_127 = tpu.memref_squeeze %dma_wait3A_126 : memref<1x56xf32, #tpu.memory_space<hbm>> -> memref<56xf32, #tpu.memory_space<hbm>>
      %dma_wait3A_128 = arith.constant 0 : i32
      %dma_wait3A_129 = tpu.memref_slice %arg3[%add3A, %dma_wait3A_128] : memref<32x56xf32, #tpu.memory_space<hbm>> -> memref<1x56xf32, #tpu.memory_space<hbm>>
      %dma_wait3A_130 = tpu.memref_squeeze %dma_wait3A_129 : memref<1x56xf32, #tpu.memory_space<hbm>> -> memref<56xf32, #tpu.memory_space<hbm>>
      tpu.wait_dma2 semaphore(%run_scoped3A : memref<!tpu.dma_semaphore, #tpu.memory_space<semaphore_mem>>) src(%arg8 : memref<56xf32, #tpu.memory_space<vmem>>) dst(%dma_wait3A_130 : memref<56xf32, #tpu.memory_space<hbm>>)
      tpu.yield
    }) : () -> ()
    return
  }
}

module attributes {stable_mosaic.version = 14 : i64} {
  func.func @_dist_body(%arg0: i32, %arg1: memref<1568x1536xf32, #tpu.memory_space<vmem>>, %arg2: memref<1024x1536xf32, #tpu.memory_space<vmem>>, %arg3: memref<1568x1024xf32, #tpu.memory_space<vmem>>) attributes {dimension_semantics = [#tpu.dimension_semantics<arbitrary>], iteration_bounds = array<i64: 8>, scalar_prefetch = 0 : i64, scratch_operands = 0 : i64, tpu.core_type = #tpu.core_type<tc>, window_params = [{transform_indices = @transform_0, window_bounds = array<i64: 1568, 1536>}, {transform_indices = @transform_1, window_bounds = array<i64: 1024, 1536>}, {transform_indices = @transform_2, window_bounds = array<i64: 1568, 1024>}]} {
    %get3A = arith.constant 0 : index
    %get3A_0 = arith.constant 0 : index
    %get3A_1 = vector.load %arg1[%get3A, %get3A_0] : memref<1568x1536xf32, #tpu.memory_space<vmem>>, vector<1568x1536xf32>
    %get3A_2 = arith.constant 0 : index
    %get3A_3 = arith.constant 0 : index
    %get3A_4 = vector.load %arg2[%get3A_2, %get3A_3] : memref<1024x1536xf32, #tpu.memory_space<vmem>>, vector<1024x1536xf32>
    %mul3A = arith.mulf %get3A_1, %get3A_1 : vector<1568x1536xf32>
    %reduce_sum3A = arith.constant dense<0.000000e+00> : vector<1568xf32>
    %reduce_sum3A_5 = vector.multi_reduction <add>, %mul3A, %reduce_sum3A [1] : vector<1568x1536xf32> to vector<1568xf32>
    %broadcast_in_dim3A = vector.shape_cast %reduce_sum3A_5 : vector<1568xf32> to vector<1568x1xf32>
    %mul3A_6 = arith.mulf %get3A_4, %get3A_4 : vector<1024x1536xf32>
    %reduce_sum3A_7 = arith.constant dense<0.000000e+00> : vector<1024xf32>
    %reduce_sum3A_8 = vector.multi_reduction <add>, %mul3A_6, %reduce_sum3A_7 [1] : vector<1024x1536xf32> to vector<1024xf32>
    %broadcast_in_dim3A_9 = vector.shape_cast %reduce_sum3A_8 : vector<1024xf32> to vector<1x1024xf32>
    %dot_general3A = arith.constant dense<0.000000e+00> : vector<1568x1024xf32>
    %dot_general3A_10 = tpu.matmul %get3A_1, %get3A_4, %dot_general3A {dimension_numbers = #tpu.dot_dimension_numbers<[1], [1], [0], [0], [0, 0, 1, 0], [], []>, transpose_lhs_hint = false} : vector<1568x1536xf32>, vector<1024x1536xf32>, vector<1568x1024xf32> -> vector<1568x1024xf32>
    %add3A = vector.broadcast %broadcast_in_dim3A : vector<1568x1xf32> to vector<1568x1024xf32>
    %add3A_11 = vector.broadcast %broadcast_in_dim3A_9 : vector<1x1024xf32> to vector<1568x1024xf32>
    %add3A_12 = arith.addf %add3A, %add3A_11 : vector<1568x1024xf32>
    %mul3A_13 = arith.constant 2.000000e+00 : f32
    %mul3A_14 = vector.broadcast %mul3A_13 : f32 to vector<1568x1024xf32>
    %mul3A_15 = arith.mulf %mul3A_14, %dot_general3A_10 : vector<1568x1024xf32>
    %sub3A = arith.subf %add3A_12, %mul3A_15 : vector<1568x1024xf32>
    %max3A = arith.constant 0.000000e+00 : f32
    %max3A_16 = vector.broadcast %max3A : f32 to vector<1568x1024xf32>
    %max3A_17 = arith.maximumf %sub3A, %max3A_16 : vector<1568x1024xf32>
    %swap3A = arith.constant 0 : index
    %swap3A_18 = arith.constant 0 : index
    %swap3A_19 = vector.load %arg3[%swap3A, %swap3A_18] : memref<1568x1024xf32, #tpu.memory_space<vmem>>, vector<1568x1024xf32>
    tpu.vector_store %arg3[%swap3A, %swap3A_18], %max3A_17 {strides = array<i32>} : memref<1568x1024xf32, #tpu.memory_space<vmem>>, vector<1568x1024xf32>,
    return
  }
  func.func @transform_0(%arg0: i32) -> (i32, i32) {
    %c0_i32 = arith.constant 0 : i32
    %c0_i32_0 = arith.constant 0 : i32
    %c0_i32_1 = arith.constant 0 : i32
    return %c0_i32, %c0_i32_0 : i32, i32
  }
  func.func @transform_1(%arg0: i32) -> (i32, i32) {
    %c0_i32 = arith.constant 0 : i32
    %c0_i32_0 = arith.constant 0 : i32
    return %arg0, %c0_i32 : i32, i32
  }
  func.func @transform_2(%arg0: i32) -> (i32, i32) {
    %c0_i32 = arith.constant 0 : i32
    %c0_i32_0 = arith.constant 0 : i32
    return %c0_i32, %arg0 : i32, i32
  }
}

module attributes {stable_mosaic.version = 14 : i64} {
  func.func @_dist_body(%arg0: i32, %arg1: memref<1568x1536xf32, #tpu.memory_space<vmem>>, %arg2: memref<1024x1536xf32, #tpu.memory_space<vmem>>, %arg3: memref<1568x1024xf32, #tpu.memory_space<vmem>>) attributes {dimension_semantics = [#tpu.dimension_semantics<arbitrary>], iteration_bounds = array<i64: 8>, scalar_prefetch = 0 : i64, scratch_operands = 0 : i64, tpu.core_type = #tpu.core_type<tc>, window_params = [{transform_indices = @transform_0, window_bounds = array<i64: 1568, 1536>}, {transform_indices = @transform_1, window_bounds = array<i64: 1024, 1536>}, {transform_indices = @transform_2, window_bounds = array<i64: 1568, 1024>}]} {
    %get3A = arith.constant 0 : index
    %get3A_0 = arith.constant 0 : index
    %get3A_1 = vector.load %arg1[%get3A, %get3A_0] : memref<1568x1536xf32, #tpu.memory_space<vmem>>, vector<1568x1536xf32>
    %get3A_2 = arith.constant 0 : index
    %get3A_3 = arith.constant 0 : index
    %get3A_4 = vector.load %arg2[%get3A_2, %get3A_3] : memref<1024x1536xf32, #tpu.memory_space<vmem>>, vector<1024x1536xf32>
    %mul3A = arith.mulf %get3A_1, %get3A_1 : vector<1568x1536xf32>
    %reduce_sum3A = arith.constant dense<0.000000e+00> : vector<1568xf32>
    %reduce_sum3A_5 = vector.multi_reduction <add>, %mul3A, %reduce_sum3A [1] : vector<1568x1536xf32> to vector<1568xf32>
    %broadcast_in_dim3A = vector.shape_cast %reduce_sum3A_5 : vector<1568xf32> to vector<1568x1xf32>
    %mul3A_6 = arith.mulf %get3A_4, %get3A_4 : vector<1024x1536xf32>
    %reduce_sum3A_7 = arith.constant dense<0.000000e+00> : vector<1024xf32>
    %reduce_sum3A_8 = vector.multi_reduction <add>, %mul3A_6, %reduce_sum3A_7 [1] : vector<1024x1536xf32> to vector<1024xf32>
    %broadcast_in_dim3A_9 = vector.shape_cast %reduce_sum3A_8 : vector<1024xf32> to vector<1x1024xf32>
    %dot_general3A = arith.constant dense<0.000000e+00> : vector<1568x1024xf32>
    %dot_general3A_10 = tpu.matmul %get3A_1, %get3A_4, %dot_general3A {dimension_numbers = #tpu.dot_dimension_numbers<[1], [1], [0], [0], [0, 0, 1, 0], [], []>, transpose_lhs_hint = false} : vector<1568x1536xf32>, vector<1024x1536xf32>, vector<1568x1024xf32> -> vector<1568x1024xf32>
    %add3A = vector.broadcast %broadcast_in_dim3A : vector<1568x1xf32> to vector<1568x1024xf32>
    %add3A_11 = vector.broadcast %broadcast_in_dim3A_9 : vector<1x1024xf32> to vector<1568x1024xf32>
    %add3A_12 = arith.addf %add3A, %add3A_11 : vector<1568x1024xf32>
    %mul3A_13 = arith.constant 2.000000e+00 : f32
    %mul3A_14 = vector.broadcast %mul3A_13 : f32 to vector<1568x1024xf32>
    %mul3A_15 = arith.mulf %mul3A_14, %dot_general3A_10 : vector<1568x1024xf32>
    %sub3A = arith.subf %add3A_12, %mul3A_15 : vector<1568x1024xf32>
    %max3A = arith.constant 0.000000e+00 : f32
    %max3A_16 = vector.broadcast %max3A : f32 to vector<1568x1024xf32>
    %max3A_17 = arith.maximumf %sub3A, %max3A_16 : vector<1568x1024xf32>
    %swap3A = arith.constant 0 : index
    %swap3A_18 = arith.constant 0 : index
    %swap3A_19 = vector.load %arg3[%swap3A, %swap3A_18] : memref<1568x1024xf32, #tpu.memory_space<vmem>>, vector<1568x1024xf32>
    tpu.vector_store %arg3[%swap3A, %swap3A_18], %max3A_17 {strides = array<i32>} : memref<1568x1024xf32, #tpu.memory_space<vmem>>, vector<1568x1024xf32>,
    return
  }
  func.func @transform_0(%arg0: i32) -> (i32, i32) {
    %c1_i32 = arith.constant 1 : i32
    %c0_i32 = arith.constant 0 : i32
    %c0_i32_0 = arith.constant 0 : i32
    return %c1_i32, %c0_i32 : i32, i32
  }
  func.func @transform_1(%arg0: i32) -> (i32, i32) {
    %c0_i32 = arith.constant 0 : i32
    %c0_i32_0 = arith.constant 0 : i32
    return %arg0, %c0_i32 : i32, i32
  }
  func.func @transform_2(%arg0: i32) -> (i32, i32) {
    %c0_i32 = arith.constant 0 : i32
    %c0_i32_0 = arith.constant 0 : i32
    return %c0_i32, %arg0 : i32, i32
  }
}

</mosaic_0001>

<sc_bundles>
// kernel: kernel.6.cloned.1.call-start
scs
__scs_entry_jumppad:
0x0: {  	(pc) =	sbr.rel $0x88, $3  }
0x1: {  	(tag) =	ssettag $0x0;
	lr =	simm.s32 $0x1  }
0x2: {  	[smem:$0x3F9F] =	sst lr;
	_ =	strace $0xD0000000  }
0x3: {  	_ = 	snop  }
0x4: {  	_ = 	snop  }
0x5: {  	_ = 	snop  }
0x6: {  	_ = 	snop  }
0x7: {  	_ = 	snop  }
__scs_overlays_trampoline_lowered:
0x8: {  	[smem:$0x3FAE] =	sst s0  }
0x9: {  	[smem:$0x3FAF] =	sst s1  }
0xa: {  	[smem:$0x3FB0] =	sst s2  }
0xb: {  	[smem:$0x3FB1] =	sst s3  }
0xc: {  	[smem:$0x3FB2] =	sst s4  }
0xd: {  	[smem:$0x3FB3] =	sst s5  }
0xe: {  	[smem:$0x3FB4] =	sst s6  }
0xf: {  	[smem:$0x3FB5] =	sst s7  }
0x10: {  	[smem:$0x3FB6] =	sst s8  }
0x11: {  	[smem:$0x3FB7] =	sst s9;
	s0 =	simm.s32 @!p0 $0x0  }
0x12: {  	s1 =	sld [smem:$0x3F9D];
	s0 =	simm.s32 @p0 $0x1  }
0x13: {  	[smem:$0x3FB8] =	sst s0;
	s0 =	simm.s32 @!p1 $0x0  }
0x14: {  	s2 =	sld [smem:$0x3F9C];
	s0 =	simm.s32 @p1 $0x1  }
0x15: {  	[smem:$0x3FB9] =	sst s0;
	s0 =	simm.s32 @!p2 $0x0  }
0x16: {  	s3 =	sld [smem:$0x3FDB];
	s0 =	simm.s32 @p2 $0x1  }
0x17: {  	s4 =	simm.s32 $0x1BF5;
	[smem:$0x3FBB] =	sst s0  }
0x18: {  	s0 =	sld [smem:$0x3F9E];
	_ =	swait.ge [sflag:s4], $0x0  }
0x19: {  	s7 =	sld [smem:$0x3F9F]  }
0x1a: {  	s8 =	sadd.s32 $0xFFFFE003, lr  }
0x1b: {  	s9 =	sadd.s32 $0xFFFFFEF7, lr;
	s5 =	simm.s32 $0xFFFFFFFF;
	p2 =	slt.u32 s8, $0xFFFFF086  }
0x1c: {  	p1 =	slt.u32 s9, $0xF7A;
	s5 =	simm.s32 @!p2 $0x0  }
0x1d: {  	s5 =	simm.s32 @p1 $0x1;
	p0 =	seq.s32 s7, s2  }
0x1e: {  	s7 =	smul.u32 @!p0 $0xF7A, s2;
	p2 =	seq.s32 @!p0 s5, $0x0  }
0x1f: {  	s9 =	smul.u32 $0xF7A, s1;
	s8 =	simm.s32 @!p0 $0x1BF5;
	p2 =	por !p2, p0  }
0x20: {  	[sflag:s8] =	ssyncset.s32 @!p0 $0xFFFFF086;
	s6 =	sadd.s32 @!p0 s3, s7;
	s7 =	simm.s32 @!p0 $0x108  }
0x21: {  	s3 =	sadd.s32 s3, s9;
	s6 =	sadd.s32 @!p0 $0x88, s6;
	s7 =	simm.s32 @p2 $0x1082  }
0x22: {  	[simem:s7], [sflag:s8] =	dma.local @!p0 [hbm:s6], $0xF7A  }
0x23: {  	s9 =	sor.u32 $0xD0000000, s2;
	s6 =	simm.s32 $0x108;
	_ =	swait.ge @!p0 [sflag:s8], $0x0  }
0x24: {  	s3 =	sadd.s32 $0x88, s3;
	s6 =	simm.s32 @!p1 $0x1082;
	[sflag:s4] =	ssyncset.s32 $0xFFFFF086  }
0x25: {  	[simem:s6], [sflag:s4] =	dma.local [hbm:s3], $0xF7A  }
0x26: {  	[smem:$0x3F9F] =	sst s1;
	(tag) =	ssettag s2;
	_ =	strace s9  }
0x27: {  	s1 =	sld [smem:$0x3FAF]  }
0x28: {  	s2 =	sld [smem:$0x3FB0]  }
0x29: {  	s4 =	sld [smem:$0x3FB2]  }
0x2a: {  	p0 =	seq.s32 s5, $0x0;
	s5 =	sld [smem:$0x3FB3]  }
0x2b: {  	s6 =	sld [smem:$0x3FB4]  }
0x2c: {  	s7 =	sld [smem:$0x3FB5]  }
0x2d: {  	s3 =	simm.s32 $0x108;
	s8 =	sld [smem:$0x3FB6]  }
0x2e: {  	s3 =	simm.s32 @!p0 $0x1082;
	s9 =	sld [smem:$0x3FB7]  }
0x2f: {  	lr =	sadd.s32 s0, s3;
	s0 =	sld [smem:$0x3FAE]  }
0x30: {  	s3 =	sld [smem:$0x3FB1]  }
0x31: {  	[smem:$0x3FBA] =	sst s10  }
0x32: {  	s10 =	sld [smem:$0x3FB8];
	_ =	sdelay $0x3  }
0x33: {  	p0 =	seq.s32 s10, $0x1;
	s10 =	sld [smem:$0x3FBA];
	_ =	sdelay $0x3  }
0x34: {  	[smem:$0x3FBA] =	sst s10  }
0x35: {  	s10 =	sld [smem:$0x3FB9];
	_ =	sdelay $0x3  }
0x36: {  	p1 =	seq.s32 s10, $0x1;
	s10 =	sld [smem:$0x3FBA];
	_ =	sdelay $0x3  }
0x37: {  	[smem:$0x3FBA] =	sst s10  }
0x38: {  	s10 =	sld [smem:$0x3FBB]  }
0x39: {  	_ = 	snop;
	(pc) =	sbr.ind lr, $3  }
0x3a: {  	_ = 	snop  }
0x3b: {  	_ = 	snop  }
0x3c: {  	p2 =	seq.s32 s10, $0x1;
	s10 =	sld [smem:$0x3FBA]  }
0x3d: {  	_ =	shalt  }
0x3e: {  	_ =	shalt  }
0x3f: {  	_ =	shalt  }
0x40: {  	_ =	shalt  }
0x41: {  	_ =	shalt  }
0x42: {  	_ =	shalt  }
0x43: {  	_ =	shalt  }
0x44: {  	_ =	shalt  }
0x45: {  	_ =	shalt  }
0x46: {  	_ =	shalt  }
0x47: {  	_ =	shalt  }
0x48: {  	_ =	shalt  }
0x49: {  	_ =	shalt  }
0x4a: {  	_ =	shalt  }
0x4b: {  	_ =	shalt  }
0x4c: {  	_ =	shalt  }
0x4d: {  	_ =	shalt  }
0x4e: {  	_ =	shalt  }
0x4f: {  	_ =	shalt  }
0x50: {  	_ =	shalt  }
0x51: {  	_ =	shalt  }
0x52: {  	_ =	shalt  }
0x53: {  	_ =	shalt  }
0x54: {  	_ =	shalt  }
0x55: {  	_ =	shalt  }
0x56: {  	_ =	shalt  }
0x57: {  	_ =	shalt  }
0x58: {  	_ =	shalt  }
0x59: {  	_ =	shalt  }
0x5a: {  	_ =	shalt  }
0x5b: {  	_ =	shalt  }
0x5c: {  	_ =	shalt  }
0x5d: {  	_ =	shalt  }
0x5e: {  	_ =	shalt  }
0x5f: {  	_ =	shalt  }
0x60: {  	_ =	shalt  }
0x61: {  	_ =	shalt  }
0x62: {  	_ =	shalt  }
0x63: {  	_ =	shalt  }
0x64: {  	_ =	shalt  }
0x65: {  	_ =	shalt  }
0x66: {  	_ =	shalt  }
0x67: {  	_ =	shalt  }
0x68: {  	_ =	shalt  }
0x69: {  	_ =	shalt  }
0x6a: {  	_ =	shalt  }
0x6b: {  	_ =	shalt  }
0x6c: {  	_ =	shalt  }
0x6d: {  	_ =	shalt  }
0x6e: {  	_ =	shalt  }
0x6f: {  	_ =	shalt  }
0x70: {  	_ =	shalt  }
0x71: {  	_ =	shalt  }
0x72: {  	_ =	shalt  }
0x73: {  	_ =	shalt  }
0x74: {  	_ =	shalt  }
0x75: {  	_ =	shalt  }
0x76: {  	_ =	shalt  }
0x77: {  	_ =	shalt  }
0x78: {  	_ =	shalt  }
0x79: {  	_ =	shalt  }
0x7a: {  	_ =	shalt  }
0x7b: {  	_ =	shalt  }
0x7c: {  	_ =	shalt  }
0x7d: {  	_ =	shalt  }
0x7e: {  	_ =	shalt  }
0x7f: {  	_ =	shalt  }
0x80: {  	_ =	shalt  }
0x81: {  	_ =	shalt  }
0x82: {  	_ =	shalt  }
0x83: {  	_ =	shalt  }
0x84: {  	_ =	shalt  }
0x85: {  	_ =	shalt  }
0x86: {  	_ =	shalt  }
0x87: {  	_ =	shalt  }
.Lfunc_end0:
.L_simem_size_0:
called_computation_lowered:
.L_overlay_start_0:
0x88: {  	s2 =	sld [smem:$0x3FD9]  }
0x89: {  	s3 =	sld [smem:$0x3FFE];
	_ =	sdelay $0x1  }
0x8a: {  	s1 =	srdreg.scid  }
0x8b: {  	s0 =	sand.u32 $0x1, s1  }
0x8c: {  	s15 =	sshll.u32 s0, $0xA;
	s2 =	sadd.s32 s3, s2  }
0x8d: {  	s2 =	sadd.s32 s2, s15  }
0x8e: {  	[smem:$0x3FC6] =	sst s2  }
0x8f: {  	_ = 	snop  }
0x90: {  	s2 =	sld [smem:$0x3FD0];
	_ =	sdelay $0x2  }
0x91: {  	s16 =	simm.s32 $0xB;
	s4 =	simm.s32 $0x10  }
0x92: {  	[smem:s4], [sflag:s16] =	dma.local [hbm:s2], $0x1  }
0x93: {  	_ =	swait.eq [sflag:s16], $0x1  }
0x94: {  	[sflag:s16] =	ssyncset.done $0x0  }
0x95: {  	[sflag:s16] =	ssyncadd.s32 $0xFFFFFFFF  }
0x96: {  	s17 =	sld [smem:$0x11];
	(tm) =	ssettm $0x1  }
0x97: {  	s18 =	sld [smem:$0x3FFB];
	_ =	sdelay $0x3  }
0x98: {  	_ =	strace s18  }
0x99: {  	s2 =	sld [smem:$0x3FFC];
	_ =	sdelay $0x3  }
0x9a: {  	_ =	strace s2  }
0x9b: {  	s2 =	sld [smem:$0x3FFD];
	_ =	sdelay $0x3  }
0x9c: {  	_ =	strace s2  }
0x9d: {  	_ =	strace $0x8FFFFFFF  }
0x9e: {  	s19 =	sld [smem:$0x3FDB];
	_ =	sdelay $0x1  }
0x9f: {  	s20 =	simm.s32 $_scs_section_size  }
0xa0: {  	s5 =	simm.s32 $_size__tile_overlayer_lowered;
	s6 =	simm.s32 $_tile_overlayer_lowered  }
0xa1: {  	s7 =	simm.s32 $0x1BFF;
	s21 =	sshll.u32 s6, $0x1;
	s4 =	sadd.s32 s20, s19  }
0xa2: {  	s22 =	simm.s32 $0x0;
	s5 =	sshll.u32 s5, $0x1;
	s6 =	sadd.s32 s21, s4  }
0xa3: {  	[timem:s22], [sflag:s7] =	dma.local [hbm:s6], s5  }
0xa4: {  	_ =	swait.ge [sflag:s7], s5  }
0xa5: {  	s5 =	ssub.s32 $0x0, s5;
	[sflag:s7] =	ssyncset.done $0x0  }
0xa6: {  	[sflag:s7] =	ssyncadd.s32 s5;
	_ =	sdelay $0x1  }
0xa7: {  	s23 =	simm.s32 $0x1B8B  }
0xa8: {  	_ =	swait.ge [sflag:s23], $0x1  }
0xa9: {  	[sflag:s23] =	ssyncset.done $0x0  }
0xaa: {  	[sflag:s23] =	ssyncadd.s32 $0xFFFFFFFF  }
0xab: {  	s5 =	sld [smem:$0x0]  }
0xac: {  	s6 =	sand.u32 $0xFFFFFFFE, s1  }
0xad: {  	p0 =	sne.s32 s1, s6  }
0xae: {  	s6 =	sshll.u32 @p0 s6, $0xE  }
0xaf: {  	s6 =	sadd.s32 @p0 $0x11B8D, s6;
	s7 =	sshll.u32 @p0 s5, $0x11  }
0xb0: {  	s6 =	sor.u32 @p0 s7, s6  }
0xb1: {  	[sflag:s6] =	ssyncadd.remote.s32 @p0 $0x1;
	_ =	sdelay $0x1  }
0xb2: {  	s6 =	simm.s32 @p0 $0x1B8D  }
0xb3: {  	_ =	swait.eq @p0 [sflag:s6], $0x1  }
0xb4: {  	[sflag:s6] =	ssyncadd.s32 @p0 $0xFFFFFFFF  }
0xb5: {  	s7 =	sshll.u32 @!p0 s1, $0xE  }
0xb6: {  	s7 =	sor.u32 @!p0 $0x4000, s7;
	s6 =	simm.s32 @!p0 $0x1B8D  }
0xb7: {  	s5 =	sshll.u32 @!p0 s5, $0x11;
	s7 =	sadd.s32 @!p0 $0x11B8D, s7;
	_ =	swait.eq @!p0 [sflag:s6], $0x1  }
0xb8: {  	s5 =	sor.u32 @!p0 s5, s7;
	[sflag:s6] =	ssyncadd.s32 @!p0 $0xFFFFFFFF  }
0xb9: {  	s25 =	simm.s32 $0x1B8E;
	s24 =	sld [smem:$0x3FFE];
	[sflag:s5] =	ssyncadd.remote.s32 @!p0 $0x1  }
0xba: {  	s26 =	simm.s32 $execute0_lowered;
	[smem:$0x3FD2] =	sst s25  }
0xbb: {  	s6 =	sshll.u32 s26, $0x1;
	_ =	strace $0x80000049;
	[dreg:$0x1] =	wrdreg $0xFFFFFFFF  }
0xbc: {  	s28 =	simm.s32 $_size_execute0_lowered;
	s4 =	sadd.s32 s4, s6;
	[dreg:$0x0] =	wrdreg $0x0  }
0xbd: {  	s6 =	sshll.u32 s28, $0x1;
	[dreg:$0x2] =	wrdreg s4  }
0xbe: {  	[dreg:$0x3] =	wrdreg s6  }
0xbf: {  	[dreg:$0x4] =	wrdreg $0xC0  }
0xc0: {  	_ =	task [dreg:s22], $0x5FFFF  }
0xc1: {  	[dreg:$0x1] =	wrdreg $0xFFFFFFFF  }
0xc2: {  	[dreg:$0x0] =	wrdreg $0x60  }
0xc3: {  	[dreg:$0x2] =	wrdreg s24  }
0xc4: {  	[dreg:$0x3] =	wrdreg s17  }
0xc5: {  	[dreg:$0x4] =	wrdreg $0x9  }
0xc6: {  	_ =	task.clear_ibuf [dreg:s22], $0x5FFFF;
	_ =	strace $0x90000049  }
0xc7: {  	s29 =	simm.s32 $0x9;
	_ =	strace $0x8000004B  }
0xc8: {  	_ =	swait.ge [sflag:s29], $0x1  }
0xc9: {  	[sflag:s29] =	ssyncadd.s32 $0xFFFFFFFF  }
0xca: {  	_ =	strace $0x9000004B  }
0xcb: {  	_ =	sfence  }
0xcc: {  	s30 =	sld [smem:$0x0];
	_ =	sdelay $0x2  }
0xcd: {  	s31 =	sshll.u32 s1, $0xD;
	s1 =	sshrl.u32 s1, $0x2  }
0xce: {  	s4 =	sand.u32 $0x4000, s31;
	s1 =	sadd.s32 s1, s30  }
0xcf: {  	s0 =	sor.u32 s4, s0;
	s1 =	sshll.u32 s1, $0x11  }
0xd0: {  	s0 =	sor.u32 s1, s0  }
0xd1: {  	s0 =	sadd.s32 $0x8F2B, s0  }
0xd2: {  	[sflag:s0] =	ssyncadd.remote.s32 $0x1  }
0xd3: {  	_ =	sfence.sel $0xFFFF  }
0xd4: {  	[dreg:$0x0] =	wrdreg $0xFFFFFFFF;
	(pc) =	sbr.abs _section_cstart, $3  }
0xd5: {  	[dreg:$0x1] =	wrdreg $0xFFFFFFFF  }
0xd6: {  	_ =	task.clear_ibuf [dreg:s22], $0x2FFFF;
	_ =	strace $0x9FFFFFFF  }
0xd7: {  	(tm) =	ssettm $0x7FFFFFFF  }
tec
execute0_lowered:
.L_overlay_start_1:
0x0: {  	(tag) =	ssettag $0x1  }
0x1: {  	s5 =	rddreg [dreg:$0x0]  }
0x2: {  	s1 =	srdreg.scid;
	s0 =	stileid.u32  }
0x3: {  	s8 =	rddreg [dreg:$0x1];
	s2 =	simm.s32 $0x0;
	s12 =	simm.s32 $0x2000  }
0x4: {  	s13 =	simm.s32 $0x1;
	s14 =	simm.s32 $0x4000;
	s15 =	simm.s32 $0x6080  }
0x5: {  	s16 =	simm.s32 $0x2;
	s17 =	simm.s32 $0x6100;
	s18 =	simm.s32 $0x3  }
0x6: {  	s4 =	sand.u32 $0x1, s1;
	s3 =	sshll.u32 s0, $0x1;
	[smem:$0x7FF] =	sst s2  }
0x7: {  	s1 =	rddreg [dreg:$0x2];
	s6 =	sor.u32 s4, s3;
	_ =	strace $0x8000004A  }
0x8: {  	s19 =	simm.s32 $0x0;
	s3 =	sadd.s32 $0x188400, s5;
	s7 =	smul.u32 $0x62000, s6  }
0x9: {  	s11 =	ssub.s32 $0x2, s4;
	s9 =	sshll.u32 s6, $0x7;
	s4 =	smul.u32 $0x31, s6  }
.Ltmp0:
0xa: {  	s10 =	sshll.u32 s6, $0x4;
	s28 =	sshrl.u32 s11, $0x1;
	(pc) =	sbr.rel .LBB2_1-.Ltmp0, $4  }
0xb: {  	v0 =	vlaneseq.u32;
	s30 =	sadd.s32 s10, s5;
	s8 =	sadd.s32 s8, s10;
	s7 =	sor.u32 s9, s7  }
0xc: {  	vm0 =	vmmov $0x1;
	v4 =	vimm.s32 $0x0;
	v1 =	vmul.u32 $0xFFFFFFFF, v0;
	s10 =	simm.s32 $0x80;
	s9 =	ssub.s32 s11, s28;
	s29 =	sand.u32 $0xFF0380, s7  }
0xd: {  	v2 =	vimm.s32 $0x0;
	v4 =	vsel vm0, $0xFFFFFFFF, v4;
	s6 =	sadd.s32 $0x2, s4;
	s11 =	simm.s32 $0x400;
	s31 =	sshrl.u32 s29, $0x3  }
0xe: {  	vm1 =	vmmov $0x1ff;
	[tilespmem:$0x1FFF0] =	vst v4;
	v4 =	vimm.s32 $0x30;
	v3 =	vadd.s32 $0xF, v1;
	s7 =	sadd.s32 $0x310400, s30;
	s9 =	smax.u32 s9, $0x1;
	s5 =	sadd.s32 s3, s31  }
.LBB2_33:
0xf: {  	s21 =	simm.s32 $0x0  }
.LBB2_38:
0x10: {  	s21 =	sadd.s32 @p0 $0x10, s21  }
0x11: {  	s20 =	smov.u32 @p0 s21  }
0x12: {  	v9, _, _ =	vpop @p0 (xrf1);
	v8 =	vor.u32 s20, v0  }
0x13: {  	vm0 =	vgt.s32 v18, v8;
	v8 =	vperm.xlane @p0 v9, v3;
	v9, _, _ =	vpop @p1 (xrf1)  }
0x14: {  	v7 =	vnsel vm0, $0x7F800000, v7;
	v9 =	vpsel p1, v9, v6  }
0x15: {  	(xrf1) =	vsort.ascd.msk.f32 $0xffff, v7, v7;
	v7 =	vmin.f32 @p0 v9, v8  }
0x16: {  	(xrf1) =	vsort.ascd.msk.f32 @p0 $0xffff, v7, v7;
	_ =	sdelay $0xc  }
0x17: {  	v7, _, _ =	vpop (xrf1)  }
0x18: {  	v7 =	vperm.xlane v7, v3;
	v8, _, _ =	vpop @p0 (xrf1)  }
0x19: {  	v6 =	vpsel p0, v8, v6  }
0x1a: {  	v6 =	vmin.f32 v6, v7  }
0x1b: {  	(xrf1) =	vsort.ascd.msk.f32 $0xffff, v6, v6;
	_ =	sdelay $0xd  }
0x1c: {  	v6, _, _ =	vpop (xrf1)  }
.LBB2_39:
0x1d: {  	v7 =	vshra.s32 v6, $0x1  }
0x1e: {  	v7 =	vadd.s32 $0x1FBD1DF5, v7  }
0x1f: {  	(erf) = vrcp.f32 v7;
	_ =	sdelay $0x8  }
0x20: {  	v8 =	vpop (erf)  }
0x21: {  	v8 =	vmul.f32 v8, v6;
	_ =	sdelay $0x1  }
0x22: {  	v7 =	vadd.f32 v7, v8;
	_ =	sdelay $0x1  }
0x23: {  	v7 =	vmul.f32 $5.000000000e-01, v7;
	_ =	sdelay $0x1  }
0x24: {  	(erf) = vrcp.f32 v7;
	_ =	sdelay $0x8  }
0x25: {  	v61 =	vpop (erf)  }
0x26: {  	v8 =	vmul.f32 v61, v6;
	_ =	sdelay $0x1  }
0x27: {  	v7 =	vadd.f32 v8, v7;
	_ =	sdelay $0x1  }
0x28: {  	v7 =	vmul.f32 $5.000000000e-01, v7;
	_ =	sdelay $0x1  }
0x29: {  	(erf) = vrcp.f32 v7;
	_ =	sdelay $0x8  }
0x2a: {  	v62 =	vpop (erf)  }
0x2b: {  	v6 =	vmul.f32 v62, v6;
	_ =	sdelay $0x1  }
0x2c: {  	v6 =	vadd.f32 v6, v7;
	_ =	sdelay $0x1  }
0x2d: {  	v6 =	vmul.f32 $5.000000000e-01, v6;
	_ =	sdelay $0x1  }
0x2e: {  	v7 =	vnsel vm1, $0xFF800000, v6  }
0x2f: {  	(xrf0) =	vmax.scan.msk.f32 $0xffff, v7;
	_ =	sdelay $0x5  }
0x30: {  	v7, _, _ =	vpop (xrf0)  }
0x31: {  	v7 =	vbroadcast v7, $0xF;
	_ =	sdelay $0x1  }
0x32: {  	v7 =	vsub.f32 v6, v7;
	_ =	sdelay $0x1  }
0x33: {  	v7 =	vmul.f32 $1.442695020e+00, v7;
	_ =	sdelay $0x1  }
0x34: {  	(erf) = vpow2.f32 v7;
	_ =	sdelay $0x8  }
0x35: {  	v7 =	vpop (erf)  }
0x36: {  	v63 =	vnsel vm1, $0x0, v7  }
0x37: {  	(xrf2) =	vadd.scan.msk.f32 $0xffff, v63;
	_ =	sdelay $0x9  }
0x38: {  	v8, _, _ =	vpop (xrf2)  }
0x39: {  	v8 =	vbroadcast v8, $0xF;
	_ =	sdelay $0x1  }
0x3a: {  	(erf) = vrcp.f32 v8;
	_ =	sdelay $0x8  }
0x3b: {  	v8 =	vpop (erf)  }
0x3c: {  	v7 =	vmul.f32 v8, v7;
	_ =	sdelay $0x1  }
0x3d: {  	v7 =	vsub.f32 $1.000000000e+00, v7;
	_ =	sdelay $0x1  }
0x3e: {  	v6 =	vmul.f32 v7, v6;
	v7 =	vld [tilespmem:$0x1FFF0];
	_ =	sdelay $0x4  }
0x3f: {  	vm0 =	vnez.u8 v7  }
0x40: {  	v6 =	vnsel vm0, $0xFF800000, v6  }
0x41: {  	[tilespmem:v4+s15+$0x0] =	vst.idx.msk $0x1, v6;
	v5 =	vmax.f32 v5, v6  }
0x42: {  	[tilespmem:$0x6100] =	vst v5  }
0x43: {  	[hbm4b:s7+s2] =	stream.linear.scatter [tilespmem:s17], [sflag:$0x3], $0x80, $0x38;
	[tilespmem:$0x6180] =	vst v63  }
0x44: {  	s19 =	sadd.s32 $0x1, s19;
	_ =	swait.ge [sflag:s18], $0x80  }
0x45: {  	p0 =	sne.s32 s19, s9;
	[sflag:s18] =	ssyncset.done $0x0  }
.Ltmp1:
0x46: {  	[sflag:s18] =	ssyncadd.s32 $0xFFFFFF80;
	(pc) =	sbr.rel @!p0 .LBB2_40-.Ltmp1, $4  }
0x47: {  	[hbm4b:s8+s2] =	stream.linear.scatter [tilespmem:s15], [sflag:$0x3], $0x80, $0x38;
	[tilespmem:$0x6180] =	vst v63  }
0x48: {  	_ =	swait.ge [sflag:s18], $0x80  }
0x49: {  	[sflag:s18] =	ssyncset.done $0x0  }
0x4a: {  	[sflag:s18] =	ssyncadd.s32 $0xFFFFFF80  }
.LBB2_1:
.Ltmp2:
0x4b: {  	(pc) =	sbr.rel .LBB2_2-.Ltmp2, $3  }
0x4c: {  	_ =	sdelay $0x1  }
0x4d: {  	[tilespmem:s2], [sflag:$0x1] =	stream.strided.gather [hbm4b:s5+s10], $0x2000, s11, s10, $0x38;
	[tilespmem:$0x6180] =	vst v63  }
0x4e: {  	v5 =	vimm.f32 $-Inf;
	s20 =	simm.s32 $0x0  }
.LBB2_20:
0x4f: {  	s23 =	simm.s32 $0x0  }
.LBB2_25:
0x50: {  	s23 =	sadd.s32 @p0 $0x10, s23  }
0x51: {  	s22 =	smov.u32 @p0 s23  }
0x52: {  	v10, _, _ =	vpop @p0 (xrf1);
	v9 =	vor.u32 s22, v0  }
0x53: {  	vm0 =	vgt.s32 v19, v9;
	v9 =	vperm.xlane @p0 v10, v3;
	v10, _, _ =	vpop @p1 (xrf1)  }
0x54: {  	v8 =	vnsel vm0, $0x7F800000, v8;
	v10 =	vpsel p1, v10, v7  }
0x55: {  	(xrf1) =	vsort.ascd.msk.f32 $0xffff, v8, v8;
	v8 =	vmin.f32 @p0 v10, v9  }
0x56: {  	(xrf1) =	vsort.ascd.msk.f32 @p0 $0xffff, v8, v8;
	_ =	sdelay $0xc  }
0x57: {  	v8, _, _ =	vpop (xrf1)  }
0x58: {  	v8 =	vperm.xlane v8, v3;
	v9, _, _ =	vpop @p0 (xrf1)  }
0x59: {  	v7 =	vpsel p0, v9, v7  }
0x5a: {  	v7 =	vmin.f32 v7, v8  }
0x5b: {  	(xrf1) =	vsort.ascd.msk.f32 $0xffff, v7, v7;
	_ =	sdelay $0xd  }
0x5c: {  	v7, _, _ =	vpop (xrf1)  }
.LBB2_26:
0x5d: {  	v8 =	vshra.s32 v7, $0x1  }
0x5e: {  	v8 =	vadd.s32 $0x1FBD1DF5, v8  }
0x5f: {  	(erf) = vrcp.f32 v8;
	_ =	sdelay $0x8  }
0x60: {  	v9 =	vpop (erf)  }
0x61: {  	v9 =	vmul.f32 v9, v7;
	_ =	sdelay $0x1  }
0x62: {  	v8 =	vadd.f32 v8, v9;
	_ =	sdelay $0x1  }
0x63: {  	v8 =	vmul.f32 $5.000000000e-01, v8;
	_ =	sdelay $0x1  }
0x64: {  	(erf) = vrcp.f32 v8;
	_ =	sdelay $0x8  }
0x65: {  	v59 =	vpop (erf)  }
0x66: {  	v9 =	vmul.f32 v59, v7;
	_ =	sdelay $0x1  }
0x67: {  	v8 =	vadd.f32 v9, v8;
	_ =	sdelay $0x1  }
0x68: {  	v8 =	vmul.f32 $5.000000000e-01, v8;
	_ =	sdelay $0x1  }
0x69: {  	(erf) = vrcp.f32 v8;
	_ =	sdelay $0x8  }
0x6a: {  	v60 =	vpop (erf)  }
0x6b: {  	v7 =	vmul.f32 v60, v7;
	_ =	sdelay $0x1  }
0x6c: {  	v7 =	vadd.f32 v7, v8;
	_ =	sdelay $0x1  }
0x6d: {  	v7 =	vmul.f32 $5.000000000e-01, v7;
	_ =	sdelay $0x1  }
0x6e: {  	v61 =	vnsel vm1, $0xFF800000, v7  }
0x6f: {  	(xrf0) =	vmax.scan.msk.f32 $0xffff, v61;
	_ =	sdelay $0x5  }
0x70: {  	v8, _, _ =	vpop (xrf0)  }
0x71: {  	v8 =	vbroadcast v8, $0xF;
	_ =	sdelay $0x1  }
0x72: {  	v8 =	vsub.f32 v7, v8;
	_ =	sdelay $0x1  }
0x73: {  	v8 =	vmul.f32 $1.442695020e+00, v8;
	_ =	sdelay $0x1  }
0x74: {  	(erf) = vpow2.f32 v8;
	_ =	sdelay $0x8  }
0x75: {  	v8 =	vpop (erf)  }
0x76: {  	v62 =	vnsel vm1, $0x0, v8  }
0x77: {  	(xrf2) =	vadd.scan.msk.f32 $0xffff, v62;
	_ =	sdelay $0x9  }
0x78: {  	v9, _, _ =	vpop (xrf2)  }
0x79: {  	v9 =	vbroadcast v9, $0xF;
	_ =	sdelay $0x1  }
0x7a: {  	(erf) = vrcp.f32 v9;
	_ =	sdelay $0x8  }
0x7b: {  	v9 =	vpop (erf)  }
0x7c: {  	v5 =	vmax.f32 v5, v6;
	v6 =	vld [tilespmem:$0x1FFF0];
	v8 =	vmul.f32 v9, v8  }
0x7d: {  	s20 =	sadd.s32 $0x1, s20  }
0x7e: {  	v63 =	vmov s21;
	p0 =	sne.s32 s20, $0x18;
	v8 =	vsub.f32 $1.000000000e+00, v8  }
.Ltmp3:
0x7f: {  	_ = 	snop;
	(pc) =	sbr.rel @!p0 .LBB2_27-.Ltmp3, $4  }
0x80: {  	v7 =	vmul.f32 v8, v7  }
0x81: {  	vm0 =	vnez.u8 v6  }
0x82: {  	v6 =	vnsel vm0, $0xFF800000, v7  }
0x83: {  	[tilespmem:v63+s15+$0x0] =	vst.idx.msk $0x1, v6;
	v5 =	vmax.f32 v5, v6  }
.LBB2_2:
0x84: {  	s21 =	sshllo.u32 s20, $0x1  }
0x85: {  	s22 =	sadd.s32 s4, s21  }
0x86: {  	s23 =	sshll.u32 s22, $0x4  }
0x87: {  	s22 =	sshll.u32 s22, $0xA;
	s23 =	sand.u32 $0x70, s23  }
0x88: {  	s22 =	sand.u32 $0xFFFE000, s22;
	s23 =	sadd.s32 s3, s23  }
0x89: {  	s22 =	sadd.s32 s22, s23  }
0x8a: {  	[tilespmem:s12], [sflag:$0x2] =	stream.strided.gather [hbm4b:s22+s10], $0x2000, s11, s10, $0x38;
	[tilespmem:$0x6180] =	vst v63  }
0x8b: {  	_ =	swait.ge [sflag:s13], $0x2000  }
0x8c: {  	[sflag:s13] =	ssyncset.done $0x0  }
0x8d: {  	s24 =	simm.s32 $0x100;
	[sflag:s13] =	ssyncadd.s32 $0xFFFFE000  }
0x8e: {  	v8 =	vld [tilespmem:s24+$0xFFFFFF00]  }
0x8f: {  	v9 =	vld [tilespmem:s24+$0xFFFFFF40]  }
0x90: {  	v10 =	vld [tilespmem:s24+$0xFFFFFF80]  }
0x91: {  	v6 =	vld [tilespmem:s24+$0xFFFFFFC0]  }
0x92: {  	v11 =	vimm.f32 $+Inf;
	v7 =	vld [tilespmem:s24+$0x0]  }
0x93: {  	v11 =	vmin.f32 v11, v8;
	v8 =	vld [tilespmem:s24+$0x40]  }
0x94: {  	v11 =	vmin.f32 v11, v9;
	v9 =	vld [tilespmem:s24+$0x80]  }
0x95: {  	s23 =	simm.s32 $0x0;
	s22 =	sshll.u32 s20, $0x1;
	v11 =	vmin.f32 v11, v10;
	v10 =	vld [tilespmem:s24+$0xC0];
	s24 =	simm.s32 $0x300  }
.LBB2_3:
0x96: {  	v12 =	vld [tilespmem:s24+$0xFFFFFF00];
	s23 =	sadd.s32 $0x8, s23;
	v6 =	vmin.f32 v11, v6  }
0x97: {  	v11 =	vld [tilespmem:s24+$0xFFFFFF40];
	p0 =	slt.u32 s23, $0x78;
	v6 =	vmin.f32 v6, v7  }
0x98: {  	v13 =	vld [tilespmem:s24+$0xFFFFFF80];
	v7 =	vmin.f32 v6, v8  }
.Ltmp4:
0x99: {  	v6 =	vld [tilespmem:s24+$0xFFFFFFC0];
	v8 =	vmin.f32 v7, v9;
	(pc) =	sbr.rel @p0 .LBB2_3-.Ltmp4, $4  }
0x9a: {  	v7 =	vld [tilespmem:s24+$0x0];
	v8 =	vmin.f32 v8, v10  }
0x9b: {  	v9 =	vmin.f32 v8, v12;
	v8 =	vld [tilespmem:s24+$0x40]  }
0x9c: {  	v10 =	vmin.f32 v9, v11;
	v9 =	vld [tilespmem:s24+$0x80]  }
0x9d: {  	v11 =	vmin.f32 v10, v13;
	v10 =	vld [tilespmem:s24+$0xC0];
	s24 =	sadd.s32 $0x200, s24  }
0x9e: {  	v6 =	vmin.f32 v11, v6  }
0x9f: {  	v6 =	vmin.f32 v6, v7  }
0xa0: {  	v6 =	vmin.f32 v6, v8  }
0xa1: {  	v6 =	vmin.f32 v6, v9  }
0xa2: {  	v6 =	vmin.f32 v6, v10  }
0xa3: {  	(xrf1) =	vsort.ascd.msk.f32 $0xffff, v6, v6;
	_ =	sdelay $0xd  }
0xa4: {  	vm0 =	vcmask $0x2328;
	v6, _, _ =	vpop (xrf1)  }
0xa5: {  	v6 =	vsel vm0, $0xFF800000, v6  }
0xa6: {  	(xrf0) =	vmax.scan.msk.f32 $0xffff, v6;
	_ =	sdelay $0x2  }
0xa7: {  	s23 =	simm.s32 $0x80  }
0xa8: {  	v17 =	vld [tilespmem:s23+$0xFFFFFF80]  }
0xa9: {  	v7 =	vld [tilespmem:s23+$0xFFFFFF90]  }
0xaa: {  	v8 =	vld [tilespmem:s23+$0xFFFFFFA0];
	v6, _, _ =	vpop (xrf0)  }
0xab: {  	v9 =	vld [tilespmem:s23+$0xFFFFFFB0];
	v6 =	vbroadcast v6, $0xF  }
0xac: {  	v10 =	vld [tilespmem:s23+$0xFFFFFFC0]  }
0xad: {  	v11 =	vld [tilespmem:s23+$0xFFFFFFD0];
	vm8 =	vle.f32 v17, v6  }
0xae: {  	v22 =	vlaneseq.u32;
	v12 =	vld [tilespmem:s23+$0xFFFFFFE0];
	vm3 =	vle.f32 v7, v6;
	v13 =	vsel vm8, $0x10, v2  }
0xaf: {  	vm4 =	vle.f32 v8, v6;
	v14 =	vsel vm3, $0x10, v2;
	v18 =	vadd.s32 v22, v13;
	v13 =	vld [tilespmem:s23+$0xFFFFFFF0]  }
0xb0: {  	vm5 =	vle.f32 v9, v6;
	v15 =	vsel vm4, $0x10, v2;
	v19 =	vadd.s32 v18, v14;
	v14 =	vld [tilespmem:s23+$0x0]  }
0xb1: {  	vm6 =	vle.f32 v10, v6;
	v16 =	vsel vm5, $0x10, v2;
	v20 =	vadd.s32 v19, v15;
	v15 =	vld [tilespmem:s23+$0x10]  }
0xb2: {  	vm7 =	vle.f32 v11, v6;
	v23 =	vsel vm6, $0x10, v2;
	v21 =	vadd.s32 v20, v16;
	v16 =	vld [tilespmem:s23+$0x20]  }
0xb3: {  	s24 =	simm.s32 $0x0;
	[tilespmem:v22+s14+$0x0] =	vst.idx.msk vm8, v17;
	v22 =	vadd.s32 v21, v23;
	v23 =	vsel vm7, $0x10, v2;
	vm8 =	vle.f32 v12, v6;
	v17 =	vld [tilespmem:s23+$0x30]  }
.LBB2_5:
0xb4: {  	s24 =	sadd.s32 $0x10, s24;
	[tilespmem:v18+s14+$0x0] =	vst.idx.msk vm3, v7;
	v18 =	vadd.s32 v22, v23;
	v7 =	vsel vm8, $0x10, v2;
	vm3 =	vle.f32 v13, v6;
	v23 =	vld [tilespmem:s23+$0x40]  }
0xb5: {  	p0 =	slt.u32 s24, $0x1F0;
	[tilespmem:v19+s14+$0x0] =	vst.idx.msk vm4, v8;
	v19 =	vadd.s32 v18, v7;
	v7 =	vsel vm3, $0x10, v2;
	vm9 =	vle.f32 v14, v6;
	v24 =	vld [tilespmem:s23+$0x50]  }
0xb6: {  	[tilespmem:v20+s14+$0x0] =	vst.idx.msk vm5, v9;
	v20 =	vadd.s32 v19, v7;
	v7 =	vsel vm9, $0x10, v2;
	vm10 =	vle.f32 v15, v6;
	v25 =	vld [tilespmem:s23+$0x60]  }
0xb7: {  	[tilespmem:v21+s14+$0x0] =	vst.idx.msk vm6, v10;
	v21 =	vadd.s32 v20, v7;
	v7 =	vsel vm10, $0x10, v2;
	vm4 =	vle.f32 v16, v6;
	v26 =	vld [tilespmem:s23+$0x70];
	s23 =	sadd.s32 $0x100, s23  }
0xb8: {  	v27 =	vld [tilespmem:s23+$0xFFFFFF80];
	[tilespmem:v22+s14+$0x0] =	vst.idx.msk vm7, v11;
	v22 =	vadd.s32 v21, v7;
	v8 =	vsel vm4, $0x10, v2;
	vm11 =	vle.f32 v17, v6  }
0xb9: {  	v7 =	vld [tilespmem:s23+$0xFFFFFF90];
	[tilespmem:v18+s14+$0x0] =	vst.idx.msk vm8, v12;
	v18 =	vadd.s32 v22, v8;
	v9 =	vsel vm11, $0x10, v2;
	vm5 =	vle.f32 v23, v6  }
0xba: {  	v8 =	vld [tilespmem:s23+$0xFFFFFFA0];
	[tilespmem:v19+s14+$0x0] =	vst.idx.msk vm3, v13;
	v19 =	vadd.s32 v18, v9;
	v10 =	vsel vm5, $0x10, v2;
	vm6 =	vle.f32 v24, v6  }
0xbb: {  	v9 =	vld [tilespmem:s23+$0xFFFFFFB0];
	[tilespmem:v20+s14+$0x0] =	vst.idx.msk vm9, v14;
	v20 =	vadd.s32 v19, v10;
	v11 =	vsel vm6, $0x10, v2;
	vm7 =	vle.f32 v25, v6  }
0xbc: {  	v10 =	vld [tilespmem:s23+$0xFFFFFFC0];
	[tilespmem:v21+s14+$0x0] =	vst.idx.msk vm10, v15;
	v21 =	vadd.s32 v20, v11;
	v12 =	vsel vm7, $0x10, v2;
	vm9 =	vle.f32 v26, v6  }
0xbd: {  	vm8 =	vle.f32 v27, v6;
	v11 =	vld [tilespmem:s23+$0xFFFFFFD0];
	[tilespmem:v22+s14+$0x0] =	vst.idx.msk vm4, v16;
	v22 =	vadd.s32 v21, v12;
	v13 =	vsel vm9, $0x10, v2  }
0xbe: {  	v14 =	vsel vm8, $0x10, v2;
	vm3 =	vle.f32 v7, v6;
	v12 =	vld [tilespmem:s23+$0xFFFFFFE0];
	[tilespmem:v18+s14+$0x0] =	vst.idx.msk vm11, v17;
	v17 =	vadd.s32 v22, v13  }
.Ltmp5:
0xbf: {  	v18 =	vadd.s32 v17, v14;
	v14 =	vsel vm3, $0x10, v2;
	vm4 =	vle.f32 v8, v6;
	v13 =	vld [tilespmem:s23+$0xFFFFFFF0];
	[tilespmem:v19+s14+$0x0] =	vst.idx.msk vm5, v23;
	(pc) =	sbr.rel @p0 .LBB2_5-.Ltmp5, $4  }
0xc0: {  	v19 =	vadd.s32 v18, v14;
	v15 =	vsel vm4, $0x10, v2;
	vm5 =	vle.f32 v9, v6;
	v14 =	vld [tilespmem:s23+$0x0];
	[tilespmem:v20+s14+$0x0] =	vst.idx.msk vm6, v24  }
0xc1: {  	v20 =	vadd.s32 v19, v15;
	v16 =	vsel vm5, $0x10, v2;
	vm6 =	vle.f32 v10, v6;
	v15 =	vld [tilespmem:s23+$0x10];
	[tilespmem:v21+s14+$0x0] =	vst.idx.msk vm7, v25  }
0xc2: {  	v21 =	vadd.s32 v20, v16;
	v23 =	vsel vm6, $0x10, v2;
	vm7 =	vle.f32 v11, v6;
	v16 =	vld [tilespmem:s23+$0x20];
	[tilespmem:v22+s14+$0x0] =	vst.idx.msk vm9, v26  }
0xc3: {  	[tilespmem:v17+s14+$0x0] =	vst.idx.msk vm8, v27;
	v22 =	vadd.s32 v21, v23;
	v23 =	vsel vm7, $0x10, v2;
	vm8 =	vle.f32 v12, v6;
	v17 =	vld [tilespmem:s23+$0x30]  }
0xc4: {  	v23 =	vadd.s32 v22, v23;
	v24 =	vsel vm8, $0x10, v2;
	vm9 =	vle.f32 v13, v6;
	v25 =	vld [tilespmem:s23+$0x40]  }
0xc5: {  	v27 =	vld [tilespmem:s23+$0x50];
	v24 =	vadd.s32 v23, v24;
	v26 =	vsel vm9, $0x10, v2;
	vm10 =	vle.f32 v14, v6  }
0xc6: {  	v29 =	vld [tilespmem:s23+$0x60];
	v26 =	vadd.s32 v24, v26;
	v28 =	vsel vm10, $0x10, v2;
	vm11 =	vle.f32 v15, v6  }
0xc7: {  	v31 =	vld [tilespmem:s23+$0x70];
	v28 =	vadd.s32 v26, v28;
	v30 =	vsel vm11, $0x10, v2;
	vm12 =	vle.f32 v16, v6  }
0xc8: {  	v30 =	vadd.s32 v28, v30;
	v32 =	vsel vm12, $0x10, v2;
	vm13 =	vle.f32 v17, v6  }
0xc9: {  	v32 =	vadd.s32 v30, v32;
	v33 =	vsel vm13, $0x10, v2;
	vm14 =	vle.f32 v25, v6  }
0xca: {  	vm15 =	vle.f32 v27, v6;
	v33 =	vadd.s32 v32, v33;
	v34 =	vsel vm14, $0x10, v2  }
0xcb: {  	vm0 =	vle.f32 v29, v6;
	v35 =	vsel vm15, $0x10, v2;
	v34 =	vadd.s32 v33, v34  }
0xcc: {  	vm2 =	vle.f32 v31, v6;
	v36 =	vsel vm0, $0x10, v2;
	v35 =	vadd.s32 v34, v35  }
0xcd: {  	v6 =	vsel vm2, $0x10, v2;
	v36 =	vadd.s32 v35, v36  }
0xce: {  	v6 =	vadd.s32 v36, v6  }
0xcf: {  	v37 =	vadd.s32 v1, v6  }
0xd0: {  	v37 =	vshra.s32 v37, $0x4  }
0xd1: {  	v37 =	vxor.u32 $0x80000000, v37  }
0xd2: {  	(xrf0) =	vmax.scan.msk.u32 $0xffff, v37;
	_ =	sdelay $0x5  }
0xd3: {  	v37, _, _ =	vpop (xrf0)  }
0xd4: {  	(v2sf) =	vpush v37, $0xF;
	_ =	sdelay $0x7  }
0xd5: {  	[tilespmem:v18+s14+$0x0] =	vst.idx.msk vm3, v7  }
0xd6: {  	[tilespmem:v19+s14+$0x0] =	vst.idx.msk vm4, v8  }
0xd7: {  	[tilespmem:v20+s14+$0x0] =	vst.idx.msk vm5, v9  }
0xd8: {  	[tilespmem:v21+s14+$0x0] =	vst.idx.msk vm6, v10  }
0xd9: {  	[tilespmem:v22+s14+$0x0] =	vst.idx.msk vm7, v11  }
0xda: {  	[tilespmem:v23+s14+$0x0] =	vst.idx.msk vm8, v12  }
0xdb: {  	[tilespmem:v24+s14+$0x0] =	vst.idx.msk vm9, v13  }
0xdc: {  	[tilespmem:v26+s14+$0x0] =	vst.idx.msk vm10, v14;
	s31 =	spop (v2sf)  }
0xdd: {  	[tilespmem:v28+s14+$0x0] =	vst.idx.msk vm11, v15;
	s24 =	sxor.u32 $0x80000000, s31  }
0xde: {  	[tilespmem:v30+s14+$0x0] =	vst.idx.msk vm12, v16;
	p0 =	slt.s32 s24, $0x1  }
.Ltmp6:
0xdf: {  	[tilespmem:v32+s14+$0x0] =	vst.idx.msk vm13, v17;
	(pc) =	sbr.rel @p0 .LBB2_14-.Ltmp6, $4  }
0xe0: {  	[tilespmem:v33+s14+$0x0] =	vst.idx.msk vm14, v25  }
0xe1: {  	[tilespmem:v34+s14+$0x0] =	vst.idx.msk vm15, v27  }
0xe2: {  	[tilespmem:v35+s14+$0x0] =	vst.idx.msk vm0, v29  }
0xe3: {  	v7 =	vimm.f32 $+Inf;
	v8 =	vimm.f32 $+Inf;
	[tilespmem:v36+s14+$0x0] =	vst.idx.msk vm2, v31  }
0xe4: {  	p2 =	sne.s32 s24, $0x1  }
.Ltmp7:
0xe5: {  	_ = 	snop;
	(pc) =	sbr.rel @!p2 .LBB2_8-.Ltmp7, $3  }
0xe6: {  	_ =	sdelay $0x1  }
0xe7: {  	s25 =	simm.s32 $0x4000;
	s23 =	simm.s32 $0x0  }
0xe8: {  	s24 =	sadd.s32 $0xFFFFFFFF, s24;
	p0 =	por $0x0, $0x0;
	p1 =	por $0x0, $0x0;
	v8 =	vld [tilespmem:s25+$0x0]  }
0xe9: {  	p2 =	sne.s32 s24, $0x1  }
.Ltmp8:
0xea: {  	_ = 	snop;
	(pc) =	sbr.rel @!p2 .LBB2_10-.Ltmp8, $4  }
0xeb: {  	v9 =	vor.u32 s23, v0  }
0xec: {  	vm0 =	vgt.s32 v6, v9  }
0xed: {  	s25 =	simm.s32 $0x4010;
	v8 =	vnsel vm0, $0x7F800000, v8  }
0xee: {  	s26 =	sadd.s32 $0xFFFFFFFF, s24;
	p0 =	por $0x1, $0x1;
	(xrf1) =	vsort.ascd.msk.f32 $0xffff, v8, v8;
	v8 =	vld [tilespmem:s25+$0x0]  }
0xef: {  	_ =	sdelay $0xa  }
0xf0: {  	s24 =	simm.s32 $0x10  }
0xf1: {  	v9 =	vor.u32 s24, v0  }
0xf2: {  	vm0 =	vgt.s32 v6, v9;
	v10, _, _ =	vpop (xrf1)  }
0xf3: {  	v8 =	vnsel vm0, $0x7F800000, v8;
	v9 =	vperm.xlane v10, v3  }
0xf4: {  	(xrf1) =	vsort.ascd.msk.f32 $0xffff, v8, v8  }
0xf5: {  	v8 =	vmin.f32 v7, v9  }
0xf6: {  	(xrf1) =	vsort.ascd.msk.f32 $0xffff, v8, v8;
	_ =	sdelay $0x2  }
0xf7: {  	p2 =	sne.s32 s26, $0x1  }
.Ltmp9:
0xf8: {  	_ = 	snop;
	(pc) =	sbr.rel @!p2 .LBB2_13-.Ltmp9, $3  }
0xf9: {  	_ =	sdelay $0x1  }
0xfa: {  	s25 =	simm.s32 $0x4020  }
0xfb: {  	s26 =	sadd.s32 $0xFFFFFFFF, s26;
	p1 =	por $0x1, $0x1;
	v8 =	vld [tilespmem:s25+$0x0]  }
.LBB2_12:
0xfc: {  	p2 =	sne.s32 s26, $0x1  }
0xfd: {  	s24 =	sadd.s32 $0x10, s24  }
0xfe: {  	v10 =	vor.u32 s24, v0  }
0xff: {  	vm0 =	vgt.s32 v6, v10;
	v9, _, _ =	vpop (xrf1)  }
0x100: {  	v10 =	vnsel vm0, $0x7F800000, v8;
	v9 =	vperm.xlane v9, v3  }
0x101: {  	(xrf1) =	vsort.ascd.msk.f32 $0xffff, v10, v10;
	v8, _, _ =	vpop (xrf1)  }
0x102: {  	v8 =	vmin.f32 v8, v9  }
0x103: {  	(xrf1) =	vsort.ascd.msk.f32 $0xffff, v8, v8;
	_ =	sdelay $0x3  }
.Ltmp10:
0x104: {  	(pc) =	sbr.rel @p2 .LBB2_12-.Ltmp10, $3  }
0x105: {  	_ =	sdelay $0x1  }
0x106: {  	s25 =	sadd.s32 $0x10, s25  }
0x107: {  	s26 =	sadd.s32 $0xFFFFFFFF, s26;
	v8 =	vld [tilespmem:s25+$0x0]  }
.LBB2_13:
0x108: {  	s24 =	sadd.s32 @p0 $0x10, s24  }
0x109: {  	s23 =	smov.u32 @p0 s24  }
0x10a: {  	v9 =	vor.u32 s23, v0;
	_ =	sdelay $0x1  }
0x10b: {  	v10, _, _ =	vpop @p0 (xrf1)  }
0x10c: {  	vm0 =	vgt.s32 v6, v9;
	v6 =	vperm.xlane @p0 v10, v3;
	v9, _, _ =	vpop @p1 (xrf1)  }
0x10d: {  	v8 =	vnsel vm0, $0x7F800000, v8;
	v9 =	vpsel p1, v9, v7  }
0x10e: {  	(xrf1) =	vsort.ascd.msk.f32 $0xffff, v8, v8;
	v6 =	vmin.f32 @p0 v9, v6  }
0x10f: {  	(xrf1) =	vsort.ascd.msk.f32 @p0 $0xffff, v6, v6;
	_ =	sdelay $0xc  }
0x110: {  	v6, _, _ =	vpop (xrf1)  }
0x111: {  	v6 =	vperm.xlane v6, v3;
	v8, _, _ =	vpop @p0 (xrf1)  }
0x112: {  	v8 =	vpsel p0, v8, v7  }
0x113: {  	v6 =	vmin.f32 v8, v6  }
0x114: {  	(xrf1) =	vsort.ascd.msk.f32 $0xffff, v6, v6;
	_ =	sdelay $0xd  }
0x115: {  	v8, _, _ =	vpop (xrf1)  }
.LBB2_14:
0x116: {  	v6 =	vshra.s32 v8, $0x1  }
0x117: {  	v6 =	vadd.s32 $0x1FBD1DF5, v6  }
0x118: {  	(erf) = vrcp.f32 v6;
	_ =	sdelay $0x8  }
0x119: {  	v9 =	vpop (erf)  }
0x11a: {  	v9 =	vmul.f32 v9, v8;
	_ =	sdelay $0x1  }
0x11b: {  	v6 =	vadd.f32 v6, v9;
	_ =	sdelay $0x1  }
0x11c: {  	v6 =	vmul.f32 $5.000000000e-01, v6;
	_ =	sdelay $0x1  }
0x11d: {  	(erf) = vrcp.f32 v6;
	_ =	sdelay $0x8  }
0x11e: {  	v9 =	vpop (erf)  }
0x11f: {  	v9 =	vmul.f32 v9, v8;
	_ =	sdelay $0x1  }
0x120: {  	v6 =	vadd.f32 v9, v6;
	_ =	sdelay $0x1  }
0x121: {  	v6 =	vmul.f32 $5.000000000e-01, v6;
	_ =	sdelay $0x1  }
0x122: {  	(erf) = vrcp.f32 v6;
	_ =	sdelay $0x8  }
0x123: {  	v9 =	vpop (erf)  }
0x124: {  	v8 =	vmul.f32 v9, v8;
	_ =	sdelay $0x1  }
0x125: {  	v6 =	vadd.f32 v8, v6;
	_ =	sdelay $0x1  }
0x126: {  	v6 =	vmul.f32 $5.000000000e-01, v6;
	_ =	sdelay $0x1  }
0x127: {  	v8 =	vnsel vm1, $0xFF800000, v6  }
0x128: {  	(xrf0) =	vmax.scan.msk.f32 $0xffff, v8;
	_ =	sdelay $0x5  }
0x129: {  	v8, _, _ =	vpop (xrf0)  }
0x12a: {  	v8 =	vbroadcast v8, $0xF;
	_ =	sdelay $0x1  }
0x12b: {  	v8 =	vsub.f32 v6, v8;
	_ =	sdelay $0x1  }
0x12c: {  	v8 =	vmul.f32 $1.442695020e+00, v8;
	_ =	sdelay $0x1  }
0x12d: {  	(erf) = vpow2.f32 v8;
	_ =	sdelay $0x8  }
0x12e: {  	v8 =	vpop (erf)  }
0x12f: {  	v9 =	vnsel vm1, $0x0, v8  }
0x130: {  	(xrf2) =	vadd.scan.msk.f32 $0xffff, v9;
	_ =	sdelay $0x9  }
0x131: {  	v9, _, _ =	vpop (xrf2)  }
0x132: {  	v9 =	vbroadcast v9, $0xF;
	_ =	sdelay $0x1  }
0x133: {  	(erf) = vrcp.f32 v9;
	_ =	sdelay $0x8  }
0x134: {  	v9 =	vpop (erf)  }
0x135: {  	v8 =	vmul.f32 v9, v8;
	_ =	sdelay $0x1  }
0x136: {  	v8 =	vsub.f32 $1.000000000e+00, v8  }
0x137: {  	v10 =	vmov s22  }
0x138: {  	v9 =	vand.u32 $0xFFFFFFFE, v10;
	v6 =	vmul.f32 v8, v6;
	v8 =	vld [tilespmem:$0x1FFF0]  }
0x139: {  	v9 =	vbroadcast v9, $0x0;
	_ =	sdelay $0x1  }
0x13a: {  	s30 =	sadd.s32 s22, s6  }
0x13b: {  	s23 =	sshll.u32 s30, $0x4  }
0x13c: {  	s22 =	sshll.u32 s30, $0xA;
	s23 =	sand.u32 $0x70, s23;
	vm0 =	vnez.u8 v8  }
0x13d: {  	s22 =	sand.u32 $0xFFFE000, s22;
	s23 =	sadd.s32 s3, s23;
	v6 =	vnsel vm0, $0xFF800000, v6  }
0x13e: {  	s22 =	sadd.s32 s22, s23;
	[tilespmem:v9+s15+$0x0] =	vst.idx.msk $0x1, v6  }
0x13f: {  	[tilespmem:s2], [sflag:$0x1] =	stream.strided.gather [hbm4b:s22+s10], $0x2000, s11, s10, $0x38;
	[tilespmem:$0x6180] =	vst v63  }
0x140: {  	_ =	swait.ge [sflag:s16], $0x2000  }
0x141: {  	[sflag:s16] =	ssyncset.done $0x0  }
0x142: {  	s31 =	simm.s32 $0x2100;
	[sflag:s16] =	ssyncadd.s32 $0xFFFFE000  }
0x143: {  	v10 =	vld [tilespmem:s31+$0xFFFFFF00]  }
0x144: {  	v11 =	vld [tilespmem:s31+$0xFFFFFF40]  }
0x145: {  	v12 =	vld [tilespmem:s31+$0xFFFFFF80]  }
0x146: {  	v9 =	vld [tilespmem:s31+$0xFFFFFFC0]  }
0x147: {  	v8 =	vld [tilespmem:s31+$0x0]  }
0x148: {  	v10 =	vmin.f32 v7, v10;
	v7 =	vld [tilespmem:s31+$0x40]  }
0x149: {  	v11 =	vmin.f32 v10, v11;
	v10 =	vld [tilespmem:s31+$0x80]  }
0x14a: {  	s23 =	simm.s32 $0x2300;
	s22 =	simm.s32 $0x0;
	v12 =	vmin.f32 v11, v12;
	v11 =	vld [tilespmem:s31+$0xC0]  }
.LBB2_15:
0x14b: {  	v13 =	vld [tilespmem:s23+$0xFFFFFF00];
	s22 =	sadd.s32 $0x8, s22;
	v9 =	vmin.f32 v12, v9  }
0x14c: {  	v12 =	vld [tilespmem:s23+$0xFFFFFF40];
	p0 =	slt.u32 s22, $0x78;
	v8 =	vmin.f32 v9, v8  }
0x14d: {  	v14 =	vld [tilespmem:s23+$0xFFFFFF80];
	v7 =	vmin.f32 v8, v7  }
.Ltmp11:
0x14e: {  	v9 =	vld [tilespmem:s23+$0xFFFFFFC0];
	v7 =	vmin.f32 v7, v10;
	(pc) =	sbr.rel @p0 .LBB2_15-.Ltmp11, $4  }
0x14f: {  	v8 =	vld [tilespmem:s23+$0x0];
	v7 =	vmin.f32 v7, v11  }
0x150: {  	v10 =	vmin.f32 v7, v13;
	v7 =	vld [tilespmem:s23+$0x40]  }
0x151: {  	v11 =	vmin.f32 v10, v12;
	v10 =	vld [tilespmem:s23+$0x80]  }
0x152: {  	v12 =	vmin.f32 v11, v14;
	v11 =	vld [tilespmem:s23+$0xC0];
	s23 =	sadd.s32 $0x200, s23  }
0x153: {  	v9 =	vmin.f32 v12, v9  }
0x154: {  	v8 =	vmin.f32 v9, v8  }
0x155: {  	v7 =	vmin.f32 v8, v7  }
0x156: {  	v7 =	vmin.f32 v7, v10  }
0x157: {  	v7 =	vmin.f32 v7, v11  }
0x158: {  	(xrf1) =	vsort.ascd.msk.f32 $0xffff, v7, v7;
	_ =	sdelay $0xd  }
0x159: {  	vm0 =	vcmask $0x2328;
	v7, _, _ =	vpop (xrf1)  }
0x15a: {  	v7 =	vsel vm0, $0xFF800000, v7  }
0x15b: {  	(xrf0) =	vmax.scan.msk.f32 $0xffff, v7;
	_ =	sdelay $0x2  }
0x15c: {  	s22 =	simm.s32 $0x2080  }
0x15d: {  	v18 =	vld [tilespmem:s22+$0xFFFFFF80]  }
0x15e: {  	v8 =	vld [tilespmem:s22+$0xFFFFFF90]  }
0x15f: {  	v9 =	vld [tilespmem:s22+$0xFFFFFFA0];
	v7, _, _ =	vpop (xrf0)  }
0x160: {  	v10 =	vld [tilespmem:s22+$0xFFFFFFB0];
	v7 =	vbroadcast v7, $0xF  }
0x161: {  	v11 =	vld [tilespmem:s22+$0xFFFFFFC0]  }
0x162: {  	v12 =	vld [tilespmem:s22+$0xFFFFFFD0];
	vm0 =	vle.f32 v18, v7  }
0x163: {  	v19 =	vlaneseq.u32;
	v13 =	vld [tilespmem:s22+$0xFFFFFFE0];
	vm3 =	vle.f32 v8, v7;
	v14 =	vsel vm0, $0x10, v2  }
0x164: {  	vm4 =	vle.f32 v9, v7;
	v15 =	vsel vm3, $0x10, v2;
	v20 =	vadd.s32 v19, v14;
	v14 =	vld [tilespmem:s22+$0xFFFFFFF0]  }
0x165: {  	vm5 =	vle.f32 v10, v7;
	v16 =	vsel vm4, $0x10, v2;
	v21 =	vadd.s32 v20, v15;
	v15 =	vld [tilespmem:s22+$0x0]  }
0x166: {  	vm6 =	vle.f32 v11, v7;
	v17 =	vsel vm5, $0x10, v2;
	v22 =	vadd.s32 v21, v16;
	v16 =	vld [tilespmem:s22+$0x10]  }
0x167: {  	vm7 =	vle.f32 v12, v7;
	v24 =	vsel vm6, $0x10, v2;
	v23 =	vadd.s32 v22, v17;
	v17 =	vld [tilespmem:s22+$0x20]  }
0x168: {  	s23 =	simm.s32 $0x0;
	vm8 =	vle.f32 v13, v7;
	[tilespmem:v19+s14+$0x0] =	vst.idx.msk vm0, v18;
	v24 =	vadd.s32 v23, v24;
	v19 =	vsel vm7, $0x10, v2;
	v18 =	vld [tilespmem:s22+$0x30]  }
.LBB2_17:
0x169: {  	s23 =	sadd.s32 $0x10, s23;
	[tilespmem:v20+s14+$0x0] =	vst.idx.msk vm3, v8;
	v19 =	vadd.s32 v24, v19;
	v8 =	vsel vm8, $0x10, v2;
	vm3 =	vle.f32 v14, v7;
	v25 =	vld [tilespmem:s22+$0x40]  }
0x16a: {  	p0 =	slt.u32 s23, $0x1F0;
	[tilespmem:v21+s14+$0x0] =	vst.idx.msk vm4, v9;
	v20 =	vadd.s32 v19, v8;
	v8 =	vsel vm3, $0x10, v2;
	vm9 =	vle.f32 v15, v7;
	v26 =	vld [tilespmem:s22+$0x50]  }
0x16b: {  	[tilespmem:v22+s14+$0x0] =	vst.idx.msk vm5, v10;
	v21 =	vadd.s32 v20, v8;
	v8 =	vsel vm9, $0x10, v2;
	vm10 =	vle.f32 v16, v7;
	v27 =	vld [tilespmem:s22+$0x60]  }
0x16c: {  	[tilespmem:v23+s14+$0x0] =	vst.idx.msk vm6, v11;
	v22 =	vadd.s32 v21, v8;
	v8 =	vsel vm10, $0x10, v2;
	vm4 =	vle.f32 v17, v7;
	v28 =	vld [tilespmem:s22+$0x70];
	s22 =	sadd.s32 $0x100, s22  }
0x16d: {  	v29 =	vld [tilespmem:s22+$0xFFFFFF80];
	[tilespmem:v24+s14+$0x0] =	vst.idx.msk vm7, v12;
	v23 =	vadd.s32 v22, v8;
	v9 =	vsel vm4, $0x10, v2;
	vm11 =	vle.f32 v18, v7  }
0x16e: {  	v8 =	vld [tilespmem:s22+$0xFFFFFF90];
	[tilespmem:v19+s14+$0x0] =	vst.idx.msk vm8, v13;
	v19 =	vadd.s32 v23, v9;
	v10 =	vsel vm11, $0x10, v2;
	vm5 =	vle.f32 v25, v7  }
0x16f: {  	v9 =	vld [tilespmem:s22+$0xFFFFFFA0];
	[tilespmem:v20+s14+$0x0] =	vst.idx.msk vm3, v14;
	v24 =	vadd.s32 v19, v10;
	v11 =	vsel vm5, $0x10, v2;
	vm6 =	vle.f32 v26, v7  }
0x170: {  	v10 =	vld [tilespmem:s22+$0xFFFFFFB0];
	[tilespmem:v21+s14+$0x0] =	vst.idx.msk vm9, v15;
	v30 =	vadd.s32 v24, v11;
	v12 =	vsel vm6, $0x10, v2;
	vm7 =	vle.f32 v27, v7  }
0x171: {  	v11 =	vld [tilespmem:s22+$0xFFFFFFC0];
	[tilespmem:v22+s14+$0x0] =	vst.idx.msk vm10, v16;
	v31 =	vadd.s32 v30, v12;
	v13 =	vsel vm7, $0x10, v2;
	vm9 =	vle.f32 v28, v7  }
0x172: {  	vm8 =	vle.f32 v29, v7;
	v12 =	vld [tilespmem:s22+$0xFFFFFFD0];
	[tilespmem:v23+s14+$0x0] =	vst.idx.msk vm4, v17;
	v32 =	vadd.s32 v31, v13;
	v14 =	vsel vm9, $0x10, v2  }
0x173: {  	v15 =	vsel vm8, $0x10, v2;
	vm3 =	vle.f32 v8, v7;
	v13 =	vld [tilespmem:s22+$0xFFFFFFE0];
	[tilespmem:v19+s14+$0x0] =	vst.idx.msk vm11, v18;
	v18 =	vadd.s32 v32, v14  }
.Ltmp12:
0x174: {  	v20 =	vadd.s32 v18, v15;
	v15 =	vsel vm3, $0x10, v2;
	vm4 =	vle.f32 v9, v7;
	v14 =	vld [tilespmem:s22+$0xFFFFFFF0];
	[tilespmem:v24+s14+$0x0] =	vst.idx.msk vm5, v25;
	(pc) =	sbr.rel @p0 .LBB2_17-.Ltmp12, $4  }
0x175: {  	v21 =	vadd.s32 v20, v15;
	v16 =	vsel vm4, $0x10, v2;
	vm5 =	vle.f32 v10, v7;
	v15 =	vld [tilespmem:s22+$0x0];
	[tilespmem:v30+s14+$0x0] =	vst.idx.msk vm6, v26  }
0x176: {  	v22 =	vadd.s32 v21, v16;
	v17 =	vsel vm5, $0x10, v2;
	vm6 =	vle.f32 v11, v7;
	v16 =	vld [tilespmem:s22+$0x10];
	[tilespmem:v31+s14+$0x0] =	vst.idx.msk vm7, v27  }
0x177: {  	v23 =	vadd.s32 v22, v17;
	v19 =	vsel vm6, $0x10, v2;
	vm7 =	vle.f32 v12, v7;
	v17 =	vld [tilespmem:s22+$0x20];
	[tilespmem:v32+s14+$0x0] =	vst.idx.msk vm9, v28  }
0x178: {  	[tilespmem:v18+s14+$0x0] =	vst.idx.msk vm8, v29;
	v24 =	vadd.s32 v23, v19;
	v19 =	vsel vm7, $0x10, v2;
	vm8 =	vle.f32 v13, v7;
	v18 =	vld [tilespmem:s22+$0x30]  }
0x179: {  	v25 =	vadd.s32 v24, v19;
	v19 =	vsel vm8, $0x10, v2;
	vm9 =	vle.f32 v14, v7;
	v26 =	vld [tilespmem:s22+$0x40]  }
0x17a: {  	v28 =	vld [tilespmem:s22+$0x50];
	v27 =	vadd.s32 v25, v19;
	v19 =	vsel vm9, $0x10, v2;
	vm10 =	vle.f32 v15, v7  }
0x17b: {  	v30 =	vld [tilespmem:s22+$0x60];
	v29 =	vadd.s32 v27, v19;
	v19 =	vsel vm10, $0x10, v2;
	vm11 =	vle.f32 v16, v7  }
0x17c: {  	v32 =	vld [tilespmem:s22+$0x70];
	v31 =	vadd.s32 v29, v19;
	v19 =	vsel vm11, $0x10, v2;
	vm12 =	vle.f32 v17, v7  }
0x17d: {  	v33 =	vadd.s32 v31, v19;
	v19 =	vsel vm12, $0x10, v2;
	vm0 =	vle.f32 v18, v7  }
0x17e: {  	v34 =	vadd.s32 v33, v19;
	v19 =	vsel vm0, $0x10, v2;
	vm2 =	vle.f32 v26, v7  }
0x17f: {  	vm13 =	vle.f32 v28, v7;
	v35 =	vadd.s32 v34, v19;
	v19 =	vsel vm2, $0x10, v2  }
0x180: {  	vm14 =	vle.f32 v30, v7;
	v36 =	vadd.s32 v35, v19;
	v19 =	vsel vm13, $0x10, v2  }
0x181: {  	vm15 =	vle.f32 v32, v7;
	v37 =	vadd.s32 v36, v19;
	v19 =	vsel vm14, $0x10, v2  }
0x182: {  	v7 =	vadd.s32 v37, v19;
	v19 =	vsel vm15, $0x10, v2  }
0x183: {  	v19 =	vadd.s32 v7, v19  }
0x184: {  	v38 =	vadd.s32 v1, v19  }
0x185: {  	v38 =	vshra.s32 v38, $0x4  }
0x186: {  	v38 =	vxor.u32 $0x80000000, v38  }
0x187: {  	(xrf0) =	vmax.scan.msk.u32 $0xffff, v38;
	_ =	sdelay $0x5  }
0x188: {  	v38, _, _ =	vpop (xrf0)  }
0x189: {  	(v2sf) =	vpush v38, $0xF;
	_ =	sdelay $0x7  }
0x18a: {  	[tilespmem:v20+s14+$0x0] =	vst.idx.msk vm3, v8  }
0x18b: {  	[tilespmem:v21+s14+$0x0] =	vst.idx.msk vm4, v9  }
0x18c: {  	[tilespmem:v22+s14+$0x0] =	vst.idx.msk vm5, v10  }
0x18d: {  	[tilespmem:v23+s14+$0x0] =	vst.idx.msk vm6, v11  }
0x18e: {  	[tilespmem:v24+s14+$0x0] =	vst.idx.msk vm7, v12  }
0x18f: {  	[tilespmem:v25+s14+$0x0] =	vst.idx.msk vm8, v13  }
0x190: {  	[tilespmem:v27+s14+$0x0] =	vst.idx.msk vm9, v14  }
0x191: {  	[tilespmem:v29+s14+$0x0] =	vst.idx.msk vm10, v15;
	s31 =	spop (v2sf)  }
0x192: {  	[tilespmem:v31+s14+$0x0] =	vst.idx.msk vm11, v16;
	s23 =	sxor.u32 $0x80000000, s31  }
0x193: {  	[tilespmem:v33+s14+$0x0] =	vst.idx.msk vm12, v17;
	p0 =	slt.s32 s23, $0x1  }
.Ltmp13:
0x194: {  	[tilespmem:v34+s14+$0x0] =	vst.idx.msk vm0, v18;
	(pc) =	sbr.rel @p0 .LBB2_26-.Ltmp13, $4  }
0x195: {  	[tilespmem:v35+s14+$0x0] =	vst.idx.msk vm2, v26  }
0x196: {  	[tilespmem:v36+s14+$0x0] =	vst.idx.msk vm13, v28  }
0x197: {  	[tilespmem:v37+s14+$0x0] =	vst.idx.msk vm14, v30  }
0x198: {  	[tilespmem:v7+s14+$0x0] =	vst.idx.msk vm15, v32;
	v7 =	vimm.f32 $+Inf  }
0x199: {  	p2 =	sne.s32 s23, $0x1  }
.Ltmp14:
0x19a: {  	_ = 	snop;
	(pc) =	sbr.rel @!p2 .LBB2_20-.Ltmp14, $3  }
0x19b: {  	_ =	sdelay $0x1  }
0x19c: {  	s24 =	simm.s32 $0x4000;
	s22 =	simm.s32 $0x0  }
0x19d: {  	s23 =	sadd.s32 $0xFFFFFFFF, s23;
	p0 =	por $0x0, $0x0;
	p1 =	por $0x0, $0x0;
	v8 =	vld [tilespmem:s24+$0x0]  }
0x19e: {  	_ =	sdelay $0x1  }
0x19f: {  	v9 =	vor.u32 s22, v0  }
0x1a0: {  	vm0 =	vgt.s32 v19, v9  }
0x1a1: {  	v8 =	vnsel vm0, $0x7F800000, v8  }
0x1a2: {  	(xrf1) =	vsort.ascd.msk.f32 $0xffff, v8, v8;
	_ =	sdelay $0x5  }
0x1a3: {  	p2 =	sne.s32 s23, $0x1  }
.Ltmp15:
0x1a4: {  	_ = 	snop;
	(pc) =	sbr.rel @!p2 .LBB2_22-.Ltmp15, $3  }
0x1a5: {  	_ =	sdelay $0x1  }
0x1a6: {  	s24 =	simm.s32 $0x4010  }
0x1a7: {  	s25 =	sadd.s32 $0xFFFFFFFF, s23;
	p0 =	por $0x1, $0x1;
	v8 =	vld [tilespmem:s24+$0x0]  }
0x1a8: {  	_ = 	snop  }
0x1a9: {  	s23 =	simm.s32 $0x10  }
0x1aa: {  	v9 =	vor.u32 s23, v0;
	v10, _, _ =	vpop (xrf1)  }
0x1ab: {  	vm0 =	vgt.s32 v19, v9;
	v9 =	vperm.xlane v10, v3  }
0x1ac: {  	v8 =	vnsel vm0, $0x7F800000, v8  }
0x1ad: {  	(xrf1) =	vsort.ascd.msk.f32 $0xffff, v8, v8;
	v8 =	vmin.f32 v7, v9  }
0x1ae: {  	(xrf1) =	vsort.ascd.msk.f32 $0xffff, v8, v8;
	_ =	sdelay $0x4  }
0x1af: {  	p2 =	sne.s32 s25, $0x1  }
.Ltmp16:
0x1b0: {  	_ = 	snop;
	(pc) =	sbr.rel @!p2 .LBB2_25-.Ltmp16, $3  }
0x1b1: {  	_ =	sdelay $0x1  }
0x1b2: {  	s24 =	simm.s32 $0x4020  }
0x1b3: {  	s25 =	sadd.s32 $0xFFFFFFFF, s25;
	p1 =	por $0x1, $0x1;
	v8 =	vld [tilespmem:s24+$0x0]  }
.LBB2_24:
0x1b4: {  	p2 =	sne.s32 s25, $0x1  }
0x1b5: {  	s23 =	sadd.s32 $0x10, s23  }
0x1b6: {  	v10 =	vor.u32 s23, v0  }
0x1b7: {  	vm0 =	vgt.s32 v19, v10;
	v9, _, _ =	vpop (xrf1)  }
0x1b8: {  	v10 =	vnsel vm0, $0x7F800000, v8;
	v9 =	vperm.xlane v9, v3  }
0x1b9: {  	(xrf1) =	vsort.ascd.msk.f32 $0xffff, v10, v10;
	v8, _, _ =	vpop (xrf1)  }
0x1ba: {  	v8 =	vmin.f32 v8, v9  }
0x1bb: {  	(xrf1) =	vsort.ascd.msk.f32 $0xffff, v8, v8;
	_ =	sdelay $0x3  }
.Ltmp17:
0x1bc: {  	(pc) =	sbr.rel @p2 .LBB2_24-.Ltmp17, $3  }
0x1bd: {  	_ =	sdelay $0x1  }
0x1be: {  	s24 =	sadd.s32 $0x10, s24  }
0x1bf: {  	s25 =	sadd.s32 $0xFFFFFFFF, s25;
	v8 =	vld [tilespmem:s24+$0x0]  }
.Ltmp18:
0x1c0: {  	_ = 	snop;
	(pc) =	sbr.rel .LBB2_25-.Ltmp18, $1  }
0x1c1: {  	_ =	sdelay $0x3  }
.LBB2_8:
.Ltmp19:
0x1c2: {  	(pc) =	sbr.rel .LBB2_13-.Ltmp19, $2  }
0x1c3: {  	_ =	sdelay $0x2  }
0x1c4: {  	s24 =	simm.s32 $0x0  }
.LBB2_10:
.Ltmp20:
0x1c5: {  	(pc) =	sbr.rel .LBB2_13-.Ltmp20, $2  }
0x1c6: {  	_ =	sdelay $0x2  }
0x1c7: {  	s24 =	simm.s32 $0x0  }
.LBB2_22:
.Ltmp21:
0x1c8: {  	(pc) =	sbr.rel .LBB2_25-.Ltmp21, $2  }
0x1c9: {  	_ =	sdelay $0x2  }
0x1ca: {  	s23 =	simm.s32 $0x0  }
.LBB2_27:
0x1cb: {  	_ =	swait.ge [sflag:s13], $0x2000  }
0x1cc: {  	[sflag:s13] =	ssyncset.done $0x0  }
0x1cd: {  	s21 =	simm.s32 $0x100;
	[sflag:s13] =	ssyncadd.s32 $0xFFFFE000  }
0x1ce: {  	v8 =	vld [tilespmem:s21+$0xFFFFFF00]  }
0x1cf: {  	v9 =	vld [tilespmem:s21+$0xFFFFFF40]  }
0x1d0: {  	v10 =	vld [tilespmem:s21+$0xFFFFFF80]  }
0x1d1: {  	v6 =	vld [tilespmem:s21+$0xFFFFFFC0]  }
0x1d2: {  	v11 =	vimm.f32 $+Inf;
	v7 =	vld [tilespmem:s21+$0x0]  }
0x1d3: {  	v11 =	vmin.f32 v11, v8;
	v8 =	vld [tilespmem:s21+$0x40]  }
0x1d4: {  	v11 =	vmin.f32 v11, v9;
	v9 =	vld [tilespmem:s21+$0x80]  }
0x1d5: {  	s20 =	simm.s32 $0x0;
	v11 =	vmin.f32 v11, v10;
	v10 =	vld [tilespmem:s21+$0xC0];
	s21 =	simm.s32 $0x300  }
.LBB2_28:
0x1d6: {  	v12 =	vld [tilespmem:s21+$0xFFFFFF00];
	s20 =	sadd.s32 $0x8, s20;
	v6 =	vmin.f32 v11, v6  }
0x1d7: {  	v11 =	vld [tilespmem:s21+$0xFFFFFF40];
	p0 =	slt.u32 s20, $0x78;
	v6 =	vmin.f32 v6, v7  }
0x1d8: {  	v13 =	vld [tilespmem:s21+$0xFFFFFF80];
	v7 =	vmin.f32 v6, v8  }
.Ltmp22:
0x1d9: {  	v6 =	vld [tilespmem:s21+$0xFFFFFFC0];
	v8 =	vmin.f32 v7, v9;
	(pc) =	sbr.rel @p0 .LBB2_28-.Ltmp22, $4  }
0x1da: {  	v7 =	vld [tilespmem:s21+$0x0];
	v8 =	vmin.f32 v8, v10  }
0x1db: {  	v9 =	vmin.f32 v8, v12;
	v8 =	vld [tilespmem:s21+$0x40]  }
0x1dc: {  	v10 =	vmin.f32 v9, v11;
	v9 =	vld [tilespmem:s21+$0x80]  }
0x1dd: {  	v11 =	vmin.f32 v10, v13;
	v10 =	vld [tilespmem:s21+$0xC0];
	s21 =	sadd.s32 $0x200, s21  }
0x1de: {  	v6 =	vmin.f32 v11, v6  }
0x1df: {  	v6 =	vmin.f32 v6, v7  }
0x1e0: {  	v6 =	vmin.f32 v6, v8  }
0x1e1: {  	v6 =	vmin.f32 v6, v9  }
0x1e2: {  	v6 =	vmin.f32 v6, v10  }
0x1e3: {  	(xrf1) =	vsort.ascd.msk.f32 $0xffff, v6, v6;
	_ =	sdelay $0xd  }
0x1e4: {  	vm0 =	vcmask $0x2328;
	v6, _, _ =	vpop (xrf1)  }
0x1e5: {  	v6 =	vsel vm0, $0xFF800000, v6  }
0x1e6: {  	(xrf0) =	vmax.scan.msk.f32 $0xffff, v6;
	_ =	sdelay $0x2  }
0x1e7: {  	s20 =	simm.s32 $0x80  }
0x1e8: {  	v17 =	vld [tilespmem:s20+$0xFFFFFF80]  }
0x1e9: {  	v7 =	vld [tilespmem:s20+$0xFFFFFF90]  }
0x1ea: {  	v8 =	vld [tilespmem:s20+$0xFFFFFFA0];
	v6, _, _ =	vpop (xrf0)  }
0x1eb: {  	v9 =	vld [tilespmem:s20+$0xFFFFFFB0];
	v6 =	vbroadcast v6, $0xF  }
0x1ec: {  	v10 =	vld [tilespmem:s20+$0xFFFFFFC0]  }
0x1ed: {  	v11 =	vld [tilespmem:s20+$0xFFFFFFD0];
	vm0 =	vle.f32 v17, v6  }
0x1ee: {  	v18 =	vlaneseq.u32;
	v12 =	vld [tilespmem:s20+$0xFFFFFFE0];
	vm3 =	vle.f32 v7, v6;
	v13 =	vsel vm0, $0x10, v2  }
0x1ef: {  	vm4 =	vle.f32 v8, v6;
	v14 =	vsel vm3, $0x10, v2;
	v19 =	vadd.s32 v18, v13;
	v13 =	vld [tilespmem:s20+$0xFFFFFFF0]  }
0x1f0: {  	vm5 =	vle.f32 v9, v6;
	v15 =	vsel vm4, $0x10, v2;
	v20 =	vadd.s32 v19, v14;
	v14 =	vld [tilespmem:s20+$0x0]  }
0x1f1: {  	vm6 =	vle.f32 v10, v6;
	v16 =	vsel vm5, $0x10, v2;
	v21 =	vadd.s32 v20, v15;
	v15 =	vld [tilespmem:s20+$0x10]  }
0x1f2: {  	vm7 =	vle.f32 v11, v6;
	v23 =	vsel vm6, $0x10, v2;
	v22 =	vadd.s32 v21, v16;
	v16 =	vld [tilespmem:s20+$0x20]  }
0x1f3: {  	s21 =	simm.s32 $0x0;
	vm8 =	vle.f32 v12, v6;
	[tilespmem:v18+s14+$0x0] =	vst.idx.msk vm0, v17;
	v23 =	vadd.s32 v22, v23;
	v18 =	vsel vm7, $0x10, v2;
	v17 =	vld [tilespmem:s20+$0x30]  }
.LBB2_30:
0x1f4: {  	s21 =	sadd.s32 $0x10, s21;
	[tilespmem:v19+s14+$0x0] =	vst.idx.msk vm3, v7;
	v18 =	vadd.s32 v23, v18;
	v7 =	vsel vm8, $0x10, v2;
	vm3 =	vle.f32 v13, v6;
	v24 =	vld [tilespmem:s20+$0x40]  }
0x1f5: {  	p0 =	slt.u32 s21, $0x1F0;
	[tilespmem:v20+s14+$0x0] =	vst.idx.msk vm4, v8;
	v19 =	vadd.s32 v18, v7;
	v7 =	vsel vm3, $0x10, v2;
	vm9 =	vle.f32 v14, v6;
	v25 =	vld [tilespmem:s20+$0x50]  }
0x1f6: {  	[tilespmem:v21+s14+$0x0] =	vst.idx.msk vm5, v9;
	v20 =	vadd.s32 v19, v7;
	v7 =	vsel vm9, $0x10, v2;
	vm10 =	vle.f32 v15, v6;
	v26 =	vld [tilespmem:s20+$0x60]  }
0x1f7: {  	[tilespmem:v22+s14+$0x0] =	vst.idx.msk vm6, v10;
	v21 =	vadd.s32 v20, v7;
	v7 =	vsel vm10, $0x10, v2;
	vm4 =	vle.f32 v16, v6;
	v27 =	vld [tilespmem:s20+$0x70];
	s20 =	sadd.s32 $0x100, s20  }
0x1f8: {  	v28 =	vld [tilespmem:s20+$0xFFFFFF80];
	[tilespmem:v23+s14+$0x0] =	vst.idx.msk vm7, v11;
	v22 =	vadd.s32 v21, v7;
	v8 =	vsel vm4, $0x10, v2;
	vm11 =	vle.f32 v17, v6  }
0x1f9: {  	v7 =	vld [tilespmem:s20+$0xFFFFFF90];
	[tilespmem:v18+s14+$0x0] =	vst.idx.msk vm8, v12;
	v18 =	vadd.s32 v22, v8;
	v9 =	vsel vm11, $0x10, v2;
	vm5 =	vle.f32 v24, v6  }
0x1fa: {  	v8 =	vld [tilespmem:s20+$0xFFFFFFA0];
	[tilespmem:v19+s14+$0x0] =	vst.idx.msk vm3, v13;
	v23 =	vadd.s32 v18, v9;
	v10 =	vsel vm5, $0x10, v2;
	vm6 =	vle.f32 v25, v6  }
0x1fb: {  	v9 =	vld [tilespmem:s20+$0xFFFFFFB0];
	[tilespmem:v20+s14+$0x0] =	vst.idx.msk vm9, v14;
	v29 =	vadd.s32 v23, v10;
	v11 =	vsel vm6, $0x10, v2;
	vm7 =	vle.f32 v26, v6  }
0x1fc: {  	v10 =	vld [tilespmem:s20+$0xFFFFFFC0];
	[tilespmem:v21+s14+$0x0] =	vst.idx.msk vm10, v15;
	v30 =	vadd.s32 v29, v11;
	v12 =	vsel vm7, $0x10, v2;
	vm9 =	vle.f32 v27, v6  }
0x1fd: {  	vm8 =	vle.f32 v28, v6;
	v11 =	vld [tilespmem:s20+$0xFFFFFFD0];
	[tilespmem:v22+s14+$0x0] =	vst.idx.msk vm4, v16;
	v31 =	vadd.s32 v30, v12;
	v13 =	vsel vm9, $0x10, v2  }
0x1fe: {  	v14 =	vsel vm8, $0x10, v2;
	vm3 =	vle.f32 v7, v6;
	v12 =	vld [tilespmem:s20+$0xFFFFFFE0];
	[tilespmem:v18+s14+$0x0] =	vst.idx.msk vm11, v17;
	v17 =	vadd.s32 v31, v13  }
.Ltmp23:
0x1ff: {  	v19 =	vadd.s32 v17, v14;
	v14 =	vsel vm3, $0x10, v2;
	vm4 =	vle.f32 v8, v6;
	v13 =	vld [tilespmem:s20+$0xFFFFFFF0];
	[tilespmem:v23+s14+$0x0] =	vst.idx.msk vm5, v24;
	(pc) =	sbr.rel @p0 .LBB2_30-.Ltmp23, $4  }
0x200: {  	v20 =	vadd.s32 v19, v14;
	v15 =	vsel vm4, $0x10, v2;
	vm5 =	vle.f32 v9, v6;
	v14 =	vld [tilespmem:s20+$0x0];
	[tilespmem:v29+s14+$0x0] =	vst.idx.msk vm6, v25  }
0x201: {  	v21 =	vadd.s32 v20, v15;
	v16 =	vsel vm5, $0x10, v2;
	vm6 =	vle.f32 v10, v6;
	v15 =	vld [tilespmem:s20+$0x10];
	[tilespmem:v30+s14+$0x0] =	vst.idx.msk vm7, v26  }
0x202: {  	v22 =	vadd.s32 v21, v16;
	v18 =	vsel vm6, $0x10, v2;
	vm7 =	vle.f32 v11, v6;
	v16 =	vld [tilespmem:s20+$0x20];
	[tilespmem:v31+s14+$0x0] =	vst.idx.msk vm9, v27  }
0x203: {  	[tilespmem:v17+s14+$0x0] =	vst.idx.msk vm8, v28;
	v23 =	vadd.s32 v22, v18;
	v18 =	vsel vm7, $0x10, v2;
	vm8 =	vle.f32 v12, v6;
	v17 =	vld [tilespmem:s20+$0x30]  }
0x204: {  	v24 =	vadd.s32 v23, v18;
	v18 =	vsel vm8, $0x10, v2;
	vm9 =	vle.f32 v13, v6;
	v25 =	vld [tilespmem:s20+$0x40]  }
0x205: {  	v27 =	vld [tilespmem:s20+$0x50];
	v26 =	vadd.s32 v24, v18;
	v18 =	vsel vm9, $0x10, v2;
	vm10 =	vle.f32 v14, v6  }
0x206: {  	v29 =	vld [tilespmem:s20+$0x60];
	v28 =	vadd.s32 v26, v18;
	v18 =	vsel vm10, $0x10, v2;
	vm11 =	vle.f32 v15, v6  }
0x207: {  	v31 =	vld [tilespmem:s20+$0x70];
	v30 =	vadd.s32 v28, v18;
	v18 =	vsel vm11, $0x10, v2;
	vm12 =	vle.f32 v16, v6  }
0x208: {  	v32 =	vadd.s32 v30, v18;
	v18 =	vsel vm12, $0x10, v2;
	vm0 =	vle.f32 v17, v6  }
0x209: {  	v33 =	vadd.s32 v32, v18;
	v18 =	vsel vm0, $0x10, v2;
	vm2 =	vle.f32 v25, v6  }
0x20a: {  	vm13 =	vle.f32 v27, v6;
	v34 =	vadd.s32 v33, v18;
	v18 =	vsel vm2, $0x10, v2  }
0x20b: {  	vm14 =	vle.f32 v29, v6;
	v35 =	vadd.s32 v34, v18;
	v18 =	vsel vm13, $0x10, v2  }
0x20c: {  	vm15 =	vle.f32 v31, v6;
	v36 =	vadd.s32 v35, v18;
	v18 =	vsel vm14, $0x10, v2  }
0x20d: {  	v6 =	vadd.s32 v36, v18;
	v18 =	vsel vm15, $0x10, v2  }
0x20e: {  	v18 =	vadd.s32 v6, v18  }
0x20f: {  	v37 =	vadd.s32 v1, v18  }
0x210: {  	v37 =	vshra.s32 v37, $0x4  }
0x211: {  	v37 =	vxor.u32 $0x80000000, v37  }
0x212: {  	(xrf0) =	vmax.scan.msk.u32 $0xffff, v37;
	_ =	sdelay $0x5  }
0x213: {  	v37, _, _ =	vpop (xrf0)  }
0x214: {  	(v2sf) =	vpush v37, $0xF;
	_ =	sdelay $0x7  }
0x215: {  	[tilespmem:v19+s14+$0x0] =	vst.idx.msk vm3, v7  }
0x216: {  	[tilespmem:v20+s14+$0x0] =	vst.idx.msk vm4, v8  }
0x217: {  	[tilespmem:v21+s14+$0x0] =	vst.idx.msk vm5, v9  }
0x218: {  	[tilespmem:v22+s14+$0x0] =	vst.idx.msk vm6, v10  }
0x219: {  	[tilespmem:v23+s14+$0x0] =	vst.idx.msk vm7, v11  }
0x21a: {  	[tilespmem:v24+s14+$0x0] =	vst.idx.msk vm8, v12  }
0x21b: {  	[tilespmem:v26+s14+$0x0] =	vst.idx.msk vm9, v13  }
0x21c: {  	[tilespmem:v28+s14+$0x0] =	vst.idx.msk vm10, v14;
	s31 =	spop (v2sf)  }
0x21d: {  	[tilespmem:v30+s14+$0x0] =	vst.idx.msk vm11, v15;
	s21 =	sxor.u32 $0x80000000, s31  }
0x21e: {  	[tilespmem:v32+s14+$0x0] =	vst.idx.msk vm12, v16;
	p0 =	slt.s32 s21, $0x1  }
.Ltmp24:
0x21f: {  	[tilespmem:v33+s14+$0x0] =	vst.idx.msk vm0, v17;
	(pc) =	sbr.rel @p0 .LBB2_39-.Ltmp24, $4  }
0x220: {  	[tilespmem:v34+s14+$0x0] =	vst.idx.msk vm2, v25  }
0x221: {  	[tilespmem:v35+s14+$0x0] =	vst.idx.msk vm13, v27  }
0x222: {  	[tilespmem:v36+s14+$0x0] =	vst.idx.msk vm14, v29  }
0x223: {  	[tilespmem:v6+s14+$0x0] =	vst.idx.msk vm15, v31;
	v6 =	vimm.f32 $+Inf  }
0x224: {  	p2 =	sne.s32 s21, $0x1  }
.Ltmp25:
0x225: {  	_ = 	snop;
	(pc) =	sbr.rel @!p2 .LBB2_33-.Ltmp25, $3  }
0x226: {  	_ =	sdelay $0x1  }
0x227: {  	s22 =	simm.s32 $0x4000;
	s20 =	simm.s32 $0x0  }
0x228: {  	s21 =	sadd.s32 $0xFFFFFFFF, s21;
	p0 =	por $0x0, $0x0;
	p1 =	por $0x0, $0x0;
	v7 =	vld [tilespmem:s22+$0x0]  }
0x229: {  	_ =	sdelay $0x1  }
0x22a: {  	v8 =	vor.u32 s20, v0  }
0x22b: {  	vm0 =	vgt.s32 v18, v8  }
0x22c: {  	v7 =	vnsel vm0, $0x7F800000, v7  }
0x22d: {  	(xrf1) =	vsort.ascd.msk.f32 $0xffff, v7, v7;
	_ =	sdelay $0x5  }
0x22e: {  	p2 =	sne.s32 s21, $0x1  }
.Ltmp26:
0x22f: {  	_ = 	snop;
	(pc) =	sbr.rel @!p2 .LBB2_35-.Ltmp26, $3  }
0x230: {  	_ =	sdelay $0x1  }
0x231: {  	s22 =	simm.s32 $0x4010  }
0x232: {  	s23 =	sadd.s32 $0xFFFFFFFF, s21;
	p0 =	por $0x1, $0x1;
	v7 =	vld [tilespmem:s22+$0x0]  }
0x233: {  	_ = 	snop  }
0x234: {  	s21 =	simm.s32 $0x10  }
0x235: {  	v8 =	vor.u32 s21, v0;
	v9, _, _ =	vpop (xrf1)  }
0x236: {  	vm0 =	vgt.s32 v18, v8;
	v8 =	vperm.xlane v9, v3  }
0x237: {  	v7 =	vnsel vm0, $0x7F800000, v7  }
0x238: {  	(xrf1) =	vsort.ascd.msk.f32 $0xffff, v7, v7;
	v7 =	vmin.f32 v6, v8  }
0x239: {  	(xrf1) =	vsort.ascd.msk.f32 $0xffff, v7, v7;
	_ =	sdelay $0x4  }
0x23a: {  	p2 =	sne.s32 s23, $0x1  }
.Ltmp27:
0x23b: {  	_ = 	snop;
	(pc) =	sbr.rel @!p2 .LBB2_38-.Ltmp27, $3  }
0x23c: {  	_ =	sdelay $0x1  }
0x23d: {  	s22 =	simm.s32 $0x4020  }
0x23e: {  	s23 =	sadd.s32 $0xFFFFFFFF, s23;
	p1 =	por $0x1, $0x1;
	v7 =	vld [tilespmem:s22+$0x0]  }
.LBB2_37:
0x23f: {  	p2 =	sne.s32 s23, $0x1  }
0x240: {  	s21 =	sadd.s32 $0x10, s21  }
0x241: {  	v9 =	vor.u32 s21, v0  }
0x242: {  	vm0 =	vgt.s32 v18, v9;
	v8, _, _ =	vpop (xrf1)  }
0x243: {  	v9 =	vnsel vm0, $0x7F800000, v7;
	v8 =	vperm.xlane v8, v3  }
0x244: {  	(xrf1) =	vsort.ascd.msk.f32 $0xffff, v9, v9;
	v7, _, _ =	vpop (xrf1)  }
0x245: {  	v7 =	vmin.f32 v7, v8  }
0x246: {  	(xrf1) =	vsort.ascd.msk.f32 $0xffff, v7, v7;
	_ =	sdelay $0x3  }
.Ltmp28:
0x247: {  	(pc) =	sbr.rel @p2 .LBB2_37-.Ltmp28, $3  }
0x248: {  	_ =	sdelay $0x1  }
0x249: {  	s22 =	sadd.s32 $0x10, s22  }
0x24a: {  	s23 =	sadd.s32 $0xFFFFFFFF, s23;
	v7 =	vld [tilespmem:s22+$0x0]  }
.Ltmp29:
0x24b: {  	_ = 	snop;
	(pc) =	sbr.rel .LBB2_38-.Ltmp29, $1  }
0x24c: {  	_ =	sdelay $0x3  }
.LBB2_35:
.Ltmp30:
0x24d: {  	(pc) =	sbr.rel .LBB2_38-.Ltmp30, $2  }
0x24e: {  	_ =	sdelay $0x2  }
0x24f: {  	s21 =	simm.s32 $0x0  }
.LBB2_40:
0x250: {  	_ =	sfence.sel $0x180000  }
0x251: {  	[bflag:$0x0] =	sbarrier.arrive $0xFFFF  }
0x252: {  	p0 =	sne.s32 s0, $0x0;
	_ =	strace $0x9000004A  }
0x253: {  	s0 =	sadd.s32 @!p0 $0x100000, s1;
	[bflag:$0x2] =	sbarrier.arrive $0xFFFF  }
0x254: {  	[sflag:s0] =	ssyncadd.tile.s32 @!p0 $0x1;
	_ =	shalt  }
.Lfunc_end2:
_tile_overlayer_lowered:
.L_overlay_start_2:
0x255: {  	(tag) =	ssettag $0x2  }
0x256: {  	s0 =	rddreg [dreg:$0x0];
	s2 =	stileid.u32  }
0x257: {  	s1 =	rddreg [dreg:$0x1];
	p0 =	sne.s32 s2, $0x0  }
0x258: {  	s3 =	rddreg [dreg:$0x2];
	[bflag:$0x3] =	sbarrier.arrive $0xFFFF;
	s2 =	simm.s32 @!p0 $0x1C03  }
0x259: {  	[timem:s3], [sflag:s2] =	dma.local @!p0 [hbm:s0], s1  }
0x25a: {  	s0 =	simm.s32 @!p0 $0x3  }
0x25b: {  	_ =	swait.ge @!p0 [sflag:s0], s1  }
0x25c: {  	s1 =	ssub.s32 @!p0 $0x0, s1;
	[sflag:s0] =	ssyncset.done @!p0 $0x0  }
0x25d: {  	[sflag:s0] =	ssyncadd.s32 @!p0 s1  }
0x25e: {  	[bflag:$0x3] =	sbarrier.arrive $0xFFFF  }
0x25f: {  	_ =	shalt  }

// kernel: kernel.9.cloned.1.call-start
scs
__scs_entry_jumppad:
0x0: {  	(pc) =	sbr.rel $0x88, $3  }
0x1: {  	(tag) =	ssettag $0x0;
	lr =	simm.s32 $0x1  }
0x2: {  	[smem:$0x3F9F] =	sst lr;
	_ =	strace $0xD0000000  }
0x3: {  	_ = 	snop  }
0x4: {  	_ = 	snop  }
0x5: {  	_ = 	snop  }
0x6: {  	_ = 	snop  }
0x7: {  	_ = 	snop  }
__scs_overlays_trampoline_lowered:
0x8: {  	[smem:$0x3FAE] =	sst s0  }
0x9: {  	[smem:$0x3FAF] =	sst s1  }
0xa: {  	[smem:$0x3FB0] =	sst s2  }
0xb: {  	[smem:$0x3FB1] =	sst s3  }
0xc: {  	[smem:$0x3FB2] =	sst s4  }
0xd: {  	[smem:$0x3FB3] =	sst s5  }
0xe: {  	[smem:$0x3FB4] =	sst s6  }
0xf: {  	[smem:$0x3FB5] =	sst s7  }
0x10: {  	[smem:$0x3FB6] =	sst s8  }
0x11: {  	[smem:$0x3FB7] =	sst s9;
	s0 =	simm.s32 @!p0 $0x0  }
0x12: {  	s1 =	sld [smem:$0x3F9D];
	s0 =	simm.s32 @p0 $0x1  }
0x13: {  	[smem:$0x3FB8] =	sst s0;
	s0 =	simm.s32 @!p1 $0x0  }
0x14: {  	s2 =	sld [smem:$0x3F9C];
	s0 =	simm.s32 @p1 $0x1  }
0x15: {  	[smem:$0x3FB9] =	sst s0;
	s0 =	simm.s32 @!p2 $0x0  }
0x16: {  	s3 =	sld [smem:$0x3FDB];
	s0 =	simm.s32 @p2 $0x1  }
0x17: {  	s4 =	simm.s32 $0x1BF5;
	[smem:$0x3FBB] =	sst s0  }
0x18: {  	s0 =	sld [smem:$0x3F9E];
	_ =	swait.ge [sflag:s4], $0x0  }
0x19: {  	s7 =	sld [smem:$0x3F9F]  }
0x1a: {  	s8 =	sadd.s32 $0xFFFFE003, lr  }
0x1b: {  	s9 =	sadd.s32 $0xFFFFFEF7, lr;
	s5 =	simm.s32 $0xFFFFFFFF;
	p2 =	slt.u32 s8, $0xFFFFF086  }
0x1c: {  	p1 =	slt.u32 s9, $0xF7A;
	s5 =	simm.s32 @!p2 $0x0  }
0x1d: {  	s5 =	simm.s32 @p1 $0x1;
	p0 =	seq.s32 s7, s2  }
0x1e: {  	s7 =	smul.u32 @!p0 $0xF7A, s2;
	p2 =	seq.s32 @!p0 s5, $0x0  }
0x1f: {  	s9 =	smul.u32 $0xF7A, s1;
	s8 =	simm.s32 @!p0 $0x1BF5;
	p2 =	por !p2, p0  }
0x20: {  	[sflag:s8] =	ssyncset.s32 @!p0 $0xFFFFF086;
	s6 =	sadd.s32 @!p0 s3, s7;
	s7 =	simm.s32 @!p0 $0x108  }
0x21: {  	s3 =	sadd.s32 s3, s9;
	s6 =	sadd.s32 @!p0 $0x88, s6;
	s7 =	simm.s32 @p2 $0x1082  }
0x22: {  	[simem:s7], [sflag:s8] =	dma.local @!p0 [hbm:s6], $0xF7A  }
0x23: {  	s9 =	sor.u32 $0xD0000000, s2;
	s6 =	simm.s32 $0x108;
	_ =	swait.ge @!p0 [sflag:s8], $0x0  }
0x24: {  	s3 =	sadd.s32 $0x88, s3;
	s6 =	simm.s32 @!p1 $0x1082;
	[sflag:s4] =	ssyncset.s32 $0xFFFFF086  }
0x25: {  	[simem:s6], [sflag:s4] =	dma.local [hbm:s3], $0xF7A  }
0x26: {  	[smem:$0x3F9F] =	sst s1;
	(tag) =	ssettag s2;
	_ =	strace s9  }
0x27: {  	s1 =	sld [smem:$0x3FAF]  }
0x28: {  	s2 =	sld [smem:$0x3FB0]  }
0x29: {  	s4 =	sld [smem:$0x3FB2]  }
0x2a: {  	p0 =	seq.s32 s5, $0x0;
	s5 =	sld [smem:$0x3FB3]  }
0x2b: {  	s6 =	sld [smem:$0x3FB4]  }
0x2c: {  	s7 =	sld [smem:$0x3FB5]  }
0x2d: {  	s3 =	simm.s32 $0x108;
	s8 =	sld [smem:$0x3FB6]  }
0x2e: {  	s3 =	simm.s32 @!p0 $0x1082;
	s9 =	sld [smem:$0x3FB7]  }
0x2f: {  	lr =	sadd.s32 s0, s3;
	s0 =	sld [smem:$0x3FAE]  }
0x30: {  	s3 =	sld [smem:$0x3FB1]  }
0x31: {  	[smem:$0x3FBA] =	sst s10  }
0x32: {  	s10 =	sld [smem:$0x3FB8];
	_ =	sdelay $0x3  }
0x33: {  	p0 =	seq.s32 s10, $0x1;
	s10 =	sld [smem:$0x3FBA];
	_ =	sdelay $0x3  }
0x34: {  	[smem:$0x3FBA] =	sst s10  }
0x35: {  	s10 =	sld [smem:$0x3FB9];
	_ =	sdelay $0x3  }
0x36: {  	p1 =	seq.s32 s10, $0x1;
	s10 =	sld [smem:$0x3FBA];
	_ =	sdelay $0x3  }
0x37: {  	[smem:$0x3FBA] =	sst s10  }
0x38: {  	s10 =	sld [smem:$0x3FBB]  }
0x39: {  	_ = 	snop;
	(pc) =	sbr.ind lr, $3  }
0x3a: {  	_ = 	snop  }
0x3b: {  	_ = 	snop  }
0x3c: {  	p2 =	seq.s32 s10, $0x1;
	s10 =	sld [smem:$0x3FBA]  }
0x3d: {  	_ =	shalt  }
0x3e: {  	_ =	shalt  }
0x3f: {  	_ =	shalt  }
0x40: {  	_ =	shalt  }
0x41: {  	_ =	shalt  }
0x42: {  	_ =	shalt  }
0x43: {  	_ =	shalt  }
0x44: {  	_ =	shalt  }
0x45: {  	_ =	shalt  }
0x46: {  	_ =	shalt  }
0x47: {  	_ =	shalt  }
0x48: {  	_ =	shalt  }
0x49: {  	_ =	shalt  }
0x4a: {  	_ =	shalt  }
0x4b: {  	_ =	shalt  }
0x4c: {  	_ =	shalt  }
0x4d: {  	_ =	shalt  }
0x4e: {  	_ =	shalt  }
0x4f: {  	_ =	shalt  }
0x50: {  	_ =	shalt  }
0x51: {  	_ =	shalt  }
0x52: {  	_ =	shalt  }
0x53: {  	_ =	shalt  }
0x54: {  	_ =	shalt  }
0x55: {  	_ =	shalt  }
0x56: {  	_ =	shalt  }
0x57: {  	_ =	shalt  }
0x58: {  	_ =	shalt  }
0x59: {  	_ =	shalt  }
0x5a: {  	_ =	shalt  }
0x5b: {  	_ =	shalt  }
0x5c: {  	_ =	shalt  }
0x5d: {  	_ =	shalt  }
0x5e: {  	_ =	shalt  }
0x5f: {  	_ =	shalt  }
0x60: {  	_ =	shalt  }
0x61: {  	_ =	shalt  }
0x62: {  	_ =	shalt  }
0x63: {  	_ =	shalt  }
0x64: {  	_ =	shalt  }
0x65: {  	_ =	shalt  }
0x66: {  	_ =	shalt  }
0x67: {  	_ =	shalt  }
0x68: {  	_ =	shalt  }
0x69: {  	_ =	shalt  }
0x6a: {  	_ =	shalt  }
0x6b: {  	_ =	shalt  }
0x6c: {  	_ =	shalt  }
0x6d: {  	_ =	shalt  }
0x6e: {  	_ =	shalt  }
0x6f: {  	_ =	shalt  }
0x70: {  	_ =	shalt  }
0x71: {  	_ =	shalt  }
0x72: {  	_ =	shalt  }
0x73: {  	_ =	shalt  }
0x74: {  	_ =	shalt  }
0x75: {  	_ =	shalt  }
0x76: {  	_ =	shalt  }
0x77: {  	_ =	shalt  }
0x78: {  	_ =	shalt  }
0x79: {  	_ =	shalt  }
0x7a: {  	_ =	shalt  }
0x7b: {  	_ =	shalt  }
0x7c: {  	_ =	shalt  }
0x7d: {  	_ =	shalt  }
0x7e: {  	_ =	shalt  }
0x7f: {  	_ =	shalt  }
0x80: {  	_ =	shalt  }
0x81: {  	_ =	shalt  }
0x82: {  	_ =	shalt  }
0x83: {  	_ =	shalt  }
0x84: {  	_ =	shalt  }
0x85: {  	_ =	shalt  }
0x86: {  	_ =	shalt  }
0x87: {  	_ =	shalt  }
.Lfunc_end0:
.L_simem_size_0:
called_computation.1_lowered:
.L_overlay_start_0:
0x88: {  	s2 =	sld [smem:$0x3FD9]  }
0x89: {  	s3 =	sld [smem:$0x3FFE];
	_ =	sdelay $0x1  }
0x8a: {  	s1 =	srdreg.scid  }
0x8b: {  	s0 =	sand.u32 $0x1, s1  }
0x8c: {  	s16 =	sshll.u32 s0, $0xA;
	s2 =	sadd.s32 s3, s2  }
0x8d: {  	s2 =	sadd.s32 s2, s16  }
0x8e: {  	[smem:$0x3FC6] =	sst s2  }
0x8f: {  	_ = 	snop  }
0x90: {  	(tm) =	ssettm $0x1  }
0x91: {  	s17 =	sld [smem:$0x3FFB];
	_ =	sdelay $0x3  }
0x92: {  	_ =	strace s17  }
0x93: {  	s2 =	sld [smem:$0x3FFC];
	_ =	sdelay $0x3  }
0x94: {  	_ =	strace s2  }
0x95: {  	s2 =	sld [smem:$0x3FFD];
	_ =	sdelay $0x3  }
0x96: {  	_ =	strace s2  }
0x97: {  	_ =	strace $0x8FFFFFFF  }
0x98: {  	s18 =	sld [smem:$0x3FDB];
	_ =	sdelay $0x1  }
0x99: {  	s19 =	simm.s32 $_scs_section_size  }
0x9a: {  	s4 =	simm.s32 $_size__tile_overlayer_lowered;
	s5 =	simm.s32 $_tile_overlayer_lowered  }
0x9b: {  	s22 =	simm.s32 $0x1BFF;
	s21 =	sshll.u32 s5, $0x1;
	s2 =	sadd.s32 s19, s18  }
0x9c: {  	s6 =	simm.s32 $0x0;
	s20 =	sshll.u32 s4, $0x1;
	s4 =	sadd.s32 s21, s2  }
0x9d: {  	[timem:s6], [sflag:s22] =	dma.local [hbm:s4], s20  }
0x9e: {  	_ =	swait.ge [sflag:s22], s20  }
0x9f: {  	s3 =	ssub.s32 $0x0, s20;
	[sflag:s22] =	ssyncset.done $0x0  }
0xa0: {  	[sflag:s22] =	ssyncadd.s32 s3;
	_ =	sdelay $0x1  }
0xa1: {  	s23 =	simm.s32 $0x1B8B  }
0xa2: {  	_ =	swait.ge [sflag:s23], $0x1  }
0xa3: {  	[sflag:s23] =	ssyncset.done $0x0  }
0xa4: {  	s25 =	simm.s32 $0x1B8E;
	s24 =	sld [smem:$0x3FFE];
	[sflag:s23] =	ssyncadd.s32 $0xFFFFFFFF  }
0xa5: {  	s26 =	simm.s32 $execute0_lowered;
	[smem:$0x3FD2] =	sst s25  }
0xa6: {  	s4 =	sshll.u32 s26, $0x1;
	_ =	strace $0x80000046;
	[dreg:$0x1] =	wrdreg $0xFFFFFFFF  }
0xa7: {  	s28 =	simm.s32 $_size_execute0_lowered;
	s2 =	sadd.s32 s2, s4;
	[dreg:$0x0] =	wrdreg $0x0  }
0xa8: {  	s4 =	sshll.u32 s28, $0x1;
	[dreg:$0x2] =	wrdreg s2  }
0xa9: {  	[dreg:$0x3] =	wrdreg s4  }
0xaa: {  	[dreg:$0x4] =	wrdreg $0xC0  }
0xab: {  	_ =	task [dreg:s6], $0x5FFFF  }
0xac: {  	[dreg:$0x1] =	wrdreg $0xFFFFFFFF  }
0xad: {  	[dreg:$0x0] =	wrdreg $0x60  }
0xae: {  	[dreg:$0x2] =	wrdreg s24  }
0xaf: {  	[dreg:$0x3] =	wrdreg $0xA  }
0xb0: {  	_ =	task.clear_ibuf [dreg:s6], $0x4FFFF;
	_ =	strace $0x90000046  }
0xb1: {  	s29 =	simm.s32 $0xA;
	_ =	strace $0x80000048  }
0xb2: {  	_ =	swait.ge [sflag:s29], $0x1  }
0xb3: {  	[sflag:s29] =	ssyncadd.s32 $0xFFFFFFFF  }
0xb4: {  	_ =	strace $0x90000048  }
0xb5: {  	_ =	sfence  }
0xb6: {  	s30 =	sld [smem:$0x0];
	_ =	sdelay $0x2  }
0xb7: {  	s31 =	sshll.u32 s1, $0xD;
	s1 =	sshrl.u32 s1, $0x2  }
0xb8: {  	s3 =	sand.u32 $0x4000, s31;
	s1 =	sadd.s32 s1, s30  }
0xb9: {  	s0 =	sor.u32 s3, s0;
	s1 =	sshll.u32 s1, $0x11  }
0xba: {  	s0 =	sor.u32 s1, s0  }
0xbb: {  	s0 =	sadd.s32 $0x8F2B, s0  }
0xbc: {  	[sflag:s0] =	ssyncadd.remote.s32 $0x1  }
0xbd: {  	_ =	sfence.sel $0xFFFF  }
0xbe: {  	[dreg:$0x0] =	wrdreg $0xFFFFFFFF;
	(pc) =	sbr.abs _section_cstart, $3  }
0xbf: {  	[dreg:$0x1] =	wrdreg $0xFFFFFFFF  }
0xc0: {  	_ =	task.clear_ibuf [dreg:s6], $0x2FFFF;
	_ =	strace $0x9FFFFFFF  }
0xc1: {  	(tm) =	ssettm $0x7FFFFFFF  }
tec
execute0_lowered:
.L_overlay_start_1:
0x0: {  	(tag) =	ssettag $0x1  }
0x1: {  	s1 =	srdreg.scid  }
0x2: {  	s0 =	stileid.u32;
	s2 =	rddreg [dreg:$0x0];
	s3 =	simm.s32 $0x0  }
0x3: {  	s10 =	simm.s32 $0x80;
	s11 =	simm.s32 $0x400;
	s12 =	simm.s32 $0x2000  }
0x4: {  	s13 =	simm.s32 $0x1;
	s14 =	simm.s32 $0x4000;
	s15 =	simm.s32 $0x6080  }
0x5: {  	s16 =	simm.s32 $0x2;
	s17 =	simm.s32 $0x6100;
	s18 =	simm.s32 $0x3  }
0x6: {  	s4 =	sand.u32 $0x1, s1;
	s5 =	sshll.u32 s0, $0x1;
	s1 =	rddreg [dreg:$0x1]  }
0x7: {  	s19 =	simm.s32 $0x0;
	[smem:$0x7FF] =	sst s3;
	s5 =	sor.u32 s4, s5  }
0x8: {  	_ =	strace $0x80000047;
	s9 =	ssub.s32 $0x2, s4;
	s6 =	smul.u32 $0x62000, s5  }
.Ltmp0:
0x9: {  	s7 =	sshll.u32 s5, $0x7;
	s8 =	sshll.u32 s5, $0x4;
	(pc) =	sbr.rel .LBB2_1-.Ltmp0, $4  }
0xa: {  	v0 =	vlaneseq.u32;
	s30 =	sshrl.u32 s9, $0x1;
	s4 =	smul.u32 $0x31, s5;
	s6 =	sor.u32 s7, s6  }
0xb: {  	vm0 =	vmmov $0x1;
	v4 =	vimm.s32 $0x0;
	v1 =	vmul.u32 $0xFFFFFFFF, v0;
	s8 =	sadd.s32 s8, s2;
	s9 =	ssub.s32 s9, s30;
	s31 =	sand.u32 $0xFF0380, s6  }
0xc: {  	v2 =	vimm.s32 $0x0;
	v4 =	vsel vm0, $0xFFFFFFFF, v4;
	s7 =	sadd.s32 $0x188000, s8;
	s8 =	sadd.s32 $0x188200, s8;
	s5 =	sshrl.u32 s31, $0x3  }
0xd: {  	vm1 =	vmmov $0x1ff;
	[tilespmem:$0x1FFF0] =	vst v4;
	v4 =	vimm.s32 $0x30;
	v3 =	vadd.s32 $0xF, v1;
	s9 =	smax.u32 s9, $0x1;
	s6 =	sadd.s32 $0x2, s4;
	s5 =	sadd.s32 s2, s5  }
.LBB2_33:
0xe: {  	s21 =	simm.s32 $0x0  }
.LBB2_38:
0xf: {  	s21 =	sadd.s32 @p0 $0x10, s21  }
0x10: {  	s20 =	smov.u32 @p0 s21  }
0x11: {  	v9, _, _ =	vpop @p0 (xrf1);
	v8 =	vor.u32 s20, v0  }
0x12: {  	vm0 =	vgt.s32 v18, v8;
	v8 =	vperm.xlane @p0 v9, v3;
	v9, _, _ =	vpop @p1 (xrf1)  }
0x13: {  	v7 =	vnsel vm0, $0x7F800000, v7;
	v9 =	vpsel p1, v9, v6  }
0x14: {  	(xrf1) =	vsort.ascd.msk.f32 $0xffff, v7, v7;
	v7 =	vmin.f32 @p0 v9, v8  }
0x15: {  	(xrf1) =	vsort.ascd.msk.f32 @p0 $0xffff, v7, v7;
	_ =	sdelay $0xc  }
0x16: {  	v7, _, _ =	vpop (xrf1)  }
0x17: {  	v7 =	vperm.xlane v7, v3;
	v8, _, _ =	vpop @p0 (xrf1)  }
0x18: {  	v6 =	vpsel p0, v8, v6  }
0x19: {  	v6 =	vmin.f32 v6, v7  }
0x1a: {  	(xrf1) =	vsort.ascd.msk.f32 $0xffff, v6, v6;
	_ =	sdelay $0xd  }
0x1b: {  	v6, _, _ =	vpop (xrf1)  }
.LBB2_39:
0x1c: {  	v7 =	vshra.s32 v6, $0x1  }
0x1d: {  	v7 =	vadd.s32 $0x1FBD1DF5, v7  }
0x1e: {  	(erf) = vrcp.f32 v7;
	_ =	sdelay $0x8  }
0x1f: {  	v8 =	vpop (erf)  }
0x20: {  	v8 =	vmul.f32 v8, v6;
	_ =	sdelay $0x1  }
0x21: {  	v7 =	vadd.f32 v7, v8;
	_ =	sdelay $0x1  }
0x22: {  	v7 =	vmul.f32 $5.000000000e-01, v7;
	_ =	sdelay $0x1  }
0x23: {  	(erf) = vrcp.f32 v7;
	_ =	sdelay $0x8  }
0x24: {  	v61 =	vpop (erf)  }
0x25: {  	v8 =	vmul.f32 v61, v6;
	_ =	sdelay $0x1  }
0x26: {  	v7 =	vadd.f32 v8, v7;
	_ =	sdelay $0x1  }
0x27: {  	v7 =	vmul.f32 $5.000000000e-01, v7;
	_ =	sdelay $0x1  }
0x28: {  	(erf) = vrcp.f32 v7;
	_ =	sdelay $0x8  }
0x29: {  	v62 =	vpop (erf)  }
0x2a: {  	v6 =	vmul.f32 v62, v6;
	_ =	sdelay $0x1  }
0x2b: {  	v6 =	vadd.f32 v6, v7;
	_ =	sdelay $0x1  }
0x2c: {  	v6 =	vmul.f32 $5.000000000e-01, v6;
	_ =	sdelay $0x1  }
0x2d: {  	v7 =	vnsel vm1, $0xFF800000, v6  }
0x2e: {  	(xrf0) =	vmax.scan.msk.f32 $0xffff, v7;
	_ =	sdelay $0x5  }
0x2f: {  	v7, _, _ =	vpop (xrf0)  }
0x30: {  	v7 =	vbroadcast v7, $0xF;
	_ =	sdelay $0x1  }
0x31: {  	v7 =	vsub.f32 v6, v7;
	_ =	sdelay $0x1  }
0x32: {  	v7 =	vmul.f32 $1.442695020e+00, v7;
	_ =	sdelay $0x1  }
0x33: {  	(erf) = vpow2.f32 v7;
	_ =	sdelay $0x8  }
0x34: {  	v7 =	vpop (erf)  }
0x35: {  	v63 =	vnsel vm1, $0x0, v7  }
0x36: {  	(xrf2) =	vadd.scan.msk.f32 $0xffff, v63;
	_ =	sdelay $0x9  }
0x37: {  	v8, _, _ =	vpop (xrf2)  }
0x38: {  	v8 =	vbroadcast v8, $0xF;
	_ =	sdelay $0x1  }
0x39: {  	(erf) = vrcp.f32 v8;
	_ =	sdelay $0x8  }
0x3a: {  	v8 =	vpop (erf)  }
0x3b: {  	v7 =	vmul.f32 v8, v7;
	_ =	sdelay $0x1  }
0x3c: {  	v7 =	vsub.f32 $1.000000000e+00, v7;
	_ =	sdelay $0x1  }
0x3d: {  	v6 =	vmul.f32 v7, v6;
	v7 =	vld [tilespmem:$0x1FFF0];
	_ =	sdelay $0x4  }
0x3e: {  	vm0 =	vnez.u8 v7  }
0x3f: {  	v6 =	vnsel vm0, $0xFF800000, v6  }
0x40: {  	[tilespmem:v4+s15+$0x0] =	vst.idx.msk $0x1, v6;
	v5 =	vmax.f32 v5, v6  }
0x41: {  	[tilespmem:$0x6100] =	vst v5  }
0x42: {  	[hbm4b:s7+s3] =	stream.linear.scatter [tilespmem:s17], [sflag:$0x3], $0x80, $0x38;
	[tilespmem:$0x6180] =	vst v63  }
0x43: {  	s19 =	sadd.s32 $0x1, s19;
	_ =	swait.ge [sflag:s18], $0x80  }
0x44: {  	p0 =	sne.s32 s19, s9;
	[sflag:s18] =	ssyncset.done $0x0  }
.Ltmp1:
0x45: {  	[sflag:s18] =	ssyncadd.s32 $0xFFFFFF80;
	(pc) =	sbr.rel @!p0 .LBB2_40-.Ltmp1, $4  }
0x46: {  	[hbm4b:s8+s3] =	stream.linear.scatter [tilespmem:s15], [sflag:$0x3], $0x80, $0x38;
	[tilespmem:$0x6180] =	vst v63  }
0x47: {  	_ =	swait.ge [sflag:s18], $0x80  }
0x48: {  	[sflag:s18] =	ssyncset.done $0x0  }
0x49: {  	[sflag:s18] =	ssyncadd.s32 $0xFFFFFF80  }
.LBB2_1:
.Ltmp2:
0x4a: {  	(pc) =	sbr.rel .LBB2_2-.Ltmp2, $3  }
0x4b: {  	_ =	sdelay $0x1  }
0x4c: {  	[tilespmem:s3], [sflag:$0x1] =	stream.strided.gather [hbm4b:s5+s10], $0x2000, s11, s10, $0x38;
	[tilespmem:$0x6180] =	vst v63  }
0x4d: {  	v5 =	vimm.f32 $-Inf;
	s20 =	simm.s32 $0x0  }
.LBB2_20:
0x4e: {  	s23 =	simm.s32 $0x0  }
.LBB2_25:
0x4f: {  	s23 =	sadd.s32 @p0 $0x10, s23  }
0x50: {  	s22 =	smov.u32 @p0 s23  }
0x51: {  	v10, _, _ =	vpop @p0 (xrf1);
	v9 =	vor.u32 s22, v0  }
0x52: {  	vm0 =	vgt.s32 v19, v9;
	v9 =	vperm.xlane @p0 v10, v3;
	v10, _, _ =	vpop @p1 (xrf1)  }
0x53: {  	v8 =	vnsel vm0, $0x7F800000, v8;
	v10 =	vpsel p1, v10, v7  }
0x54: {  	(xrf1) =	vsort.ascd.msk.f32 $0xffff, v8, v8;
	v8 =	vmin.f32 @p0 v10, v9  }
0x55: {  	(xrf1) =	vsort.ascd.msk.f32 @p0 $0xffff, v8, v8;
	_ =	sdelay $0xc  }
0x56: {  	v8, _, _ =	vpop (xrf1)  }
0x57: {  	v8 =	vperm.xlane v8, v3;
	v9, _, _ =	vpop @p0 (xrf1)  }
0x58: {  	v7 =	vpsel p0, v9, v7  }
0x59: {  	v7 =	vmin.f32 v7, v8  }
0x5a: {  	(xrf1) =	vsort.ascd.msk.f32 $0xffff, v7, v7;
	_ =	sdelay $0xd  }
0x5b: {  	v7, _, _ =	vpop (xrf1)  }
.LBB2_26:
0x5c: {  	v8 =	vshra.s32 v7, $0x1  }
0x5d: {  	v8 =	vadd.s32 $0x1FBD1DF5, v8  }
0x5e: {  	(erf) = vrcp.f32 v8;
	_ =	sdelay $0x8  }
0x5f: {  	v9 =	vpop (erf)  }
0x60: {  	v9 =	vmul.f32 v9, v7;
	_ =	sdelay $0x1  }
0x61: {  	v8 =	vadd.f32 v8, v9;
	_ =	sdelay $0x1  }
0x62: {  	v8 =	vmul.f32 $5.000000000e-01, v8;
	_ =	sdelay $0x1  }
0x63: {  	(erf) = vrcp.f32 v8;
	_ =	sdelay $0x8  }
0x64: {  	v59 =	vpop (erf)  }
0x65: {  	v9 =	vmul.f32 v59, v7;
	_ =	sdelay $0x1  }
0x66: {  	v8 =	vadd.f32 v9, v8;
	_ =	sdelay $0x1  }
0x67: {  	v8 =	vmul.f32 $5.000000000e-01, v8;
	_ =	sdelay $0x1  }
0x68: {  	(erf) = vrcp.f32 v8;
	_ =	sdelay $0x8  }
0x69: {  	v60 =	vpop (erf)  }
0x6a: {  	v7 =	vmul.f32 v60, v7;
	_ =	sdelay $0x1  }
0x6b: {  	v7 =	vadd.f32 v7, v8;
	_ =	sdelay $0x1  }
0x6c: {  	v7 =	vmul.f32 $5.000000000e-01, v7;
	_ =	sdelay $0x1  }
0x6d: {  	v61 =	vnsel vm1, $0xFF800000, v7  }
0x6e: {  	(xrf0) =	vmax.scan.msk.f32 $0xffff, v61;
	_ =	sdelay $0x5  }
0x6f: {  	v8, _, _ =	vpop (xrf0)  }
0x70: {  	v8 =	vbroadcast v8, $0xF;
	_ =	sdelay $0x1  }
0x71: {  	v8 =	vsub.f32 v7, v8;
	_ =	sdelay $0x1  }
0x72: {  	v8 =	vmul.f32 $1.442695020e+00, v8;
	_ =	sdelay $0x1  }
0x73: {  	(erf) = vpow2.f32 v8;
	_ =	sdelay $0x8  }
0x74: {  	v8 =	vpop (erf)  }
0x75: {  	v62 =	vnsel vm1, $0x0, v8  }
0x76: {  	(xrf2) =	vadd.scan.msk.f32 $0xffff, v62;
	_ =	sdelay $0x9  }
0x77: {  	v9, _, _ =	vpop (xrf2)  }
0x78: {  	v9 =	vbroadcast v9, $0xF;
	_ =	sdelay $0x1  }
0x79: {  	(erf) = vrcp.f32 v9;
	_ =	sdelay $0x8  }
0x7a: {  	v9 =	vpop (erf)  }
0x7b: {  	v5 =	vmax.f32 v5, v6;
	v6 =	vld [tilespmem:$0x1FFF0];
	v8 =	vmul.f32 v9, v8  }
0x7c: {  	s20 =	sadd.s32 $0x1, s20  }
0x7d: {  	v63 =	vmov s21;
	p0 =	sne.s32 s20, $0x18;
	v8 =	vsub.f32 $1.000000000e+00, v8  }
.Ltmp3:
0x7e: {  	_ = 	snop;
	(pc) =	sbr.rel @!p0 .LBB2_27-.Ltmp3, $4  }
0x7f: {  	v7 =	vmul.f32 v8, v7  }
0x80: {  	vm0 =	vnez.u8 v6  }
0x81: {  	v6 =	vnsel vm0, $0xFF800000, v7  }
0x82: {  	[tilespmem:v63+s15+$0x0] =	vst.idx.msk $0x1, v6;
	v5 =	vmax.f32 v5, v6  }
.LBB2_2:
0x83: {  	s21 =	sshllo.u32 s20, $0x1  }
0x84: {  	s22 =	sadd.s32 s4, s21  }
0x85: {  	s23 =	sshll.u32 s22, $0x4  }
0x86: {  	s22 =	sshll.u32 s22, $0xA;
	s23 =	sand.u32 $0x70, s23  }
0x87: {  	s22 =	sand.u32 $0xFFFE000, s22;
	s23 =	sadd.s32 s2, s23  }
0x88: {  	s22 =	sadd.s32 s22, s23  }
0x89: {  	[tilespmem:s12], [sflag:$0x2] =	stream.strided.gather [hbm4b:s22+s10], $0x2000, s11, s10, $0x38;
	[tilespmem:$0x6180] =	vst v63  }
0x8a: {  	_ =	swait.ge [sflag:s13], $0x2000  }
0x8b: {  	[sflag:s13] =	ssyncset.done $0x0  }
0x8c: {  	s24 =	simm.s32 $0x100;
	[sflag:s13] =	ssyncadd.s32 $0xFFFFE000  }
0x8d: {  	v8 =	vld [tilespmem:s24+$0xFFFFFF00]  }
0x8e: {  	v9 =	vld [tilespmem:s24+$0xFFFFFF40]  }
0x8f: {  	v10 =	vld [tilespmem:s24+$0xFFFFFF80]  }
0x90: {  	v6 =	vld [tilespmem:s24+$0xFFFFFFC0]  }
0x91: {  	v11 =	vimm.f32 $+Inf;
	v7 =	vld [tilespmem:s24+$0x0]  }
0x92: {  	v11 =	vmin.f32 v11, v8;
	v8 =	vld [tilespmem:s24+$0x40]  }
0x93: {  	v11 =	vmin.f32 v11, v9;
	v9 =	vld [tilespmem:s24+$0x80]  }
0x94: {  	s23 =	simm.s32 $0x0;
	s22 =	sshll.u32 s20, $0x1;
	v11 =	vmin.f32 v11, v10;
	v10 =	vld [tilespmem:s24+$0xC0];
	s24 =	simm.s32 $0x300  }
.LBB2_3:
0x95: {  	v12 =	vld [tilespmem:s24+$0xFFFFFF00];
	s23 =	sadd.s32 $0x8, s23;
	v6 =	vmin.f32 v11, v6  }
0x96: {  	v11 =	vld [tilespmem:s24+$0xFFFFFF40];
	p0 =	slt.u32 s23, $0x78;
	v6 =	vmin.f32 v6, v7  }
0x97: {  	v13 =	vld [tilespmem:s24+$0xFFFFFF80];
	v7 =	vmin.f32 v6, v8  }
.Ltmp4:
0x98: {  	v6 =	vld [tilespmem:s24+$0xFFFFFFC0];
	v8 =	vmin.f32 v7, v9;
	(pc) =	sbr.rel @p0 .LBB2_3-.Ltmp4, $4  }
0x99: {  	v7 =	vld [tilespmem:s24+$0x0];
	v8 =	vmin.f32 v8, v10  }
0x9a: {  	v9 =	vmin.f32 v8, v12;
	v8 =	vld [tilespmem:s24+$0x40]  }
0x9b: {  	v10 =	vmin.f32 v9, v11;
	v9 =	vld [tilespmem:s24+$0x80]  }
0x9c: {  	v11 =	vmin.f32 v10, v13;
	v10 =	vld [tilespmem:s24+$0xC0];
	s24 =	sadd.s32 $0x200, s24  }
0x9d: {  	v6 =	vmin.f32 v11, v6  }
0x9e: {  	v6 =	vmin.f32 v6, v7  }
0x9f: {  	v6 =	vmin.f32 v6, v8  }
0xa0: {  	v6 =	vmin.f32 v6, v9  }
0xa1: {  	v6 =	vmin.f32 v6, v10  }
0xa2: {  	(xrf1) =	vsort.ascd.msk.f32 $0xffff, v6, v6;
	_ =	sdelay $0xd  }
0xa3: {  	vm0 =	vcmask $0x2328;
	v6, _, _ =	vpop (xrf1)  }
0xa4: {  	v6 =	vsel vm0, $0xFF800000, v6  }
0xa5: {  	(xrf0) =	vmax.scan.msk.f32 $0xffff, v6;
	_ =	sdelay $0x2  }
0xa6: {  	s23 =	simm.s32 $0x80  }
0xa7: {  	v17 =	vld [tilespmem:s23+$0xFFFFFF80]  }
0xa8: {  	v7 =	vld [tilespmem:s23+$0xFFFFFF90]  }
0xa9: {  	v8 =	vld [tilespmem:s23+$0xFFFFFFA0];
	v6, _, _ =	vpop (xrf0)  }
0xaa: {  	v9 =	vld [tilespmem:s23+$0xFFFFFFB0];
	v6 =	vbroadcast v6, $0xF  }
0xab: {  	v10 =	vld [tilespmem:s23+$0xFFFFFFC0]  }
0xac: {  	v11 =	vld [tilespmem:s23+$0xFFFFFFD0];
	vm8 =	vle.f32 v17, v6  }
0xad: {  	v22 =	vlaneseq.u32;
	v12 =	vld [tilespmem:s23+$0xFFFFFFE0];
	vm3 =	vle.f32 v7, v6;
	v13 =	vsel vm8, $0x10, v2  }
0xae: {  	vm4 =	vle.f32 v8, v6;
	v14 =	vsel vm3, $0x10, v2;
	v18 =	vadd.s32 v22, v13;
	v13 =	vld [tilespmem:s23+$0xFFFFFFF0]  }
0xaf: {  	vm5 =	vle.f32 v9, v6;
	v15 =	vsel vm4, $0x10, v2;
	v19 =	vadd.s32 v18, v14;
	v14 =	vld [tilespmem:s23+$0x0]  }
0xb0: {  	vm6 =	vle.f32 v10, v6;
	v16 =	vsel vm5, $0x10, v2;
	v20 =	vadd.s32 v19, v15;
	v15 =	vld [tilespmem:s23+$0x10]  }
0xb1: {  	vm7 =	vle.f32 v11, v6;
	v23 =	vsel vm6, $0x10, v2;
	v21 =	vadd.s32 v20, v16;
	v16 =	vld [tilespmem:s23+$0x20]  }
0xb2: {  	s24 =	simm.s32 $0x0;
	[tilespmem:v22+s14+$0x0] =	vst.idx.msk vm8, v17;
	v22 =	vadd.s32 v21, v23;
	v23 =	vsel vm7, $0x10, v2;
	vm8 =	vle.f32 v12, v6;
	v17 =	vld [tilespmem:s23+$0x30]  }
.LBB2_5:
0xb3: {  	s24 =	sadd.s32 $0x10, s24;
	[tilespmem:v18+s14+$0x0] =	vst.idx.msk vm3, v7;
	v18 =	vadd.s32 v22, v23;
	v7 =	vsel vm8, $0x10, v2;
	vm3 =	vle.f32 v13, v6;
	v23 =	vld [tilespmem:s23+$0x40]  }
0xb4: {  	p0 =	slt.u32 s24, $0x1F0;
	[tilespmem:v19+s14+$0x0] =	vst.idx.msk vm4, v8;
	v19 =	vadd.s32 v18, v7;
	v7 =	vsel vm3, $0x10, v2;
	vm9 =	vle.f32 v14, v6;
	v24 =	vld [tilespmem:s23+$0x50]  }
0xb5: {  	[tilespmem:v20+s14+$0x0] =	vst.idx.msk vm5, v9;
	v20 =	vadd.s32 v19, v7;
	v7 =	vsel vm9, $0x10, v2;
	vm10 =	vle.f32 v15, v6;
	v25 =	vld [tilespmem:s23+$0x60]  }
0xb6: {  	[tilespmem:v21+s14+$0x0] =	vst.idx.msk vm6, v10;
	v21 =	vadd.s32 v20, v7;
	v7 =	vsel vm10, $0x10, v2;
	vm4 =	vle.f32 v16, v6;
	v26 =	vld [tilespmem:s23+$0x70];
	s23 =	sadd.s32 $0x100, s23  }
0xb7: {  	v27 =	vld [tilespmem:s23+$0xFFFFFF80];
	[tilespmem:v22+s14+$0x0] =	vst.idx.msk vm7, v11;
	v22 =	vadd.s32 v21, v7;
	v8 =	vsel vm4, $0x10, v2;
	vm11 =	vle.f32 v17, v6  }
0xb8: {  	v7 =	vld [tilespmem:s23+$0xFFFFFF90];
	[tilespmem:v18+s14+$0x0] =	vst.idx.msk vm8, v12;
	v18 =	vadd.s32 v22, v8;
	v9 =	vsel vm11, $0x10, v2;
	vm5 =	vle.f32 v23, v6  }
0xb9: {  	v8 =	vld [tilespmem:s23+$0xFFFFFFA0];
	[tilespmem:v19+s14+$0x0] =	vst.idx.msk vm3, v13;
	v19 =	vadd.s32 v18, v9;
	v10 =	vsel vm5, $0x10, v2;
	vm6 =	vle.f32 v24, v6  }
0xba: {  	v9 =	vld [tilespmem:s23+$0xFFFFFFB0];
	[tilespmem:v20+s14+$0x0] =	vst.idx.msk vm9, v14;
	v20 =	vadd.s32 v19, v10;
	v11 =	vsel vm6, $0x10, v2;
	vm7 =	vle.f32 v25, v6  }
0xbb: {  	v10 =	vld [tilespmem:s23+$0xFFFFFFC0];
	[tilespmem:v21+s14+$0x0] =	vst.idx.msk vm10, v15;
	v21 =	vadd.s32 v20, v11;
	v12 =	vsel vm7, $0x10, v2;
	vm9 =	vle.f32 v26, v6  }
0xbc: {  	vm8 =	vle.f32 v27, v6;
	v11 =	vld [tilespmem:s23+$0xFFFFFFD0];
	[tilespmem:v22+s14+$0x0] =	vst.idx.msk vm4, v16;
	v22 =	vadd.s32 v21, v12;
	v13 =	vsel vm9, $0x10, v2  }
0xbd: {  	v14 =	vsel vm8, $0x10, v2;
	vm3 =	vle.f32 v7, v6;
	v12 =	vld [tilespmem:s23+$0xFFFFFFE0];
	[tilespmem:v18+s14+$0x0] =	vst.idx.msk vm11, v17;
	v17 =	vadd.s32 v22, v13  }
.Ltmp5:
0xbe: {  	v18 =	vadd.s32 v17, v14;
	v14 =	vsel vm3, $0x10, v2;
	vm4 =	vle.f32 v8, v6;
	v13 =	vld [tilespmem:s23+$0xFFFFFFF0];
	[tilespmem:v19+s14+$0x0] =	vst.idx.msk vm5, v23;
	(pc) =	sbr.rel @p0 .LBB2_5-.Ltmp5, $4  }
0xbf: {  	v19 =	vadd.s32 v18, v14;
	v15 =	vsel vm4, $0x10, v2;
	vm5 =	vle.f32 v9, v6;
	v14 =	vld [tilespmem:s23+$0x0];
	[tilespmem:v20+s14+$0x0] =	vst.idx.msk vm6, v24  }
0xc0: {  	v20 =	vadd.s32 v19, v15;
	v16 =	vsel vm5, $0x10, v2;
	vm6 =	vle.f32 v10, v6;
	v15 =	vld [tilespmem:s23+$0x10];
	[tilespmem:v21+s14+$0x0] =	vst.idx.msk vm7, v25  }
0xc1: {  	v21 =	vadd.s32 v20, v16;
	v23 =	vsel vm6, $0x10, v2;
	vm7 =	vle.f32 v11, v6;
	v16 =	vld [tilespmem:s23+$0x20];
	[tilespmem:v22+s14+$0x0] =	vst.idx.msk vm9, v26  }
0xc2: {  	[tilespmem:v17+s14+$0x0] =	vst.idx.msk vm8, v27;
	v22 =	vadd.s32 v21, v23;
	v23 =	vsel vm7, $0x10, v2;
	vm8 =	vle.f32 v12, v6;
	v17 =	vld [tilespmem:s23+$0x30]  }
0xc3: {  	v23 =	vadd.s32 v22, v23;
	v24 =	vsel vm8, $0x10, v2;
	vm9 =	vle.f32 v13, v6;
	v25 =	vld [tilespmem:s23+$0x40]  }
0xc4: {  	v27 =	vld [tilespmem:s23+$0x50];
	v24 =	vadd.s32 v23, v24;
	v26 =	vsel vm9, $0x10, v2;
	vm10 =	vle.f32 v14, v6  }
0xc5: {  	v29 =	vld [tilespmem:s23+$0x60];
	v26 =	vadd.s32 v24, v26;
	v28 =	vsel vm10, $0x10, v2;
	vm11 =	vle.f32 v15, v6  }
0xc6: {  	v31 =	vld [tilespmem:s23+$0x70];
	v28 =	vadd.s32 v26, v28;
	v30 =	vsel vm11, $0x10, v2;
	vm12 =	vle.f32 v16, v6  }
0xc7: {  	v30 =	vadd.s32 v28, v30;
	v32 =	vsel vm12, $0x10, v2;
	vm13 =	vle.f32 v17, v6  }
0xc8: {  	v32 =	vadd.s32 v30, v32;
	v33 =	vsel vm13, $0x10, v2;
	vm14 =	vle.f32 v25, v6  }
0xc9: {  	vm15 =	vle.f32 v27, v6;
	v33 =	vadd.s32 v32, v33;
	v34 =	vsel vm14, $0x10, v2  }
0xca: {  	vm0 =	vle.f32 v29, v6;
	v35 =	vsel vm15, $0x10, v2;
	v34 =	vadd.s32 v33, v34  }
0xcb: {  	vm2 =	vle.f32 v31, v6;
	v36 =	vsel vm0, $0x10, v2;
	v35 =	vadd.s32 v34, v35  }
0xcc: {  	v6 =	vsel vm2, $0x10, v2;
	v36 =	vadd.s32 v35, v36  }
0xcd: {  	v6 =	vadd.s32 v36, v6  }
0xce: {  	v37 =	vadd.s32 v1, v6  }
0xcf: {  	v37 =	vshra.s32 v37, $0x4  }
0xd0: {  	v37 =	vxor.u32 $0x80000000, v37  }
0xd1: {  	(xrf0) =	vmax.scan.msk.u32 $0xffff, v37;
	_ =	sdelay $0x5  }
0xd2: {  	v37, _, _ =	vpop (xrf0)  }
0xd3: {  	(v2sf) =	vpush v37, $0xF;
	_ =	sdelay $0x7  }
0xd4: {  	[tilespmem:v18+s14+$0x0] =	vst.idx.msk vm3, v7  }
0xd5: {  	[tilespmem:v19+s14+$0x0] =	vst.idx.msk vm4, v8  }
0xd6: {  	[tilespmem:v20+s14+$0x0] =	vst.idx.msk vm5, v9  }
0xd7: {  	[tilespmem:v21+s14+$0x0] =	vst.idx.msk vm6, v10  }
0xd8: {  	[tilespmem:v22+s14+$0x0] =	vst.idx.msk vm7, v11  }
0xd9: {  	[tilespmem:v23+s14+$0x0] =	vst.idx.msk vm8, v12  }
0xda: {  	[tilespmem:v24+s14+$0x0] =	vst.idx.msk vm9, v13  }
0xdb: {  	[tilespmem:v26+s14+$0x0] =	vst.idx.msk vm10, v14;
	s31 =	spop (v2sf)  }
0xdc: {  	[tilespmem:v28+s14+$0x0] =	vst.idx.msk vm11, v15;
	s24 =	sxor.u32 $0x80000000, s31  }
0xdd: {  	[tilespmem:v30+s14+$0x0] =	vst.idx.msk vm12, v16;
	p0 =	slt.s32 s24, $0x1  }
.Ltmp6:
0xde: {  	[tilespmem:v32+s14+$0x0] =	vst.idx.msk vm13, v17;
	(pc) =	sbr.rel @p0 .LBB2_14-.Ltmp6, $4  }
0xdf: {  	[tilespmem:v33+s14+$0x0] =	vst.idx.msk vm14, v25  }
0xe0: {  	[tilespmem:v34+s14+$0x0] =	vst.idx.msk vm15, v27  }
0xe1: {  	[tilespmem:v35+s14+$0x0] =	vst.idx.msk vm0, v29  }
0xe2: {  	v7 =	vimm.f32 $+Inf;
	v8 =	vimm.f32 $+Inf;
	[tilespmem:v36+s14+$0x0] =	vst.idx.msk vm2, v31  }
0xe3: {  	p2 =	sne.s32 s24, $0x1  }
.Ltmp7:
0xe4: {  	_ = 	snop;
	(pc) =	sbr.rel @!p2 .LBB2_8-.Ltmp7, $3  }
0xe5: {  	_ =	sdelay $0x1  }
0xe6: {  	s25 =	simm.s32 $0x4000;
	s23 =	simm.s32 $0x0  }
0xe7: {  	s24 =	sadd.s32 $0xFFFFFFFF, s24;
	p0 =	por $0x0, $0x0;
	p1 =	por $0x0, $0x0;
	v8 =	vld [tilespmem:s25+$0x0]  }
0xe8: {  	p2 =	sne.s32 s24, $0x1  }
.Ltmp8:
0xe9: {  	_ = 	snop;
	(pc) =	sbr.rel @!p2 .LBB2_10-.Ltmp8, $4  }
0xea: {  	v9 =	vor.u32 s23, v0  }
0xeb: {  	vm0 =	vgt.s32 v6, v9  }
0xec: {  	s25 =	simm.s32 $0x4010;
	v8 =	vnsel vm0, $0x7F800000, v8  }
0xed: {  	s26 =	sadd.s32 $0xFFFFFFFF, s24;
	p0 =	por $0x1, $0x1;
	(xrf1) =	vsort.ascd.msk.f32 $0xffff, v8, v8;
	v8 =	vld [tilespmem:s25+$0x0]  }
0xee: {  	_ =	sdelay $0xa  }
0xef: {  	s24 =	simm.s32 $0x10  }
0xf0: {  	v9 =	vor.u32 s24, v0  }
0xf1: {  	vm0 =	vgt.s32 v6, v9;
	v10, _, _ =	vpop (xrf1)  }
0xf2: {  	v8 =	vnsel vm0, $0x7F800000, v8;
	v9 =	vperm.xlane v10, v3  }
0xf3: {  	(xrf1) =	vsort.ascd.msk.f32 $0xffff, v8, v8  }
0xf4: {  	v8 =	vmin.f32 v7, v9  }
0xf5: {  	(xrf1) =	vsort.ascd.msk.f32 $0xffff, v8, v8;
	_ =	sdelay $0x2  }
0xf6: {  	p2 =	sne.s32 s26, $0x1  }
.Ltmp9:
0xf7: {  	_ = 	snop;
	(pc) =	sbr.rel @!p2 .LBB2_13-.Ltmp9, $3  }
0xf8: {  	_ =	sdelay $0x1  }
0xf9: {  	s25 =	simm.s32 $0x4020  }
0xfa: {  	s26 =	sadd.s32 $0xFFFFFFFF, s26;
	p1 =	por $0x1, $0x1;
	v8 =	vld [tilespmem:s25+$0x0]  }
.LBB2_12:
0xfb: {  	p2 =	sne.s32 s26, $0x1  }
0xfc: {  	s24 =	sadd.s32 $0x10, s24  }
0xfd: {  	v10 =	vor.u32 s24, v0  }
0xfe: {  	vm0 =	vgt.s32 v6, v10;
	v9, _, _ =	vpop (xrf1)  }
0xff: {  	v10 =	vnsel vm0, $0x7F800000, v8;
	v9 =	vperm.xlane v9, v3  }
0x100: {  	(xrf1) =	vsort.ascd.msk.f32 $0xffff, v10, v10;
	v8, _, _ =	vpop (xrf1)  }
0x101: {  	v8 =	vmin.f32 v8, v9  }
0x102: {  	(xrf1) =	vsort.ascd.msk.f32 $0xffff, v8, v8;
	_ =	sdelay $0x3  }
.Ltmp10:
0x103: {  	(pc) =	sbr.rel @p2 .LBB2_12-.Ltmp10, $3  }
0x104: {  	_ =	sdelay $0x1  }
0x105: {  	s25 =	sadd.s32 $0x10, s25  }
0x106: {  	s26 =	sadd.s32 $0xFFFFFFFF, s26;
	v8 =	vld [tilespmem:s25+$0x0]  }
.LBB2_13:
0x107: {  	s24 =	sadd.s32 @p0 $0x10, s24  }
0x108: {  	s23 =	smov.u32 @p0 s24  }
0x109: {  	v9 =	vor.u32 s23, v0;
	_ =	sdelay $0x1  }
0x10a: {  	v10, _, _ =	vpop @p0 (xrf1)  }
0x10b: {  	vm0 =	vgt.s32 v6, v9;
	v6 =	vperm.xlane @p0 v10, v3;
	v9, _, _ =	vpop @p1 (xrf1)  }
0x10c: {  	v8 =	vnsel vm0, $0x7F800000, v8;
	v9 =	vpsel p1, v9, v7  }
0x10d: {  	(xrf1) =	vsort.ascd.msk.f32 $0xffff, v8, v8;
	v6 =	vmin.f32 @p0 v9, v6  }
0x10e: {  	(xrf1) =	vsort.ascd.msk.f32 @p0 $0xffff, v6, v6;
	_ =	sdelay $0xc  }
0x10f: {  	v6, _, _ =	vpop (xrf1)  }
0x110: {  	v6 =	vperm.xlane v6, v3;
	v8, _, _ =	vpop @p0 (xrf1)  }
0x111: {  	v8 =	vpsel p0, v8, v7  }
0x112: {  	v6 =	vmin.f32 v8, v6  }
0x113: {  	(xrf1) =	vsort.ascd.msk.f32 $0xffff, v6, v6;
	_ =	sdelay $0xd  }
0x114: {  	v8, _, _ =	vpop (xrf1)  }
.LBB2_14:
0x115: {  	v6 =	vshra.s32 v8, $0x1  }
0x116: {  	v6 =	vadd.s32 $0x1FBD1DF5, v6  }
0x117: {  	(erf) = vrcp.f32 v6;
	_ =	sdelay $0x8  }
0x118: {  	v9 =	vpop (erf)  }
0x119: {  	v9 =	vmul.f32 v9, v8;
	_ =	sdelay $0x1  }
0x11a: {  	v6 =	vadd.f32 v6, v9;
	_ =	sdelay $0x1  }
0x11b: {  	v6 =	vmul.f32 $5.000000000e-01, v6;
	_ =	sdelay $0x1  }
0x11c: {  	(erf) = vrcp.f32 v6;
	_ =	sdelay $0x8  }
0x11d: {  	v9 =	vpop (erf)  }
0x11e: {  	v9 =	vmul.f32 v9, v8;
	_ =	sdelay $0x1  }
0x11f: {  	v6 =	vadd.f32 v9, v6;
	_ =	sdelay $0x1  }
0x120: {  	v6 =	vmul.f32 $5.000000000e-01, v6;
	_ =	sdelay $0x1  }
0x121: {  	(erf) = vrcp.f32 v6;
	_ =	sdelay $0x8  }
0x122: {  	v9 =	vpop (erf)  }
0x123: {  	v8 =	vmul.f32 v9, v8;
	_ =	sdelay $0x1  }
0x124: {  	v6 =	vadd.f32 v8, v6;
	_ =	sdelay $0x1  }
0x125: {  	v6 =	vmul.f32 $5.000000000e-01, v6;
	_ =	sdelay $0x1  }
0x126: {  	v8 =	vnsel vm1, $0xFF800000, v6  }
0x127: {  	(xrf0) =	vmax.scan.msk.f32 $0xffff, v8;
	_ =	sdelay $0x5  }
0x128: {  	v8, _, _ =	vpop (xrf0)  }
0x129: {  	v8 =	vbroadcast v8, $0xF;
	_ =	sdelay $0x1  }
0x12a: {  	v8 =	vsub.f32 v6, v8;
	_ =	sdelay $0x1  }
0x12b: {  	v8 =	vmul.f32 $1.442695020e+00, v8;
	_ =	sdelay $0x1  }
0x12c: {  	(erf) = vpow2.f32 v8;
	_ =	sdelay $0x8  }
0x12d: {  	v8 =	vpop (erf)  }
0x12e: {  	v9 =	vnsel vm1, $0x0, v8  }
0x12f: {  	(xrf2) =	vadd.scan.msk.f32 $0xffff, v9;
	_ =	sdelay $0x9  }
0x130: {  	v9, _, _ =	vpop (xrf2)  }
0x131: {  	v9 =	vbroadcast v9, $0xF;
	_ =	sdelay $0x1  }
0x132: {  	(erf) = vrcp.f32 v9;
	_ =	sdelay $0x8  }
0x133: {  	v9 =	vpop (erf)  }
0x134: {  	v8 =	vmul.f32 v9, v8;
	_ =	sdelay $0x1  }
0x135: {  	v8 =	vsub.f32 $1.000000000e+00, v8  }
0x136: {  	v10 =	vmov s22  }
0x137: {  	v9 =	vand.u32 $0xFFFFFFFE, v10;
	v6 =	vmul.f32 v8, v6;
	v8 =	vld [tilespmem:$0x1FFF0]  }
0x138: {  	v9 =	vbroadcast v9, $0x0;
	_ =	sdelay $0x1  }
0x139: {  	s30 =	sadd.s32 s22, s6  }
0x13a: {  	s23 =	sshll.u32 s30, $0x4  }
0x13b: {  	s22 =	sshll.u32 s30, $0xA;
	s23 =	sand.u32 $0x70, s23;
	vm0 =	vnez.u8 v8  }
0x13c: {  	s22 =	sand.u32 $0xFFFE000, s22;
	s23 =	sadd.s32 s2, s23;
	v6 =	vnsel vm0, $0xFF800000, v6  }
0x13d: {  	s22 =	sadd.s32 s22, s23;
	[tilespmem:v9+s15+$0x0] =	vst.idx.msk $0x1, v6  }
0x13e: {  	[tilespmem:s3], [sflag:$0x1] =	stream.strided.gather [hbm4b:s22+s10], $0x2000, s11, s10, $0x38;
	[tilespmem:$0x6180] =	vst v63  }
0x13f: {  	_ =	swait.ge [sflag:s16], $0x2000  }
0x140: {  	[sflag:s16] =	ssyncset.done $0x0  }
0x141: {  	s31 =	simm.s32 $0x2100;
	[sflag:s16] =	ssyncadd.s32 $0xFFFFE000  }
0x142: {  	v10 =	vld [tilespmem:s31+$0xFFFFFF00]  }
0x143: {  	v11 =	vld [tilespmem:s31+$0xFFFFFF40]  }
0x144: {  	v12 =	vld [tilespmem:s31+$0xFFFFFF80]  }
0x145: {  	v9 =	vld [tilespmem:s31+$0xFFFFFFC0]  }
0x146: {  	v8 =	vld [tilespmem:s31+$0x0]  }
0x147: {  	v10 =	vmin.f32 v7, v10;
	v7 =	vld [tilespmem:s31+$0x40]  }
0x148: {  	v11 =	vmin.f32 v10, v11;
	v10 =	vld [tilespmem:s31+$0x80]  }
0x149: {  	s23 =	simm.s32 $0x2300;
	s22 =	simm.s32 $0x0;
	v12 =	vmin.f32 v11, v12;
	v11 =	vld [tilespmem:s31+$0xC0]  }
.LBB2_15:
0x14a: {  	v13 =	vld [tilespmem:s23+$0xFFFFFF00];
	s22 =	sadd.s32 $0x8, s22;
	v9 =	vmin.f32 v12, v9  }
0x14b: {  	v12 =	vld [tilespmem:s23+$0xFFFFFF40];
	p0 =	slt.u32 s22, $0x78;
	v8 =	vmin.f32 v9, v8  }
0x14c: {  	v14 =	vld [tilespmem:s23+$0xFFFFFF80];
	v7 =	vmin.f32 v8, v7  }
.Ltmp11:
0x14d: {  	v9 =	vld [tilespmem:s23+$0xFFFFFFC0];
	v7 =	vmin.f32 v7, v10;
	(pc) =	sbr.rel @p0 .LBB2_15-.Ltmp11, $4  }
0x14e: {  	v8 =	vld [tilespmem:s23+$0x0];
	v7 =	vmin.f32 v7, v11  }
0x14f: {  	v10 =	vmin.f32 v7, v13;
	v7 =	vld [tilespmem:s23+$0x40]  }
0x150: {  	v11 =	vmin.f32 v10, v12;
	v10 =	vld [tilespmem:s23+$0x80]  }
0x151: {  	v12 =	vmin.f32 v11, v14;
	v11 =	vld [tilespmem:s23+$0xC0];
	s23 =	sadd.s32 $0x200, s23  }
0x152: {  	v9 =	vmin.f32 v12, v9  }
0x153: {  	v8 =	vmin.f32 v9, v8  }
0x154: {  	v7 =	vmin.f32 v8, v7  }
0x155: {  	v7 =	vmin.f32 v7, v10  }
0x156: {  	v7 =	vmin.f32 v7, v11  }
0x157: {  	(xrf1) =	vsort.ascd.msk.f32 $0xffff, v7, v7;
	_ =	sdelay $0xd  }
0x158: {  	vm0 =	vcmask $0x2328;
	v7, _, _ =	vpop (xrf1)  }
0x159: {  	v7 =	vsel vm0, $0xFF800000, v7  }
0x15a: {  	(xrf0) =	vmax.scan.msk.f32 $0xffff, v7;
	_ =	sdelay $0x2  }
0x15b: {  	s22 =	simm.s32 $0x2080  }
0x15c: {  	v18 =	vld [tilespmem:s22+$0xFFFFFF80]  }
0x15d: {  	v8 =	vld [tilespmem:s22+$0xFFFFFF90]  }
0x15e: {  	v9 =	vld [tilespmem:s22+$0xFFFFFFA0];
	v7, _, _ =	vpop (xrf0)  }
0x15f: {  	v10 =	vld [tilespmem:s22+$0xFFFFFFB0];
	v7 =	vbroadcast v7, $0xF  }
0x160: {  	v11 =	vld [tilespmem:s22+$0xFFFFFFC0]  }
0x161: {  	v12 =	vld [tilespmem:s22+$0xFFFFFFD0];
	vm0 =	vle.f32 v18, v7  }
0x162: {  	v19 =	vlaneseq.u32;
	v13 =	vld [tilespmem:s22+$0xFFFFFFE0];
	vm3 =	vle.f32 v8, v7;
	v14 =	vsel vm0, $0x10, v2  }
0x163: {  	vm4 =	vle.f32 v9, v7;
	v15 =	vsel vm3, $0x10, v2;
	v20 =	vadd.s32 v19, v14;
	v14 =	vld [tilespmem:s22+$0xFFFFFFF0]  }
0x164: {  	vm5 =	vle.f32 v10, v7;
	v16 =	vsel vm4, $0x10, v2;
	v21 =	vadd.s32 v20, v15;
	v15 =	vld [tilespmem:s22+$0x0]  }
0x165: {  	vm6 =	vle.f32 v11, v7;
	v17 =	vsel vm5, $0x10, v2;
	v22 =	vadd.s32 v21, v16;
	v16 =	vld [tilespmem:s22+$0x10]  }
0x166: {  	vm7 =	vle.f32 v12, v7;
	v24 =	vsel vm6, $0x10, v2;
	v23 =	vadd.s32 v22, v17;
	v17 =	vld [tilespmem:s22+$0x20]  }
0x167: {  	s23 =	simm.s32 $0x0;
	vm8 =	vle.f32 v13, v7;
	[tilespmem:v19+s14+$0x0] =	vst.idx.msk vm0, v18;
	v24 =	vadd.s32 v23, v24;
	v19 =	vsel vm7, $0x10, v2;
	v18 =	vld [tilespmem:s22+$0x30]  }
.LBB2_17:
0x168: {  	s23 =	sadd.s32 $0x10, s23;
	[tilespmem:v20+s14+$0x0] =	vst.idx.msk vm3, v8;
	v19 =	vadd.s32 v24, v19;
	v8 =	vsel vm8, $0x10, v2;
	vm3 =	vle.f32 v14, v7;
	v25 =	vld [tilespmem:s22+$0x40]  }
0x169: {  	p0 =	slt.u32 s23, $0x1F0;
	[tilespmem:v21+s14+$0x0] =	vst.idx.msk vm4, v9;
	v20 =	vadd.s32 v19, v8;
	v8 =	vsel vm3, $0x10, v2;
	vm9 =	vle.f32 v15, v7;
	v26 =	vld [tilespmem:s22+$0x50]  }
0x16a: {  	[tilespmem:v22+s14+$0x0] =	vst.idx.msk vm5, v10;
	v21 =	vadd.s32 v20, v8;
	v8 =	vsel vm9, $0x10, v2;
	vm10 =	vle.f32 v16, v7;
	v27 =	vld [tilespmem:s22+$0x60]  }
0x16b: {  	[tilespmem:v23+s14+$0x0] =	vst.idx.msk vm6, v11;
	v22 =	vadd.s32 v21, v8;
	v8 =	vsel vm10, $0x10, v2;
	vm4 =	vle.f32 v17, v7;
	v28 =	vld [tilespmem:s22+$0x70];
	s22 =	sadd.s32 $0x100, s22  }
0x16c: {  	v29 =	vld [tilespmem:s22+$0xFFFFFF80];
	[tilespmem:v24+s14+$0x0] =	vst.idx.msk vm7, v12;
	v23 =	vadd.s32 v22, v8;
	v9 =	vsel vm4, $0x10, v2;
	vm11 =	vle.f32 v18, v7  }
0x16d: {  	v8 =	vld [tilespmem:s22+$0xFFFFFF90];
	[tilespmem:v19+s14+$0x0] =	vst.idx.msk vm8, v13;
	v19 =	vadd.s32 v23, v9;
	v10 =	vsel vm11, $0x10, v2;
	vm5 =	vle.f32 v25, v7  }
0x16e: {  	v9 =	vld [tilespmem:s22+$0xFFFFFFA0];
	[tilespmem:v20+s14+$0x0] =	vst.idx.msk vm3, v14;
	v24 =	vadd.s32 v19, v10;
	v11 =	vsel vm5, $0x10, v2;
	vm6 =	vle.f32 v26, v7  }
0x16f: {  	v10 =	vld [tilespmem:s22+$0xFFFFFFB0];
	[tilespmem:v21+s14+$0x0] =	vst.idx.msk vm9, v15;
	v30 =	vadd.s32 v24, v11;
	v12 =	vsel vm6, $0x10, v2;
	vm7 =	vle.f32 v27, v7  }
0x170: {  	v11 =	vld [tilespmem:s22+$0xFFFFFFC0];
	[tilespmem:v22+s14+$0x0] =	vst.idx.msk vm10, v16;
	v31 =	vadd.s32 v30, v12;
	v13 =	vsel vm7, $0x10, v2;
	vm9 =	vle.f32 v28, v7  }
0x171: {  	vm8 =	vle.f32 v29, v7;
	v12 =	vld [tilespmem:s22+$0xFFFFFFD0];
	[tilespmem:v23+s14+$0x0] =	vst.idx.msk vm4, v17;
	v32 =	vadd.s32 v31, v13;
	v14 =	vsel vm9, $0x10, v2  }
0x172: {  	v15 =	vsel vm8, $0x10, v2;
	vm3 =	vle.f32 v8, v7;
	v13 =	vld [tilespmem:s22+$0xFFFFFFE0];
	[tilespmem:v19+s14+$0x0] =	vst.idx.msk vm11, v18;
	v18 =	vadd.s32 v32, v14  }
.Ltmp12:
0x173: {  	v20 =	vadd.s32 v18, v15;
	v15 =	vsel vm3, $0x10, v2;
	vm4 =	vle.f32 v9, v7;
	v14 =	vld [tilespmem:s22+$0xFFFFFFF0];
	[tilespmem:v24+s14+$0x0] =	vst.idx.msk vm5, v25;
	(pc) =	sbr.rel @p0 .LBB2_17-.Ltmp12, $4  }
0x174: {  	v21 =	vadd.s32 v20, v15;
	v16 =	vsel vm4, $0x10, v2;
	vm5 =	vle.f32 v10, v7;
	v15 =	vld [tilespmem:s22+$0x0];
	[tilespmem:v30+s14+$0x0] =	vst.idx.msk vm6, v26  }
0x175: {  	v22 =	vadd.s32 v21, v16;
	v17 =	vsel vm5, $0x10, v2;
	vm6 =	vle.f32 v11, v7;
	v16 =	vld [tilespmem:s22+$0x10];
	[tilespmem:v31+s14+$0x0] =	vst.idx.msk vm7, v27  }
0x176: {  	v23 =	vadd.s32 v22, v17;
	v19 =	vsel vm6, $0x10, v2;
	vm7 =	vle.f32 v12, v7;
	v17 =	vld [tilespmem:s22+$0x20];
	[tilespmem:v32+s14+$0x0] =	vst.idx.msk vm9, v28  }
0x177: {  	[tilespmem:v18+s14+$0x0] =	vst.idx.msk vm8, v29;
	v24 =	vadd.s32 v23, v19;
	v19 =	vsel vm7, $0x10, v2;
	vm8 =	vle.f32 v13, v7;
	v18 =	vld [tilespmem:s22+$0x30]  }
0x178: {  	v25 =	vadd.s32 v24, v19;
	v19 =	vsel vm8, $0x10, v2;
	vm9 =	vle.f32 v14, v7;
	v26 =	vld [tilespmem:s22+$0x40]  }
0x179: {  	v28 =	vld [tilespmem:s22+$0x50];
	v27 =	vadd.s32 v25, v19;
	v19 =	vsel vm9, $0x10, v2;
	vm10 =	vle.f32 v15, v7  }
0x17a: {  	v30 =	vld [tilespmem:s22+$0x60];
	v29 =	vadd.s32 v27, v19;
	v19 =	vsel vm10, $0x10, v2;
	vm11 =	vle.f32 v16, v7  }
0x17b: {  	v32 =	vld [tilespmem:s22+$0x70];
	v31 =	vadd.s32 v29, v19;
	v19 =	vsel vm11, $0x10, v2;
	vm12 =	vle.f32 v17, v7  }
0x17c: {  	v33 =	vadd.s32 v31, v19;
	v19 =	vsel vm12, $0x10, v2;
	vm0 =	vle.f32 v18, v7  }
0x17d: {  	v34 =	vadd.s32 v33, v19;
	v19 =	vsel vm0, $0x10, v2;
	vm2 =	vle.f32 v26, v7  }
0x17e: {  	vm13 =	vle.f32 v28, v7;
	v35 =	vadd.s32 v34, v19;
	v19 =	vsel vm2, $0x10, v2  }
0x17f: {  	vm14 =	vle.f32 v30, v7;
	v36 =	vadd.s32 v35, v19;
	v19 =	vsel vm13, $0x10, v2  }
0x180: {  	vm15 =	vle.f32 v32, v7;
	v37 =	vadd.s32 v36, v19;
	v19 =	vsel vm14, $0x10, v2  }
0x181: {  	v7 =	vadd.s32 v37, v19;
	v19 =	vsel vm15, $0x10, v2  }
0x182: {  	v19 =	vadd.s32 v7, v19  }
0x183: {  	v38 =	vadd.s32 v1, v19  }
0x184: {  	v38 =	vshra.s32 v38, $0x4  }
0x185: {  	v38 =	vxor.u32 $0x80000000, v38  }
0x186: {  	(xrf0) =	vmax.scan.msk.u32 $0xffff, v38;
	_ =	sdelay $0x5  }
0x187: {  	v38, _, _ =	vpop (xrf0)  }
0x188: {  	(v2sf) =	vpush v38, $0xF;
	_ =	sdelay $0x7  }
0x189: {  	[tilespmem:v20+s14+$0x0] =	vst.idx.msk vm3, v8  }
0x18a: {  	[tilespmem:v21+s14+$0x0] =	vst.idx.msk vm4, v9  }
0x18b: {  	[tilespmem:v22+s14+$0x0] =	vst.idx.msk vm5, v10  }
0x18c: {  	[tilespmem:v23+s14+$0x0] =	vst.idx.msk vm6, v11  }
0x18d: {  	[tilespmem:v24+s14+$0x0] =	vst.idx.msk vm7, v12  }
0x18e: {  	[tilespmem:v25+s14+$0x0] =	vst.idx.msk vm8, v13  }
0x18f: {  	[tilespmem:v27+s14+$0x0] =	vst.idx.msk vm9, v14  }
0x190: {  	[tilespmem:v29+s14+$0x0] =	vst.idx.msk vm10, v15;
	s31 =	spop (v2sf)  }
0x191: {  	[tilespmem:v31+s14+$0x0] =	vst.idx.msk vm11, v16;
	s23 =	sxor.u32 $0x80000000, s31  }
0x192: {  	[tilespmem:v33+s14+$0x0] =	vst.idx.msk vm12, v17;
	p0 =	slt.s32 s23, $0x1  }
.Ltmp13:
0x193: {  	[tilespmem:v34+s14+$0x0] =	vst.idx.msk vm0, v18;
	(pc) =	sbr.rel @p0 .LBB2_26-.Ltmp13, $4  }
0x194: {  	[tilespmem:v35+s14+$0x0] =	vst.idx.msk vm2, v26  }
0x195: {  	[tilespmem:v36+s14+$0x0] =	vst.idx.msk vm13, v28  }
0x196: {  	[tilespmem:v37+s14+$0x0] =	vst.idx.msk vm14, v30  }
0x197: {  	[tilespmem:v7+s14+$0x0] =	vst.idx.msk vm15, v32;
	v7 =	vimm.f32 $+Inf  }
0x198: {  	p2 =	sne.s32 s23, $0x1  }
.Ltmp14:
0x199: {  	_ = 	snop;
	(pc) =	sbr.rel @!p2 .LBB2_20-.Ltmp14, $3  }
0x19a: {  	_ =	sdelay $0x1  }
0x19b: {  	s24 =	simm.s32 $0x4000;
	s22 =	simm.s32 $0x0  }
0x19c: {  	s23 =	sadd.s32 $0xFFFFFFFF, s23;
	p0 =	por $0x0, $0x0;
	p1 =	por $0x0, $0x0;
	v8 =	vld [tilespmem:s24+$0x0]  }
0x19d: {  	_ =	sdelay $0x1  }
0x19e: {  	v9 =	vor.u32 s22, v0  }
0x19f: {  	vm0 =	vgt.s32 v19, v9  }
0x1a0: {  	v8 =	vnsel vm0, $0x7F800000, v8  }
0x1a1: {  	(xrf1) =	vsort.ascd.msk.f32 $0xffff, v8, v8;
	_ =	sdelay $0x5  }
0x1a2: {  	p2 =	sne.s32 s23, $0x1  }
.Ltmp15:
0x1a3: {  	_ = 	snop;
	(pc) =	sbr.rel @!p2 .LBB2_22-.Ltmp15, $3  }
0x1a4: {  	_ =	sdelay $0x1  }
0x1a5: {  	s24 =	simm.s32 $0x4010  }
0x1a6: {  	s25 =	sadd.s32 $0xFFFFFFFF, s23;
	p0 =	por $0x1, $0x1;
	v8 =	vld [tilespmem:s24+$0x0]  }
0x1a7: {  	_ = 	snop  }
0x1a8: {  	s23 =	simm.s32 $0x10  }
0x1a9: {  	v9 =	vor.u32 s23, v0;
	v10, _, _ =	vpop (xrf1)  }
0x1aa: {  	vm0 =	vgt.s32 v19, v9;
	v9 =	vperm.xlane v10, v3  }
0x1ab: {  	v8 =	vnsel vm0, $0x7F800000, v8  }
0x1ac: {  	(xrf1) =	vsort.ascd.msk.f32 $0xffff, v8, v8;
	v8 =	vmin.f32 v7, v9  }
0x1ad: {  	(xrf1) =	vsort.ascd.msk.f32 $0xffff, v8, v8;
	_ =	sdelay $0x4  }
0x1ae: {  	p2 =	sne.s32 s25, $0x1  }
.Ltmp16:
0x1af: {  	_ = 	snop;
	(pc) =	sbr.rel @!p2 .LBB2_25-.Ltmp16, $3  }
0x1b0: {  	_ =	sdelay $0x1  }
0x1b1: {  	s24 =	simm.s32 $0x4020  }
0x1b2: {  	s25 =	sadd.s32 $0xFFFFFFFF, s25;
	p1 =	por $0x1, $0x1;
	v8 =	vld [tilespmem:s24+$0x0]  }
.LBB2_24:
0x1b3: {  	p2 =	sne.s32 s25, $0x1  }
0x1b4: {  	s23 =	sadd.s32 $0x10, s23  }
0x1b5: {  	v10 =	vor.u32 s23, v0  }
0x1b6: {  	vm0 =	vgt.s32 v19, v10;
	v9, _, _ =	vpop (xrf1)  }
0x1b7: {  	v10 =	vnsel vm0, $0x7F800000, v8;
	v9 =	vperm.xlane v9, v3  }
0x1b8: {  	(xrf1) =	vsort.ascd.msk.f32 $0xffff, v10, v10;
	v8, _, _ =	vpop (xrf1)  }
0x1b9: {  	v8 =	vmin.f32 v8, v9  }
0x1ba: {  	(xrf1) =	vsort.ascd.msk.f32 $0xffff, v8, v8;
	_ =	sdelay $0x3  }
.Ltmp17:
0x1bb: {  	(pc) =	sbr.rel @p2 .LBB2_24-.Ltmp17, $3  }
0x1bc: {  	_ =	sdelay $0x1  }
0x1bd: {  	s24 =	sadd.s32 $0x10, s24  }
0x1be: {  	s25 =	sadd.s32 $0xFFFFFFFF, s25;
	v8 =	vld [tilespmem:s24+$0x0]  }
.Ltmp18:
0x1bf: {  	_ = 	snop;
	(pc) =	sbr.rel .LBB2_25-.Ltmp18, $1  }
0x1c0: {  	_ =	sdelay $0x3  }
.LBB2_8:
.Ltmp19:
0x1c1: {  	(pc) =	sbr.rel .LBB2_13-.Ltmp19, $2  }
0x1c2: {  	_ =	sdelay $0x2  }
0x1c3: {  	s24 =	simm.s32 $0x0  }
.LBB2_10:
.Ltmp20:
0x1c4: {  	(pc) =	sbr.rel .LBB2_13-.Ltmp20, $2  }
0x1c5: {  	_ =	sdelay $0x2  }
0x1c6: {  	s24 =	simm.s32 $0x0  }
.LBB2_22:
.Ltmp21:
0x1c7: {  	(pc) =	sbr.rel .LBB2_25-.Ltmp21, $2  }
0x1c8: {  	_ =	sdelay $0x2  }
0x1c9: {  	s23 =	simm.s32 $0x0  }
.LBB2_27:
0x1ca: {  	_ =	swait.ge [sflag:s13], $0x2000  }
0x1cb: {  	[sflag:s13] =	ssyncset.done $0x0  }
0x1cc: {  	s21 =	simm.s32 $0x100;
	[sflag:s13] =	ssyncadd.s32 $0xFFFFE000  }
0x1cd: {  	v8 =	vld [tilespmem:s21+$0xFFFFFF00]  }
0x1ce: {  	v9 =	vld [tilespmem:s21+$0xFFFFFF40]  }
0x1cf: {  	v10 =	vld [tilespmem:s21+$0xFFFFFF80]  }
0x1d0: {  	v6 =	vld [tilespmem:s21+$0xFFFFFFC0]  }
0x1d1: {  	v11 =	vimm.f32 $+Inf;
	v7 =	vld [tilespmem:s21+$0x0]  }
0x1d2: {  	v11 =	vmin.f32 v11, v8;
	v8 =	vld [tilespmem:s21+$0x40]  }
0x1d3: {  	v11 =	vmin.f32 v11, v9;
	v9 =	vld [tilespmem:s21+$0x80]  }
0x1d4: {  	s20 =	simm.s32 $0x0;
	v11 =	vmin.f32 v11, v10;
	v10 =	vld [tilespmem:s21+$0xC0];
	s21 =	simm.s32 $0x300  }
.LBB2_28:
0x1d5: {  	v12 =	vld [tilespmem:s21+$0xFFFFFF00];
	s20 =	sadd.s32 $0x8, s20;
	v6 =	vmin.f32 v11, v6  }
0x1d6: {  	v11 =	vld [tilespmem:s21+$0xFFFFFF40];
	p0 =	slt.u32 s20, $0x78;
	v6 =	vmin.f32 v6, v7  }
0x1d7: {  	v13 =	vld [tilespmem:s21+$0xFFFFFF80];
	v7 =	vmin.f32 v6, v8  }
.Ltmp22:
0x1d8: {  	v6 =	vld [tilespmem:s21+$0xFFFFFFC0];
	v8 =	vmin.f32 v7, v9;
	(pc) =	sbr.rel @p0 .LBB2_28-.Ltmp22, $4  }
0x1d9: {  	v7 =	vld [tilespmem:s21+$0x0];
	v8 =	vmin.f32 v8, v10  }
0x1da: {  	v9 =	vmin.f32 v8, v12;
	v8 =	vld [tilespmem:s21+$0x40]  }
0x1db: {  	v10 =	vmin.f32 v9, v11;
	v9 =	vld [tilespmem:s21+$0x80]  }
0x1dc: {  	v11 =	vmin.f32 v10, v13;
	v10 =	vld [tilespmem:s21+$0xC0];
	s21 =	sadd.s32 $0x200, s21  }
0x1dd: {  	v6 =	vmin.f32 v11, v6  }
0x1de: {  	v6 =	vmin.f32 v6, v7  }
0x1df: {  	v6 =	vmin.f32 v6, v8  }
0x1e0: {  	v6 =	vmin.f32 v6, v9  }
0x1e1: {  	v6 =	vmin.f32 v6, v10  }
0x1e2: {  	(xrf1) =	vsort.ascd.msk.f32 $0xffff, v6, v6;
	_ =	sdelay $0xd  }
0x1e3: {  	vm0 =	vcmask $0x2328;
	v6, _, _ =	vpop (xrf1)  }
0x1e4: {  	v6 =	vsel vm0, $0xFF800000, v6  }
0x1e5: {  	(xrf0) =	vmax.scan.msk.f32 $0xffff, v6;
	_ =	sdelay $0x2  }
0x1e6: {  	s20 =	simm.s32 $0x80  }
0x1e7: {  	v17 =	vld [tilespmem:s20+$0xFFFFFF80]  }
0x1e8: {  	v7 =	vld [tilespmem:s20+$0xFFFFFF90]  }
0x1e9: {  	v8 =	vld [tilespmem:s20+$0xFFFFFFA0];
	v6, _, _ =	vpop (xrf0)  }
0x1ea: {  	v9 =	vld [tilespmem:s20+$0xFFFFFFB0];
	v6 =	vbroadcast v6, $0xF  }
0x1eb: {  	v10 =	vld [tilespmem:s20+$0xFFFFFFC0]  }
0x1ec: {  	v11 =	vld [tilespmem:s20+$0xFFFFFFD0];
	vm0 =	vle.f32 v17, v6  }
0x1ed: {  	v18 =	vlaneseq.u32;
	v12 =	vld [tilespmem:s20+$0xFFFFFFE0];
	vm3 =	vle.f32 v7, v6;
	v13 =	vsel vm0, $0x10, v2  }
0x1ee: {  	vm4 =	vle.f32 v8, v6;
	v14 =	vsel vm3, $0x10, v2;
	v19 =	vadd.s32 v18, v13;
	v13 =	vld [tilespmem:s20+$0xFFFFFFF0]  }
0x1ef: {  	vm5 =	vle.f32 v9, v6;
	v15 =	vsel vm4, $0x10, v2;
	v20 =	vadd.s32 v19, v14;
	v14 =	vld [tilespmem:s20+$0x0]  }
0x1f0: {  	vm6 =	vle.f32 v10, v6;
	v16 =	vsel vm5, $0x10, v2;
	v21 =	vadd.s32 v20, v15;
	v15 =	vld [tilespmem:s20+$0x10]  }
0x1f1: {  	vm7 =	vle.f32 v11, v6;
	v23 =	vsel vm6, $0x10, v2;
	v22 =	vadd.s32 v21, v16;
	v16 =	vld [tilespmem:s20+$0x20]  }
0x1f2: {  	s21 =	simm.s32 $0x0;
	vm8 =	vle.f32 v12, v6;
	[tilespmem:v18+s14+$0x0] =	vst.idx.msk vm0, v17;
	v23 =	vadd.s32 v22, v23;
	v18 =	vsel vm7, $0x10, v2;
	v17 =	vld [tilespmem:s20+$0x30]  }
.LBB2_30:
0x1f3: {  	s21 =	sadd.s32 $0x10, s21;
	[tilespmem:v19+s14+$0x0] =	vst.idx.msk vm3, v7;
	v18 =	vadd.s32 v23, v18;
	v7 =	vsel vm8, $0x10, v2;
	vm3 =	vle.f32 v13, v6;
	v24 =	vld [tilespmem:s20+$0x40]  }
0x1f4: {  	p0 =	slt.u32 s21, $0x1F0;
	[tilespmem:v20+s14+$0x0] =	vst.idx.msk vm4, v8;
	v19 =	vadd.s32 v18, v7;
	v7 =	vsel vm3, $0x10, v2;
	vm9 =	vle.f32 v14, v6;
	v25 =	vld [tilespmem:s20+$0x50]  }
0x1f5: {  	[tilespmem:v21+s14+$0x0] =	vst.idx.msk vm5, v9;
	v20 =	vadd.s32 v19, v7;
	v7 =	vsel vm9, $0x10, v2;
	vm10 =	vle.f32 v15, v6;
	v26 =	vld [tilespmem:s20+$0x60]  }
0x1f6: {  	[tilespmem:v22+s14+$0x0] =	vst.idx.msk vm6, v10;
	v21 =	vadd.s32 v20, v7;
	v7 =	vsel vm10, $0x10, v2;
	vm4 =	vle.f32 v16, v6;
	v27 =	vld [tilespmem:s20+$0x70];
	s20 =	sadd.s32 $0x100, s20  }
0x1f7: {  	v28 =	vld [tilespmem:s20+$0xFFFFFF80];
	[tilespmem:v23+s14+$0x0] =	vst.idx.msk vm7, v11;
	v22 =	vadd.s32 v21, v7;
	v8 =	vsel vm4, $0x10, v2;
	vm11 =	vle.f32 v17, v6  }
0x1f8: {  	v7 =	vld [tilespmem:s20+$0xFFFFFF90];
	[tilespmem:v18+s14+$0x0] =	vst.idx.msk vm8, v12;
	v18 =	vadd.s32 v22, v8;
	v9 =	vsel vm11, $0x10, v2;
	vm5 =	vle.f32 v24, v6  }
0x1f9: {  	v8 =	vld [tilespmem:s20+$0xFFFFFFA0];
	[tilespmem:v19+s14+$0x0] =	vst.idx.msk vm3, v13;
	v23 =	vadd.s32 v18, v9;
	v10 =	vsel vm5, $0x10, v2;
	vm6 =	vle.f32 v25, v6  }
0x1fa: {  	v9 =	vld [tilespmem:s20+$0xFFFFFFB0];
	[tilespmem:v20+s14+$0x0] =	vst.idx.msk vm9, v14;
	v29 =	vadd.s32 v23, v10;
	v11 =	vsel vm6, $0x10, v2;
	vm7 =	vle.f32 v26, v6  }
0x1fb: {  	v10 =	vld [tilespmem:s20+$0xFFFFFFC0];
	[tilespmem:v21+s14+$0x0] =	vst.idx.msk vm10, v15;
	v30 =	vadd.s32 v29, v11;
	v12 =	vsel vm7, $0x10, v2;
	vm9 =	vle.f32 v27, v6  }
0x1fc: {  	vm8 =	vle.f32 v28, v6;
	v11 =	vld [tilespmem:s20+$0xFFFFFFD0];
	[tilespmem:v22+s14+$0x0] =	vst.idx.msk vm4, v16;
	v31 =	vadd.s32 v30, v12;
	v13 =	vsel vm9, $0x10, v2  }
0x1fd: {  	v14 =	vsel vm8, $0x10, v2;
	vm3 =	vle.f32 v7, v6;
	v12 =	vld [tilespmem:s20+$0xFFFFFFE0];
	[tilespmem:v18+s14+$0x0] =	vst.idx.msk vm11, v17;
	v17 =	vadd.s32 v31, v13  }
.Ltmp23:
0x1fe: {  	v19 =	vadd.s32 v17, v14;
	v14 =	vsel vm3, $0x10, v2;
	vm4 =	vle.f32 v8, v6;
	v13 =	vld [tilespmem:s20+$0xFFFFFFF0];
	[tilespmem:v23+s14+$0x0] =	vst.idx.msk vm5, v24;
	(pc) =	sbr.rel @p0 .LBB2_30-.Ltmp23, $4  }
0x1ff: {  	v20 =	vadd.s32 v19, v14;
	v15 =	vsel vm4, $0x10, v2;
	vm5 =	vle.f32 v9, v6;
	v14 =	vld [tilespmem:s20+$0x0];
	[tilespmem:v29+s14+$0x0] =	vst.idx.msk vm6, v25  }
0x200: {  	v21 =	vadd.s32 v20, v15;
	v16 =	vsel vm5, $0x10, v2;
	vm6 =	vle.f32 v10, v6;
	v15 =	vld [tilespmem:s20+$0x10];
	[tilespmem:v30+s14+$0x0] =	vst.idx.msk vm7, v26  }
0x201: {  	v22 =	vadd.s32 v21, v16;
	v18 =	vsel vm6, $0x10, v2;
	vm7 =	vle.f32 v11, v6;
	v16 =	vld [tilespmem:s20+$0x20];
	[tilespmem:v31+s14+$0x0] =	vst.idx.msk vm9, v27  }
0x202: {  	[tilespmem:v17+s14+$0x0] =	vst.idx.msk vm8, v28;
	v23 =	vadd.s32 v22, v18;
	v18 =	vsel vm7, $0x10, v2;
	vm8 =	vle.f32 v12, v6;
	v17 =	vld [tilespmem:s20+$0x30]  }
0x203: {  	v24 =	vadd.s32 v23, v18;
	v18 =	vsel vm8, $0x10, v2;
	vm9 =	vle.f32 v13, v6;
	v25 =	vld [tilespmem:s20+$0x40]  }
0x204: {  	v27 =	vld [tilespmem:s20+$0x50];
	v26 =	vadd.s32 v24, v18;
	v18 =	vsel vm9, $0x10, v2;
	vm10 =	vle.f32 v14, v6  }
0x205: {  	v29 =	vld [tilespmem:s20+$0x60];
	v28 =	vadd.s32 v26, v18;
	v18 =	vsel vm10, $0x10, v2;
	vm11 =	vle.f32 v15, v6  }
0x206: {  	v31 =	vld [tilespmem:s20+$0x70];
	v30 =	vadd.s32 v28, v18;
	v18 =	vsel vm11, $0x10, v2;
	vm12 =	vle.f32 v16, v6  }
0x207: {  	v32 =	vadd.s32 v30, v18;
	v18 =	vsel vm12, $0x10, v2;
	vm0 =	vle.f32 v17, v6  }
0x208: {  	v33 =	vadd.s32 v32, v18;
	v18 =	vsel vm0, $0x10, v2;
	vm2 =	vle.f32 v25, v6  }
0x209: {  	vm13 =	vle.f32 v27, v6;
	v34 =	vadd.s32 v33, v18;
	v18 =	vsel vm2, $0x10, v2  }
0x20a: {  	vm14 =	vle.f32 v29, v6;
	v35 =	vadd.s32 v34, v18;
	v18 =	vsel vm13, $0x10, v2  }
0x20b: {  	vm15 =	vle.f32 v31, v6;
	v36 =	vadd.s32 v35, v18;
	v18 =	vsel vm14, $0x10, v2  }
0x20c: {  	v6 =	vadd.s32 v36, v18;
	v18 =	vsel vm15, $0x10, v2  }
0x20d: {  	v18 =	vadd.s32 v6, v18  }
0x20e: {  	v37 =	vadd.s32 v1, v18  }
0x20f: {  	v37 =	vshra.s32 v37, $0x4  }
0x210: {  	v37 =	vxor.u32 $0x80000000, v37  }
0x211: {  	(xrf0) =	vmax.scan.msk.u32 $0xffff, v37;
	_ =	sdelay $0x5  }
0x212: {  	v37, _, _ =	vpop (xrf0)  }
0x213: {  	(v2sf) =	vpush v37, $0xF;
	_ =	sdelay $0x7  }
0x214: {  	[tilespmem:v19+s14+$0x0] =	vst.idx.msk vm3, v7  }
0x215: {  	[tilespmem:v20+s14+$0x0] =	vst.idx.msk vm4, v8  }
0x216: {  	[tilespmem:v21+s14+$0x0] =	vst.idx.msk vm5, v9  }
0x217: {  	[tilespmem:v22+s14+$0x0] =	vst.idx.msk vm6, v10  }
0x218: {  	[tilespmem:v23+s14+$0x0] =	vst.idx.msk vm7, v11  }
0x219: {  	[tilespmem:v24+s14+$0x0] =	vst.idx.msk vm8, v12  }
0x21a: {  	[tilespmem:v26+s14+$0x0] =	vst.idx.msk vm9, v13  }
0x21b: {  	[tilespmem:v28+s14+$0x0] =	vst.idx.msk vm10, v14;
	s31 =	spop (v2sf)  }
0x21c: {  	[tilespmem:v30+s14+$0x0] =	vst.idx.msk vm11, v15;
	s21 =	sxor.u32 $0x80000000, s31  }
0x21d: {  	[tilespmem:v32+s14+$0x0] =	vst.idx.msk vm12, v16;
	p0 =	slt.s32 s21, $0x1  }
.Ltmp24:
0x21e: {  	[tilespmem:v33+s14+$0x0] =	vst.idx.msk vm0, v17;
	(pc) =	sbr.rel @p0 .LBB2_39-.Ltmp24, $4  }
0x21f: {  	[tilespmem:v34+s14+$0x0] =	vst.idx.msk vm2, v25  }
0x220: {  	[tilespmem:v35+s14+$0x0] =	vst.idx.msk vm13, v27  }
0x221: {  	[tilespmem:v36+s14+$0x0] =	vst.idx.msk vm14, v29  }
0x222: {  	[tilespmem:v6+s14+$0x0] =	vst.idx.msk vm15, v31;
	v6 =	vimm.f32 $+Inf  }
0x223: {  	p2 =	sne.s32 s21, $0x1  }
.Ltmp25:
0x224: {  	_ = 	snop;
	(pc) =	sbr.rel @!p2 .LBB2_33-.Ltmp25, $3  }
0x225: {  	_ =	sdelay $0x1  }
0x226: {  	s22 =	simm.s32 $0x4000;
	s20 =	simm.s32 $0x0  }
0x227: {  	s21 =	sadd.s32 $0xFFFFFFFF, s21;
	p0 =	por $0x0, $0x0;
	p1 =	por $0x0, $0x0;
	v7 =	vld [tilespmem:s22+$0x0]  }
0x228: {  	_ =	sdelay $0x1  }
0x229: {  	v8 =	vor.u32 s20, v0  }
0x22a: {  	vm0 =	vgt.s32 v18, v8  }
0x22b: {  	v7 =	vnsel vm0, $0x7F800000, v7  }
0x22c: {  	(xrf1) =	vsort.ascd.msk.f32 $0xffff, v7, v7;
	_ =	sdelay $0x5  }
0x22d: {  	p2 =	sne.s32 s21, $0x1  }
.Ltmp26:
0x22e: {  	_ = 	snop;
	(pc) =	sbr.rel @!p2 .LBB2_35-.Ltmp26, $3  }
0x22f: {  	_ =	sdelay $0x1  }
0x230: {  	s22 =	simm.s32 $0x4010  }
0x231: {  	s23 =	sadd.s32 $0xFFFFFFFF, s21;
	p0 =	por $0x1, $0x1;
	v7 =	vld [tilespmem:s22+$0x0]  }
0x232: {  	_ = 	snop  }
0x233: {  	s21 =	simm.s32 $0x10  }
0x234: {  	v8 =	vor.u32 s21, v0;
	v9, _, _ =	vpop (xrf1)  }
0x235: {  	vm0 =	vgt.s32 v18, v8;
	v8 =	vperm.xlane v9, v3  }
0x236: {  	v7 =	vnsel vm0, $0x7F800000, v7  }
0x237: {  	(xrf1) =	vsort.ascd.msk.f32 $0xffff, v7, v7;
	v7 =	vmin.f32 v6, v8  }
0x238: {  	(xrf1) =	vsort.ascd.msk.f32 $0xffff, v7, v7;
	_ =	sdelay $0x4  }
0x239: {  	p2 =	sne.s32 s23, $0x1  }
.Ltmp27:
0x23a: {  	_ = 	snop;
	(pc) =	sbr.rel @!p2 .LBB2_38-.Ltmp27, $3  }
0x23b: {  	_ =	sdelay $0x1  }
0x23c: {  	s22 =	simm.s32 $0x4020  }
0x23d: {  	s23 =	sadd.s32 $0xFFFFFFFF, s23;
	p1 =	por $0x1, $0x1;
	v7 =	vld [tilespmem:s22+$0x0]  }
.LBB2_37:
0x23e: {  	p2 =	sne.s32 s23, $0x1  }
0x23f: {  	s21 =	sadd.s32 $0x10, s21  }
0x240: {  	v9 =	vor.u32 s21, v0  }
0x241: {  	vm0 =	vgt.s32 v18, v9;
	v8, _, _ =	vpop (xrf1)  }
0x242: {  	v9 =	vnsel vm0, $0x7F800000, v7;
	v8 =	vperm.xlane v8, v3  }
0x243: {  	(xrf1) =	vsort.ascd.msk.f32 $0xffff, v9, v9;
	v7, _, _ =	vpop (xrf1)  }
0x244: {  	v7 =	vmin.f32 v7, v8  }
0x245: {  	(xrf1) =	vsort.ascd.msk.f32 $0xffff, v7, v7;
	_ =	sdelay $0x3  }
.Ltmp28:
0x246: {  	(pc) =	sbr.rel @p2 .LBB2_37-.Ltmp28, $3  }
0x247: {  	_ =	sdelay $0x1  }
0x248: {  	s22 =	sadd.s32 $0x10, s22  }
0x249: {  	s23 =	sadd.s32 $0xFFFFFFFF, s23;
	v7 =	vld [tilespmem:s22+$0x0]  }
.Ltmp29:
0x24a: {  	_ = 	snop;
	(pc) =	sbr.rel .LBB2_38-.Ltmp29, $1  }
0x24b: {  	_ =	sdelay $0x3  }
.LBB2_35:
.Ltmp30:
0x24c: {  	(pc) =	sbr.rel .LBB2_38-.Ltmp30, $2  }
0x24d: {  	_ =	sdelay $0x2  }
0x24e: {  	s21 =	simm.s32 $0x0  }
.LBB2_40:
0x24f: {  	_ =	sfence.sel $0x180000  }
0x250: {  	[bflag:$0x0] =	sbarrier.arrive $0xFFFF  }
0x251: {  	p0 =	sne.s32 s0, $0x0;
	_ =	strace $0x90000047  }
0x252: {  	s0 =	sadd.s32 @!p0 $0x100000, s1;
	[bflag:$0x2] =	sbarrier.arrive $0xFFFF  }
0x253: {  	[sflag:s0] =	ssyncadd.tile.s32 @!p0 $0x1;
	_ =	shalt  }
.Lfunc_end2:
_tile_overlayer_lowered:
.L_overlay_start_2:
0x254: {  	(tag) =	ssettag $0x2  }
0x255: {  	s0 =	rddreg [dreg:$0x0];
	s2 =	stileid.u32  }
0x256: {  	s1 =	rddreg [dreg:$0x1];
	p0 =	sne.s32 s2, $0x0  }
0x257: {  	s3 =	rddreg [dreg:$0x2];
	[bflag:$0x3] =	sbarrier.arrive $0xFFFF;
	s2 =	simm.s32 @!p0 $0x1C03  }
0x258: {  	[timem:s3], [sflag:s2] =	dma.local @!p0 [hbm:s0], s1  }
0x259: {  	s0 =	simm.s32 @!p0 $0x3  }
0x25a: {  	_ =	swait.ge @!p0 [sflag:s0], s1  }
0x25b: {  	s1 =	ssub.s32 @!p0 $0x0, s1;
	[sflag:s0] =	ssyncset.done @!p0 $0x0  }
0x25c: {  	[sflag:s0] =	ssyncadd.s32 @!p0 s1  }
0x25d: {  	[bflag:$0x3] =	sbarrier.arrive $0xFFFF  }
0x25e: {  	_ =	shalt  }

</sc_bundles>
